<compile_context>
chip_gen: v7x
topology: tpu7x:2x2x1
jax: 0.10.2.dev20260603
libtpu: 0.0.44.dev20260713+nightly
codegen_flags: <defaults>
</compile_context>

<pallas_src>
import functools

import jax
import jax.numpy as jnp
from jax import lax
from jax.experimental import pallas as pl
from jax.experimental.pallas import tpu as pltpu
from jax.experimental.pallas import tpu_sc as plsc

N = 10000
NP = 10240
E = 320000
D = 128
DH = D // 2

NC = 2
NS = 16
EPT = E // NS
K = 80
NCHUNK = EPT // K
RPT = NP // NS
RCH = 128
NRC = RPT // RCH


def _make_seg_sum(with_deg: bool):
    U = 5 if with_deg else 8
    mesh = plsc.VectorSubcoreMesh(core_axis_name="c", subcore_axis_name="s")
    out_type = [jax.ShapeDtypeStruct((NP, D), jnp.float32)]
    scratch = [
        pltpu.VMEM((NCHUNK, K), jnp.int32),
        pltpu.VMEM((NCHUNK, K), jnp.int32),
        pltpu.VMEM((RCH, DH), jnp.float32),
        pltpu.VMEM_SHARED((NP, DH), jnp.float32),
    ]
    scratch += [pltpu.VMEM((K, DH), jnp.float32) for _ in range(U)]
    scratch += [pltpu.SemaphoreType.DMA for _ in range(U)]
    if with_deg:
        out_type.append(jax.ShapeDtypeStruct((NC, NP, 16), jnp.float32))
        scratch += [
            pltpu.VMEM((K, 16), jnp.float32),
            pltpu.VMEM((RCH, 16), jnp.float32),
            pltpu.VMEM_SHARED((NP, 16), jnp.float32),
        ]

    @functools.partial(
        pl.kernel, mesh=mesh, out_type=tuple(out_type),
        scratch_types=scratch,
        compiler_params=pltpu.CompilerParams(use_tc_tiling_on_sc=False),
    )
    def seg_sum(x_hbm, ei_hbm, z_hbm, zd_hbm, ones_hbm, *rest):
        if with_deg:
            (out_hbm, deg_hbm, src_v, dst_v, cbuf, acc, *gb) = rest
            gbufs, sems = gb[:U], gb[U:2 * U]
            ones_v, cbuf16, accd = gb[2 * U:]
        else:
            out_hbm, src_v, dst_v, cbuf, acc, *gb = rest
            gbufs, sems = gb[:U], gb[U:]
        c = lax.axis_index("c")
        s = lax.axis_index("s")

        pltpu.sync_copy(ei_hbm.at[0].at[s], src_v)
        pltpu.sync_copy(ei_hbm.at[1].at[s], dst_v)
        pltpu.sync_copy(z_hbm, cbuf)
        if with_deg:
            pltpu.sync_copy(ones_hbm, ones_v)
            pltpu.sync_copy(zd_hbm, cbuf16)

        for t in range(NRC):
            row0 = s * RPT + t * RCH
            pltpu.sync_copy(cbuf, acc.at[pl.ds(row0, RCH)])
            if with_deg:
                pltpu.sync_copy(cbuf16, accd.at[pl.ds(row0, RCH)])
        def fix_idx(r, carry):
            for l in range(K // 16):
                sl = pl.ds(l * 16, 16)
                src_v[r, sl] = src_v[r, sl] * 2 + c
            return carry

        lax.fori_loop(0, NCHUNK, fix_idx, 0)
        plsc.subcore_barrier()

        def gather(ci, u):
            return pltpu.async_copy(
                x_hbm.at[src_v.at[ci]], gbufs[u], sems[u])

        for u in range(U):
            gather(u, u)

        def body(j, carry):
            base = j * U
            for u in range(U):
                ci = base + u
                pltpu.make_async_copy(
                    x_hbm.at[src_v.at[ci]], gbufs[u], sems[u]).wait()
                pltpu.sync_copy(gbufs[u], acc.at[dst_v.at[ci]], add=True)
                if with_deg:
                    @pl.when((ci % NC) == c)
                    def _():
                        pltpu.sync_copy(ones_v, accd.at[dst_v.at[ci]],
                                        add=True)

                @pl.when(ci + U < NCHUNK)
                def _():
                    gather(ci + U, u)
            return carry

        lax.fori_loop(0, NCHUNK // U, body, 0)
        for u in range(NCHUNK % U):
            ci = (NCHUNK // U) * U + u
            pltpu.make_async_copy(
                x_hbm.at[src_v.at[ci]], gbufs[u], sems[u]).wait()
            pltpu.sync_copy(gbufs[u], acc.at[dst_v.at[ci]], add=True)
            if with_deg:
                @pl.when((ci % NC) == c)
                def _():
                    pltpu.sync_copy(ones_v, accd.at[dst_v.at[ci]], add=True)
        plsc.subcore_barrier()

        for t in range(NRC):
            row0 = s * RPT + t * RCH
            pltpu.sync_copy(acc.at[pl.ds(row0, RCH)], cbuf)
            pltpu.sync_copy(
                cbuf, out_hbm.at[pl.ds(row0, RCH), pl.ds(c * DH, DH)])
            if with_deg:
                pltpu.sync_copy(accd.at[pl.ds(row0, RCH)], cbuf16)
                pltpu.sync_copy(cbuf16, deg_hbm.at[c, pl.ds(row0, RCH)])

    def run(x2, ei):
        z = jnp.zeros((RCH, DH), jnp.float32)
        zd = jnp.zeros((RCH, 16), jnp.float32)
        ones = jnp.ones((K, 16), jnp.float32)
        return seg_sum(x2, ei, z, zd, ones)

    return run


_seg_sum_deg = _make_seg_sum(True)
_seg_sum = _make_seg_sum(False)


def _tc_body(x_ref, p_ref, d_ref, wr_ref, wn_ref, b_ref, o_ref, *, relu):
    ssum = p_ref[:N]
    deg = d_ref[0, :N, :1] + d_ref[1, :N, :1]
    dinv = 1.0 / jnp.maximum(deg, 1.0)
    mean = ssum * dinv
    acc = (
        jnp.dot(x_ref[...], wr_ref[...], preferred_element_type=jnp.float32)
        + jnp.dot(mean, wn_ref[...], preferred_element_type=jnp.float32)
        + b_ref[...]
    )
    if relu:
        acc = jnp.maximum(acc, 0.0)
    o_ref[...] = acc


def _tc_layer(x, parts, deg, w_root, w_neigh, b, relu):
    return pl.pallas_call(
        functools.partial(_tc_body, relu=relu),
        out_shape=jax.ShapeDtypeStruct((N, D), jnp.float32),
    )(x, parts, deg, w_root, w_neigh, b.reshape(1, D))


def kernel(x, edge_index, W1_root, W1_neigh, b1, W2_root, W2_neigh, b2):
    ei = edge_index.reshape(2, NS, NCHUNK, K)
    parts1, deg = _seg_sum_deg(x.reshape(2 * N, DH), ei)
    h = _tc_layer(x, parts1, deg, W1_root, W1_neigh, b1, relu=True)
    (parts2,) = _seg_sum(h.reshape(2 * N, DH), ei)
    return _tc_layer(h, parts2, deg, W2_root, W2_neigh, b2, relu=False)

# --- scband reference (transcript-rebuilt; emitter-appended) ---
"""Pipeline reference for scband-graph-sage-5342939316743 (READ-ONLY COPY).

The authoritative reference and input builder live on the scoring server;
editing this copy changes nothing except your own understanding.
"""

import jax, jax.numpy as jnp
import numpy as np

N = 10000
E = 320000
D_IN = 128
D_HID = 128
D_OUT = 128


def _glorot(key, shape):
    fan_in, fan_out = shape[0], shape[1]
    s = jnp.sqrt(6.0 / (fan_in + fan_out))
    return jax.random.uniform(key, shape, jnp.float32, -s, s)


def setup_inputs(seed: int = 0) -> dict:
    key = jax.random.key(seed)
    ks = jax.random.split(key, 8)
    x = jax.random.normal(ks[0], (N, D_IN), dtype=jnp.float32)
    edge_index = jax.random.randint(ks[1], (2, E), 0, N, dtype=jnp.int32)
    W1_root = _glorot(ks[2], (D_IN, D_HID))
    W1_neigh = _glorot(ks[3], (D_IN, D_HID))
    b1 = jnp.zeros((D_HID,), jnp.float32)
    W2_root = _glorot(ks[4], (D_HID, D_OUT))
    W2_neigh = _glorot(ks[5], (D_HID, D_OUT))
    b2 = jnp.zeros((D_OUT,), jnp.float32)
    return {"x": x, "edge_index": edge_index, "W1_root": W1_root, "W1_neigh": W1_neigh, "b1": b1, "W2_root": W2_root, "W2_neigh": W2_neigh, "b2": b2}


def _sage_conv(x, edge_index, W_root, W_neigh, b):
    # PyG SAGEConv with mean aggregation:
    #   out = x @ W_root + mean_{j in N(i)} x_j @ W_neigh + b
    src = edge_index[0]
    dst = edge_index[1]
    msgs = jnp.take(x, src, axis=0)                       # gather  [E, d]
    summed = jax.ops.segment_sum(msgs, dst, num_segments=x.shape[0])
    deg = jax.ops.segment_sum(jnp.ones((msgs.shape[0],), x.dtype), dst, num_segments=x.shape[0])
    mean_agg = summed / jnp.maximum(deg, 1.0)[:, None]
    return x @ W_root + mean_agg @ W_neigh + b


def reference(x, edge_index, W1_root, W1_neigh, b1, W2_root, W2_neigh, b2):
    h = jax.nn.relu(_sage_conv(x, edge_index, W1_root, W1_neigh, b1))
    # dropout is identity in eval mode (training=False)
    return _sage_conv(h, edge_index, W2_root, W2_neigh, b2)

if __name__ == "__main__":
    import jax
    _d = setup_inputs()
    print(jax.jit(kernel)(*tuple(_d.values())))

</pallas_src>

<mosaic_0001>
#map = affine_map<(d0, d1) -> (0, 0)>
#map1 = affine_map<(d0, d1) -> (0, 0, 0, 0)>
module attributes {stable_mosaic.version = 14 : i64} {
  func.func @seg_sum(%arg0: i32, %arg1: i32, %arg2: memref<20000x64xf32, #tpu.memory_space<hbm>>, %arg3: memref<2x16x250x80xi32, #tpu.memory_space<hbm>>, %arg4: memref<128x64xf32, #tpu.memory_space<hbm>>, %arg5: memref<128x16xf32, #tpu.memory_space<hbm>>, %arg6: memref<80x16xf32, #tpu.memory_space<hbm>>, %arg7: memref<10240x128xf32, #tpu.memory_space<hbm>>, %arg8: memref<250x80xi32, #tpu.memory_space<vmem>>, %arg9: memref<250x80xi32, #tpu.memory_space<vmem>>, %arg10: memref<128x64xf32, #tpu.memory_space<vmem>>, %arg11: memref<10240x64xf32, #tpu.memory_space<vmem_shared>>, %arg12: memref<80x64xf32, #tpu.memory_space<vmem>>, %arg13: memref<80x64xf32, #tpu.memory_space<vmem>>, %arg14: memref<80x64xf32, #tpu.memory_space<vmem>>, %arg15: memref<80x64xf32, #tpu.memory_space<vmem>>, %arg16: memref<80x64xf32, #tpu.memory_space<vmem>>, %arg17: memref<80x64xf32, #tpu.memory_space<vmem>>, %arg18: memref<80x64xf32, #tpu.memory_space<vmem>>, %arg19: memref<80x64xf32, #tpu.memory_space<vmem>>, %arg20: memref<!tpu.dma_semaphore, #tpu.memory_space<semaphore_mem>>, %arg21: memref<!tpu.dma_semaphore, #tpu.memory_space<semaphore_mem>>, %arg22: memref<!tpu.dma_semaphore, #tpu.memory_space<semaphore_mem>>, %arg23: memref<!tpu.dma_semaphore, #tpu.memory_space<semaphore_mem>>, %arg24: memref<!tpu.dma_semaphore, #tpu.memory_space<semaphore_mem>>, %arg25: memref<!tpu.dma_semaphore, #tpu.memory_space<semaphore_mem>>, %arg26: memref<!tpu.dma_semaphore, #tpu.memory_space<semaphore_mem>>, %arg27: memref<!tpu.dma_semaphore, #tpu.memory_space<semaphore_mem>>) attributes {dimension_semantics = [#tpu.dimension_semantics<core_parallel>, #tpu.dimension_semantics<subcore_parallel>], iteration_bounds = array<i64: 2, 16>, scalar_prefetch = 0 : i64, scratch_operands = 20 : i64, tpu.core_type = #tpu.core_type<sc_vector_subcore>, window_params = [{transform_indices = #map}, {transform_indices = #map1}, {transform_indices = #map}, {transform_indices = #map}, {transform_indices = #map}, {transform_indices = #map}]} {
    %run_scoped3A = arith.constant 0 : i32
    "tpu.region"() ({
      %run_scoped3A_131 = tpu.sem_alloc : memref<!tpu.dma_semaphore, #tpu.memory_space<semaphore_mem>>
      %dma_start3A_132 = arith.constant 0 : i32
      %dma_start3A_133 = arith.constant 0 : i32
      %dma_start3A_134 = arith.constant 0 : i32
      %dma_start3A_135 = tpu.memref_slice %arg3[%run_scoped3A, %dma_start3A_132, %dma_start3A_133, %dma_start3A_134] : memref<2x16x250x80xi32, #tpu.memory_space<hbm>> -> memref<1x16x250x80xi32, #tpu.memory_space<hbm>>
      %dma_start3A_136 = tpu.memref_squeeze %dma_start3A_135 : memref<1x16x250x80xi32, #tpu.memory_space<hbm>> -> memref<16x250x80xi32, #tpu.memory_space<hbm>>
      %dma_start3A_137 = arith.constant 0 : i32
      %dma_start3A_138 = arith.constant 0 : i32
      %dma_start3A_139 = tpu.memref_slice %dma_start3A_136[%arg1, %dma_start3A_137, %dma_start3A_138] : memref<16x250x80xi32, #tpu.memory_space<hbm>> -> memref<1x250x80xi32, #tpu.memory_space<hbm>>
      %dma_start3A_140 = tpu.memref_squeeze %dma_start3A_139 : memref<1x250x80xi32, #tpu.memory_space<hbm>> -> memref<250x80xi32, #tpu.memory_space<hbm>>
      %dma_start3A_141 = arith.constant 0 : i32
      %dma_start3A_142 = arith.constant 0 : i32
      %dma_start3A_143 = arith.constant 0 : i32
      %dma_start3A_144 = tpu.memref_slice %arg3[%run_scoped3A, %dma_start3A_141, %dma_start3A_142, %dma_start3A_143] : memref<2x16x250x80xi32, #tpu.memory_space<hbm>> -> memref<1x16x250x80xi32, #tpu.memory_space<hbm>>
      %dma_start3A_145 = tpu.memref_squeeze %dma_start3A_144 : memref<1x16x250x80xi32, #tpu.memory_space<hbm>> -> memref<16x250x80xi32, #tpu.memory_space<hbm>>
      %dma_start3A_146 = arith.constant 0 : i32
      %dma_start3A_147 = arith.constant 0 : i32
      %dma_start3A_148 = tpu.memref_slice %dma_start3A_145[%arg1, %dma_start3A_146, %dma_start3A_147] : memref<16x250x80xi32, #tpu.memory_space<hbm>> -> memref<1x250x80xi32, #tpu.memory_space<hbm>>
      %dma_start3A_149 = tpu.memref_squeeze %dma_start3A_148 : memref<1x250x80xi32, #tpu.memory_space<hbm>> -> memref<250x80xi32, #tpu.memory_space<hbm>>
      tpu.enqueue_dma source(%dma_start3A_149 : memref<250x80xi32, #tpu.memory_space<hbm>>) target(%arg8 : memref<250x80xi32, #tpu.memory_space<vmem>>) target_semaphore(%run_scoped3A_131 : memref<!tpu.dma_semaphore, #tpu.memory_space<semaphore_mem>>)
      %dma_wait3A_150 = arith.constant 0 : i32
      %dma_wait3A_151 = arith.constant 0 : i32
      %dma_wait3A_152 = arith.constant 0 : i32
      %dma_wait3A_153 = tpu.memref_slice %arg3[%run_scoped3A, %dma_wait3A_150, %dma_wait3A_151, %dma_wait3A_152] : memref<2x16x250x80xi32, #tpu.memory_space<hbm>> -> memref<1x16x250x80xi32, #tpu.memory_space<hbm>>
      %dma_wait3A_154 = tpu.memref_squeeze %dma_wait3A_153 : memref<1x16x250x80xi32, #tpu.memory_space<hbm>> -> memref<16x250x80xi32, #tpu.memory_space<hbm>>
      %dma_wait3A_155 = arith.constant 0 : i32
      %dma_wait3A_156 = arith.constant 0 : i32
      %dma_wait3A_157 = tpu.memref_slice %dma_wait3A_154[%arg1, %dma_wait3A_155, %dma_wait3A_156] : memref<16x250x80xi32, #tpu.memory_space<hbm>> -> memref<1x250x80xi32, #tpu.memory_space<hbm>>
      %dma_wait3A_158 = tpu.memref_squeeze %dma_wait3A_157 : memref<1x250x80xi32, #tpu.memory_space<hbm>> -> memref<250x80xi32, #tpu.memory_space<hbm>>
      %dma_wait3A_159 = arith.constant 0 : i32
      %dma_wait3A_160 = arith.constant 0 : i32
      %dma_wait3A_161 = arith.constant 0 : i32
      %dma_wait3A_162 = tpu.memref_slice %arg3[%run_scoped3A, %dma_wait3A_159, %dma_wait3A_160, %dma_wait3A_161] : memref<2x16x250x80xi32, #tpu.memory_space<hbm>> -> memref<1x16x250x80xi32, #tpu.memory_space<hbm>>
      %dma_wait3A_163 = tpu.memref_squeeze %dma_wait3A_162 : memref<1x16x250x80xi32, #tpu.memory_space<hbm>> -> memref<16x250x80xi32, #tpu.memory_space<hbm>>
      %dma_wait3A_164 = arith.constant 0 : i32
      %dma_wait3A_165 = arith.constant 0 : i32
      %dma_wait3A_166 = tpu.memref_slice %dma_wait3A_163[%arg1, %dma_wait3A_164, %dma_wait3A_165] : memref<16x250x80xi32, #tpu.memory_space<hbm>> -> memref<1x250x80xi32, #tpu.memory_space<hbm>>
      %dma_wait3A_167 = tpu.memref_squeeze %dma_wait3A_166 : memref<1x250x80xi32, #tpu.memory_space<hbm>> -> memref<250x80xi32, #tpu.memory_space<hbm>>
      tpu.wait_dma2 semaphore(%run_scoped3A_131 : memref<!tpu.dma_semaphore, #tpu.memory_space<semaphore_mem>>) src(%dma_wait3A_167 : memref<250x80xi32, #tpu.memory_space<hbm>>) dst(%arg8 : memref<250x80xi32, #tpu.memory_space<vmem>>)
      tpu.yield
    }) : () -> ()
    %run_scoped3A_0 = arith.constant 1 : i32
    "tpu.region"() ({
      %run_scoped3A_131 = tpu.sem_alloc : memref<!tpu.dma_semaphore, #tpu.memory_space<semaphore_mem>>
      %dma_start3A_132 = arith.constant 0 : i32
      %dma_start3A_133 = arith.constant 0 : i32
      %dma_start3A_134 = arith.constant 0 : i32
      %dma_start3A_135 = tpu.memref_slice %arg3[%run_scoped3A_0, %dma_start3A_132, %dma_start3A_133, %dma_start3A_134] : memref<2x16x250x80xi32, #tpu.memory_space<hbm>> -> memref<1x16x250x80xi32, #tpu.memory_space<hbm>>
      %dma_start3A_136 = tpu.memref_squeeze %dma_start3A_135 : memref<1x16x250x80xi32, #tpu.memory_space<hbm>> -> memref<16x250x80xi32, #tpu.memory_space<hbm>>
      %dma_start3A_137 = arith.constant 0 : i32
      %dma_start3A_138 = arith.constant 0 : i32
      %dma_start3A_139 = tpu.memref_slice %dma_start3A_136[%arg1, %dma_start3A_137, %dma_start3A_138] : memref<16x250x80xi32, #tpu.memory_space<hbm>> -> memref<1x250x80xi32, #tpu.memory_space<hbm>>
      %dma_start3A_140 = tpu.memref_squeeze %dma_start3A_139 : memref<1x250x80xi32, #tpu.memory_space<hbm>> -> memref<250x80xi32, #tpu.memory_space<hbm>>
      %dma_start3A_141 = arith.constant 0 : i32
      %dma_start3A_142 = arith.constant 0 : i32
      %dma_start3A_143 = arith.constant 0 : i32
      %dma_start3A_144 = tpu.memref_slice %arg3[%run_scoped3A_0, %dma_start3A_141, %dma_start3A_142, %dma_start3A_143] : memref<2x16x250x80xi32, #tpu.memory_space<hbm>> -> memref<1x16x250x80xi32, #tpu.memory_space<hbm>>
      %dma_start3A_145 = tpu.memref_squeeze %dma_start3A_144 : memref<1x16x250x80xi32, #tpu.memory_space<hbm>> -> memref<16x250x80xi32, #tpu.memory_space<hbm>>
      %dma_start3A_146 = arith.constant 0 : i32
      %dma_start3A_147 = arith.constant 0 : i32
      %dma_start3A_148 = tpu.memref_slice %dma_start3A_145[%arg1, %dma_start3A_146, %dma_start3A_147] : memref<16x250x80xi32, #tpu.memory_space<hbm>> -> memref<1x250x80xi32, #tpu.memory_space<hbm>>
      %dma_start3A_149 = tpu.memref_squeeze %dma_start3A_148 : memref<1x250x80xi32, #tpu.memory_space<hbm>> -> memref<250x80xi32, #tpu.memory_space<hbm>>
      tpu.enqueue_dma source(%dma_start3A_149 : memref<250x80xi32, #tpu.memory_space<hbm>>) target(%arg9 : memref<250x80xi32, #tpu.memory_space<vmem>>) target_semaphore(%run_scoped3A_131 : memref<!tpu.dma_semaphore, #tpu.memory_space<semaphore_mem>>)
      %dma_wait3A_150 = arith.constant 0 : i32
      %dma_wait3A_151 = arith.constant 0 : i32
      %dma_wait3A_152 = arith.constant 0 : i32
      %dma_wait3A_153 = tpu.memref_slice %arg3[%run_scoped3A_0, %dma_wait3A_150, %dma_wait3A_151, %dma_wait3A_152] : memref<2x16x250x80xi32, #tpu.memory_space<hbm>> -> memref<1x16x250x80xi32, #tpu.memory_space<hbm>>
      %dma_wait3A_154 = tpu.memref_squeeze %dma_wait3A_153 : memref<1x16x250x80xi32, #tpu.memory_space<hbm>> -> memref<16x250x80xi32, #tpu.memory_space<hbm>>
      %dma_wait3A_155 = arith.constant 0 : i32
      %dma_wait3A_156 = arith.constant 0 : i32
      %dma_wait3A_157 = tpu.memref_slice %dma_wait3A_154[%arg1, %dma_wait3A_155, %dma_wait3A_156] : memref<16x250x80xi32, #tpu.memory_space<hbm>> -> memref<1x250x80xi32, #tpu.memory_space<hbm>>
      %dma_wait3A_158 = tpu.memref_squeeze %dma_wait3A_157 : memref<1x250x80xi32, #tpu.memory_space<hbm>> -> memref<250x80xi32, #tpu.memory_space<hbm>>
      %dma_wait3A_159 = arith.constant 0 : i32
      %dma_wait3A_160 = arith.constant 0 : i32
      %dma_wait3A_161 = arith.constant 0 : i32
      %dma_wait3A_162 = tpu.memref_slice %arg3[%run_scoped3A_0, %dma_wait3A_159, %dma_wait3A_160, %dma_wait3A_161] : memref<2x16x250x80xi32, #tpu.memory_space<hbm>> -> memref<1x16x250x80xi32, #tpu.memory_space<hbm>>
      %dma_wait3A_163 = tpu.memref_squeeze %dma_wait3A_162 : memref<1x16x250x80xi32, #tpu.memory_space<hbm>> -> memref<16x250x80xi32, #tpu.memory_space<hbm>>
      %dma_wait3A_164 = arith.constant 0 : i32
      %dma_wait3A_165 = arith.constant 0 : i32
      %dma_wait3A_166 = tpu.memref_slice %dma_wait3A_163[%arg1, %dma_wait3A_164, %dma_wait3A_165] : memref<16x250x80xi32, #tpu.memory_space<hbm>> -> memref<1x250x80xi32, #tpu.memory_space<hbm>>
      %dma_wait3A_167 = tpu.memref_squeeze %dma_wait3A_166 : memref<1x250x80xi32, #tpu.memory_space<hbm>> -> memref<250x80xi32, #tpu.memory_space<hbm>>
      tpu.wait_dma2 semaphore(%run_scoped3A_131 : memref<!tpu.dma_semaphore, #tpu.memory_space<semaphore_mem>>) src(%dma_wait3A_167 : memref<250x80xi32, #tpu.memory_space<hbm>>) dst(%arg9 : memref<250x80xi32, #tpu.memory_space<vmem>>)
      tpu.yield
    }) : () -> ()
    "tpu.region"() ({
      %run_scoped3A_131 = tpu.sem_alloc : memref<!tpu.dma_semaphore, #tpu.memory_space<semaphore_mem>>
      tpu.enqueue_dma source(%arg4 : memref<128x64xf32, #tpu.memory_space<hbm>>) target(%arg10 : memref<128x64xf32, #tpu.memory_space<vmem>>) target_semaphore(%run_scoped3A_131 : memref<!tpu.dma_semaphore, #tpu.memory_space<semaphore_mem>>)
      tpu.wait_dma2 semaphore(%run_scoped3A_131 : memref<!tpu.dma_semaphore, #tpu.memory_space<semaphore_mem>>) src(%arg4 : memref<128x64xf32, #tpu.memory_space<hbm>>) dst(%arg10 : memref<128x64xf32, #tpu.memory_space<vmem>>)
      tpu.yield
    }) : () -> ()
    %mul3A = arith.constant 640 : i32
    %mul3A_1 = arith.muli %arg1, %mul3A : i32
    %add3A = arith.constant 0 : i32
    %add3A_2 = arith.addi %mul3A_1, %add3A : i32
    "tpu.region"() ({
      %run_scoped3A_131 = tpu.sem_alloc : memref<!tpu.dma_semaphore, #tpu.memory_space<semaphore_mem>>
      %dma_start3A_132 = arith.constant 0 : i32
      %dma_start3A_133 = tpu.memref_slice %arg11[%add3A_2, %dma_start3A_132] : memref<10240x64xf32, #tpu.memory_space<vmem_shared>> -> memref<128x64xf32, #tpu.memory_space<vmem_shared>>
      %dma_start3A_134 = arith.constant 0 : i32
      %dma_start3A_135 = tpu.memref_slice %arg11[%add3A_2, %dma_start3A_134] : memref<10240x64xf32, #tpu.memory_space<vmem_shared>> -> memref<128x64xf32, #tpu.memory_space<vmem_shared>>
      tpu.enqueue_dma source(%arg10 : memref<128x64xf32, #tpu.memory_space<vmem>>) target(%dma_start3A_135 : memref<128x64xf32, #tpu.memory_space<vmem_shared>>) target_semaphore(%run_scoped3A_131 : memref<!tpu.dma_semaphore, #tpu.memory_space<semaphore_mem>>)
      %dma_wait3A_136 = arith.constant 0 : i32
      %dma_wait3A_137 = tpu.memref_slice %arg11[%add3A_2, %dma_wait3A_136] : memref<10240x64xf32, #tpu.memory_space<vmem_shared>> -> memref<128x64xf32, #tpu.memory_space<vmem_shared>>
      %dma_wait3A_138 = arith.constant 0 : i32
      %dma_wait3A_139 = tpu.memref_slice %arg11[%add3A_2, %dma_wait3A_138] : memref<10240x64xf32, #tpu.memory_space<vmem_shared>> -> memref<128x64xf32, #tpu.memory_space<vmem_shared>>
      tpu.wait_dma2 semaphore(%run_scoped3A_131 : memref<!tpu.dma_semaphore, #tpu.memory_space<semaphore_mem>>) src(%arg10 : memref<128x64xf32, #tpu.memory_space<vmem>>) dst(%dma_wait3A_139 : memref<128x64xf32, #tpu.memory_space<vmem_shared>>)
      tpu.yield
    }) : () -> ()
    %mul3A_3 = arith.constant 640 : i32
    %mul3A_4 = arith.muli %arg1, %mul3A_3 : i32
    %add3A_5 = arith.constant 128 : i32
    %add3A_6 = arith.addi %mul3A_4, %add3A_5 : i32
    "tpu.region"() ({
      %run_scoped3A_131 = tpu.sem_alloc : memref<!tpu.dma_semaphore, #tpu.memory_space<semaphore_mem>>
      %dma_start3A_132 = arith.constant 0 : i32
      %dma_start3A_133 = tpu.memref_slice %arg11[%add3A_6, %dma_start3A_132] : memref<10240x64xf32, #tpu.memory_space<vmem_shared>> -> memref<128x64xf32, #tpu.memory_space<vmem_shared>>
      %dma_start3A_134 = arith.constant 0 : i32
      %dma_start3A_135 = tpu.memref_slice %arg11[%add3A_6, %dma_start3A_134] : memref<10240x64xf32, #tpu.memory_space<vmem_shared>> -> memref<128x64xf32, #tpu.memory_space<vmem_shared>>
      tpu.enqueue_dma source(%arg10 : memref<128x64xf32, #tpu.memory_space<vmem>>) target(%dma_start3A_135 : memref<128x64xf32, #tpu.memory_space<vmem_shared>>) target_semaphore(%run_scoped3A_131 : memref<!tpu.dma_semaphore, #tpu.memory_space<semaphore_mem>>)
      %dma_wait3A_136 = arith.constant 0 : i32
      %dma_wait3A_137 = tpu.memref_slice %arg11[%add3A_6, %dma_wait3A_136] : memref<10240x64xf32, #tpu.memory_space<vmem_shared>> -> memref<128x64xf32, #tpu.memory_space<vmem_shared>>
      %dma_wait3A_138 = arith.constant 0 : i32
      %dma_wait3A_139 = tpu.memref_slice %arg11[%add3A_6, %dma_wait3A_138] : memref<10240x64xf32, #tpu.memory_space<vmem_shared>> -> memref<128x64xf32, #tpu.memory_space<vmem_shared>>
      tpu.wait_dma2 semaphore(%run_scoped3A_131 : memref<!tpu.dma_semaphore, #tpu.memory_space<semaphore_mem>>) src(%arg10 : memref<128x64xf32, #tpu.memory_space<vmem>>) dst(%dma_wait3A_139 : memref<128x64xf32, #tpu.memory_space<vmem_shared>>)
      tpu.yield
    }) : () -> ()
    %mul3A_7 = arith.constant 640 : i32
    %mul3A_8 = arith.muli %arg1, %mul3A_7 : i32
    %add3A_9 = arith.constant 256 : i32
    %add3A_10 = arith.addi %mul3A_8, %add3A_9 : i32
    "tpu.region"() ({
      %run_scoped3A_131 = tpu.sem_alloc : memref<!tpu.dma_semaphore, #tpu.memory_space<semaphore_mem>>
      %dma_start3A_132 = arith.constant 0 : i32
      %dma_start3A_133 = tpu.memref_slice %arg11[%add3A_10, %dma_start3A_132] : memref<10240x64xf32, #tpu.memory_space<vmem_shared>> -> memref<128x64xf32, #tpu.memory_space<vmem_shared>>
      %dma_start3A_134 = arith.constant 0 : i32
      %dma_start3A_135 = tpu.memref_slice %arg11[%add3A_10, %dma_start3A_134] : memref<10240x64xf32, #tpu.memory_space<vmem_shared>> -> memref<128x64xf32, #tpu.memory_space<vmem_shared>>
      tpu.enqueue_dma source(%arg10 : memref<128x64xf32, #tpu.memory_space<vmem>>) target(%dma_start3A_135 : memref<128x64xf32, #tpu.memory_space<vmem_shared>>) target_semaphore(%run_scoped3A_131 : memref<!tpu.dma_semaphore, #tpu.memory_space<semaphore_mem>>)
      %dma_wait3A_136 = arith.constant 0 : i32
      %dma_wait3A_137 = tpu.memref_slice %arg11[%add3A_10, %dma_wait3A_136] : memref<10240x64xf32, #tpu.memory_space<vmem_shared>> -> memref<128x64xf32, #tpu.memory_space<vmem_shared>>
      %dma_wait3A_138 = arith.constant 0 : i32
      %dma_wait3A_139 = tpu.memref_slice %arg11[%add3A_10, %dma_wait3A_138] : memref<10240x64xf32, #tpu.memory_space<vmem_shared>> -> memref<128x64xf32, #tpu.memory_space<vmem_shared>>
      tpu.wait_dma2 semaphore(%run_scoped3A_131 : memref<!tpu.dma_semaphore, #tpu.memory_space<semaphore_mem>>) src(%arg10 : memref<128x64xf32, #tpu.memory_space<vmem>>) dst(%dma_wait3A_139 : memref<128x64xf32, #tpu.memory_space<vmem_shared>>)
      tpu.yield
    }) : () -> ()
    %mul3A_11 = arith.constant 640 : i32
    %mul3A_12 = arith.muli %arg1, %mul3A_11 : i32
    %add3A_13 = arith.constant 384 : i32
    %add3A_14 = arith.addi %mul3A_12, %add3A_13 : i32
    "tpu.region"() ({
      %run_scoped3A_131 = tpu.sem_alloc : memref<!tpu.dma_semaphore, #tpu.memory_space<semaphore_mem>>
      %dma_start3A_132 = arith.constant 0 : i32
      %dma_start3A_133 = tpu.memref_slice %arg11[%add3A_14, %dma_start3A_132] : memref<10240x64xf32, #tpu.memory_space<vmem_shared>> -> memref<128x64xf32, #tpu.memory_space<vmem_shared>>
      %dma_start3A_134 = arith.constant 0 : i32
      %dma_start3A_135 = tpu.memref_slice %arg11[%add3A_14, %dma_start3A_134] : memref<10240x64xf32, #tpu.memory_space<vmem_shared>> -> memref<128x64xf32, #tpu.memory_space<vmem_shared>>
      tpu.enqueue_dma source(%arg10 : memref<128x64xf32, #tpu.memory_space<vmem>>) target(%dma_start3A_135 : memref<128x64xf32, #tpu.memory_space<vmem_shared>>) target_semaphore(%run_scoped3A_131 : memref<!tpu.dma_semaphore, #tpu.memory_space<semaphore_mem>>)
      %dma_wait3A_136 = arith.constant 0 : i32
      %dma_wait3A_137 = tpu.memref_slice %arg11[%add3A_14, %dma_wait3A_136] : memref<10240x64xf32, #tpu.memory_space<vmem_shared>> -> memref<128x64xf32, #tpu.memory_space<vmem_shared>>
      %dma_wait3A_138 = arith.constant 0 : i32
      %dma_wait3A_139 = tpu.memref_slice %arg11[%add3A_14, %dma_wait3A_138] : memref<10240x64xf32, #tpu.memory_space<vmem_shared>> -> memref<128x64xf32, #tpu.memory_space<vmem_shared>>
      tpu.wait_dma2 semaphore(%run_scoped3A_131 : memref<!tpu.dma_semaphore, #tpu.memory_space<semaphore_mem>>) src(%arg10 : memref<128x64xf32, #tpu.memory_space<vmem>>) dst(%dma_wait3A_139 : memref<128x64xf32, #tpu.memory_space<vmem_shared>>)
      tpu.yield
    }) : () -> ()
    %mul3A_15 = arith.constant 640 : i32
    %mul3A_16 = arith.muli %arg1, %mul3A_15 : i32
    %add3A_17 = arith.constant 512 : i32
    %add3A_18 = arith.addi %mul3A_16, %add3A_17 : i32
    "tpu.region"() ({
      %run_scoped3A_131 = tpu.sem_alloc : memref<!tpu.dma_semaphore, #tpu.memory_space<semaphore_mem>>
      %dma_start3A_132 = arith.constant 0 : i32
      %dma_start3A_133 = tpu.memref_slice %arg11[%add3A_18, %dma_start3A_132] : memref<10240x64xf32, #tpu.memory_space<vmem_shared>> -> memref<128x64xf32, #tpu.memory_space<vmem_shared>>
      %dma_start3A_134 = arith.constant 0 : i32
      %dma_start3A_135 = tpu.memref_slice %arg11[%add3A_18, %dma_start3A_134] : memref<10240x64xf32, #tpu.memory_space<vmem_shared>> -> memref<128x64xf32, #tpu.memory_space<vmem_shared>>
      tpu.enqueue_dma source(%arg10 : memref<128x64xf32, #tpu.memory_space<vmem>>) target(%dma_start3A_135 : memref<128x64xf32, #tpu.memory_space<vmem_shared>>) target_semaphore(%run_scoped3A_131 : memref<!tpu.dma_semaphore, #tpu.memory_space<semaphore_mem>>)
      %dma_wait3A_136 = arith.constant 0 : i32
      %dma_wait3A_137 = tpu.memref_slice %arg11[%add3A_18, %dma_wait3A_136] : memref<10240x64xf32, #tpu.memory_space<vmem_shared>> -> memref<128x64xf32, #tpu.memory_space<vmem_shared>>
      %dma_wait3A_138 = arith.constant 0 : i32
      %dma_wait3A_139 = tpu.memref_slice %arg11[%add3A_18, %dma_wait3A_138] : memref<10240x64xf32, #tpu.memory_space<vmem_shared>> -> memref<128x64xf32, #tpu.memory_space<vmem_shared>>
      tpu.wait_dma2 semaphore(%run_scoped3A_131 : memref<!tpu.dma_semaphore, #tpu.memory_space<semaphore_mem>>) src(%arg10 : memref<128x64xf32, #tpu.memory_space<vmem>>) dst(%dma_wait3A_139 : memref<128x64xf32, #tpu.memory_space<vmem_shared>>)
      tpu.yield
    }) : () -> ()
    %scan3A = arith.constant 0 : i32
    %scan3A_19 = arith.constant 0 : i32
    %scan3A_20 = arith.constant 250 : i32
    %scan3A_21 = arith.addi %scan3A_19, %scan3A_20 : i32
    %scan3A_22 = arith.constant 1 : i32
    scf.for %scan3A_131 = %scan3A_19 to %scan3A_21 step %scan3A_22  : i32 {
      %get3A = arith.index_cast %scan3A_131 : i32 to index
      %get3A_132 = arith.constant 0 : index
      %get3A_133 = tpu.vector_load %arg8[%get3A, %get3A_132] {strides = array<i32>} : memref<250x80xi32, #tpu.memory_space<vmem>>, vector<1x16xi32>,
      %get3A_134 = vector.shape_cast %get3A_133 : vector<1x16xi32> to vector<16xi32>
      %mul3A_135 = arith.constant 2 : i32
      %mul3A_136 = vector.broadcast %mul3A_135 : i32 to vector<16xi32>
      %mul3A_137 = arith.muli %get3A_134, %mul3A_136 : vector<16xi32>
      %add3A_138 = vector.broadcast %arg0 : i32 to vector<16xi32>
      %add3A_139 = arith.addi %mul3A_137, %add3A_138 : vector<16xi32>
      %swap3A = arith.index_cast %scan3A_131 : i32 to index
      %swap3A_140 = arith.constant 0 : index
      %swap3A_141 = tpu.vector_load %arg8[%swap3A, %swap3A_140] {strides = array<i32>} : memref<250x80xi32, #tpu.memory_space<vmem>>, vector<1x16xi32>,
      %swap3A_142 = vector.shape_cast %swap3A_141 : vector<1x16xi32> to vector<16xi32>
      %swap3A_143 = vector.shape_cast %add3A_139 : vector<16xi32> to vector<1x16xi32>
      tpu.vector_store %arg8[%swap3A, %swap3A_140], %swap3A_143 {strides = array<i32>} : memref<250x80xi32, #tpu.memory_space<vmem>>, vector<1x16xi32>,
      %get3A_144 = arith.index_cast %scan3A_131 : i32 to index
      %get3A_145 = arith.constant 16 : index
      %get3A_146 = tpu.vector_load %arg8[%get3A_144, %get3A_145] {strides = array<i32>} : memref<250x80xi32, #tpu.memory_space<vmem>>, vector<1x16xi32>,
      %get3A_147 = vector.shape_cast %get3A_146 : vector<1x16xi32> to vector<16xi32>
      %mul3A_148 = arith.constant 2 : i32
      %mul3A_149 = vector.broadcast %mul3A_148 : i32 to vector<16xi32>
      %mul3A_150 = arith.muli %get3A_147, %mul3A_149 : vector<16xi32>
      %add3A_151 = vector.broadcast %arg0 : i32 to vector<16xi32>
      %add3A_152 = arith.addi %mul3A_150, %add3A_151 : vector<16xi32>
      %swap3A_153 = arith.index_cast %scan3A_131 : i32 to index
      %swap3A_154 = arith.constant 16 : index
      %swap3A_155 = tpu.vector_load %arg8[%swap3A_153, %swap3A_154] {strides = array<i32>} : memref<250x80xi32, #tpu.memory_space<vmem>>, vector<1x16xi32>,
      %swap3A_156 = vector.shape_cast %swap3A_155 : vector<1x16xi32> to vector<16xi32>
      %swap3A_157 = vector.shape_cast %add3A_152 : vector<16xi32> to vector<1x16xi32>
      tpu.vector_store %arg8[%swap3A_153, %swap3A_154], %swap3A_157 {strides = array<i32>} : memref<250x80xi32, #tpu.memory_space<vmem>>, vector<1x16xi32>,
      %get3A_158 = arith.index_cast %scan3A_131 : i32 to index
      %get3A_159 = arith.constant 32 : index
      %get3A_160 = tpu.vector_load %arg8[%get3A_158, %get3A_159] {strides = array<i32>} : memref<250x80xi32, #tpu.memory_space<vmem>>, vector<1x16xi32>,
      %get3A_161 = vector.shape_cast %get3A_160 : vector<1x16xi32> to vector<16xi32>
      %mul3A_162 = arith.constant 2 : i32
      %mul3A_163 = vector.broadcast %mul3A_162 : i32 to vector<16xi32>
      %mul3A_164 = arith.muli %get3A_161, %mul3A_163 : vector<16xi32>
      %add3A_165 = vector.broadcast %arg0 : i32 to vector<16xi32>
      %add3A_166 = arith.addi %mul3A_164, %add3A_165 : vector<16xi32>
      %swap3A_167 = arith.index_cast %scan3A_131 : i32 to index
      %swap3A_168 = arith.constant 32 : index
      %swap3A_169 = tpu.vector_load %arg8[%swap3A_167, %swap3A_168] {strides = array<i32>} : memref<250x80xi32, #tpu.memory_space<vmem>>, vector<1x16xi32>,
      %swap3A_170 = vector.shape_cast %swap3A_169 : vector<1x16xi32> to vector<16xi32>
      %swap3A_171 = vector.shape_cast %add3A_166 : vector<16xi32> to vector<1x16xi32>
      tpu.vector_store %arg8[%swap3A_167, %swap3A_168], %swap3A_171 {strides = array<i32>} : memref<250x80xi32, #tpu.memory_space<vmem>>, vector<1x16xi32>,
      %get3A_172 = arith.index_cast %scan3A_131 : i32 to index
      %get3A_173 = arith.constant 48 : index
      %get3A_174 = tpu.vector_load %arg8[%get3A_172, %get3A_173] {strides = array<i32>} : memref<250x80xi32, #tpu.memory_space<vmem>>, vector<1x16xi32>,
      %get3A_175 = vector.shape_cast %get3A_174 : vector<1x16xi32> to vector<16xi32>
      %mul3A_176 = arith.constant 2 : i32
      %mul3A_177 = vector.broadcast %mul3A_176 : i32 to vector<16xi32>
      %mul3A_178 = arith.muli %get3A_175, %mul3A_177 : vector<16xi32>
      %add3A_179 = vector.broadcast %arg0 : i32 to vector<16xi32>
      %add3A_180 = arith.addi %mul3A_178, %add3A_179 : vector<16xi32>
      %swap3A_181 = arith.index_cast %scan3A_131 : i32 to index
      %swap3A_182 = arith.constant 48 : index
      %swap3A_183 = tpu.vector_load %arg8[%swap3A_181, %swap3A_182] {strides = array<i32>} : memref<250x80xi32, #tpu.memory_space<vmem>>, vector<1x16xi32>,
      %swap3A_184 = vector.shape_cast %swap3A_183 : vector<1x16xi32> to vector<16xi32>
      %swap3A_185 = vector.shape_cast %add3A_180 : vector<16xi32> to vector<1x16xi32>
      tpu.vector_store %arg8[%swap3A_181, %swap3A_182], %swap3A_185 {strides = array<i32>} : memref<250x80xi32, #tpu.memory_space<vmem>>, vector<1x16xi32>,
      %get3A_186 = arith.index_cast %scan3A_131 : i32 to index
      %get3A_187 = arith.constant 64 : index
      %get3A_188 = tpu.vector_load %arg8[%get3A_186, %get3A_187] {strides = array<i32>} : memref<250x80xi32, #tpu.memory_space<vmem>>, vector<1x16xi32>,
      %get3A_189 = vector.shape_cast %get3A_188 : vector<1x16xi32> to vector<16xi32>
      %mul3A_190 = arith.constant 2 : i32
      %mul3A_191 = vector.broadcast %mul3A_190 : i32 to vector<16xi32>
      %mul3A_192 = arith.muli %get3A_189, %mul3A_191 : vector<16xi32>
      %add3A_193 = vector.broadcast %arg0 : i32 to vector<16xi32>
      %add3A_194 = arith.addi %mul3A_192, %add3A_193 : vector<16xi32>
      %swap3A_195 = arith.index_cast %scan3A_131 : i32 to index
      %swap3A_196 = arith.constant 64 : index
      %swap3A_197 = tpu.vector_load %arg8[%swap3A_195, %swap3A_196] {strides = array<i32>} : memref<250x80xi32, #tpu.memory_space<vmem>>, vector<1x16xi32>,
      %swap3A_198 = vector.shape_cast %swap3A_197 : vector<1x16xi32> to vector<16xi32>
      %swap3A_199 = vector.shape_cast %add3A_194 : vector<16xi32> to vector<1x16xi32>
      tpu.vector_store %arg8[%swap3A_195, %swap3A_196], %swap3A_199 {strides = array<i32>} : memref<250x80xi32, #tpu.memory_space<vmem>>, vector<1x16xi32>,
    }
    %scan3A_23 = arith.constant 250 : i32
    %barrier3A = arith.constant 0 : index
    tpu.barrier barrier_id(%barrier3A)
    %dma_start3A = arith.constant 0 : i32
    %dma_start3A_24 = arith.constant 0 : i32
    %dma_start3A_25 = tpu.memref_slice %arg8[%dma_start3A, %dma_start3A_24] : memref<250x80xi32, #tpu.memory_space<vmem>> -> memref<1x80xi32, #tpu.memory_space<vmem>>
    %dma_start3A_26 = tpu.memref_squeeze %dma_start3A_25 : memref<1x80xi32, #tpu.memory_space<vmem>> -> memref<80xi32, #tpu.memory_space<vmem>>
    %dma_start3A_27 = arith.constant 0 : i32
    %dma_start3A_28 = arith.constant 0 : i32
    %dma_start3A_29 = tpu.memref_slice %arg2[%dma_start3A_27, %dma_start3A_28] : memref<20000x64xf32, #tpu.memory_space<hbm>> -> memref<20000x64xf32, #tpu.memory_space<hbm>>
    tpu.enqueue_indirect_dma source(%dma_start3A_29 : memref<20000x64xf32, #tpu.memory_space<hbm>>) target(%arg12 : memref<80x64xf32, #tpu.memory_space<vmem>>) offsets(%dma_start3A_26 : memref<80xi32, #tpu.memory_space<vmem>>) semaphore(%arg20 : memref<!tpu.dma_semaphore, #tpu.memory_space<semaphore_mem>>)
    %dma_start3A_30 = arith.constant 1 : i32
    %dma_start3A_31 = arith.constant 0 : i32
    %dma_start3A_32 = tpu.memref_slice %arg8[%dma_start3A_30, %dma_start3A_31] : memref<250x80xi32, #tpu.memory_space<vmem>> -> memref<1x80xi32, #tpu.memory_space<vmem>>
    %dma_start3A_33 = tpu.memref_squeeze %dma_start3A_32 : memref<1x80xi32, #tpu.memory_space<vmem>> -> memref<80xi32, #tpu.memory_space<vmem>>
    %dma_start3A_34 = arith.constant 0 : i32
    %dma_start3A_35 = arith.constant 0 : i32
    %dma_start3A_36 = tpu.memref_slice %arg2[%dma_start3A_34, %dma_start3A_35] : memref<20000x64xf32, #tpu.memory_space<hbm>> -> memref<20000x64xf32, #tpu.memory_space<hbm>>
    tpu.enqueue_indirect_dma source(%dma_start3A_36 : memref<20000x64xf32, #tpu.memory_space<hbm>>) target(%arg13 : memref<80x64xf32, #tpu.memory_space<vmem>>) offsets(%dma_start3A_33 : memref<80xi32, #tpu.memory_space<vmem>>) semaphore(%arg21 : memref<!tpu.dma_semaphore, #tpu.memory_space<semaphore_mem>>)
    %dma_start3A_37 = arith.constant 2 : i32
    %dma_start3A_38 = arith.constant 0 : i32
    %dma_start3A_39 = tpu.memref_slice %arg8[%dma_start3A_37, %dma_start3A_38] : memref<250x80xi32, #tpu.memory_space<vmem>> -> memref<1x80xi32, #tpu.memory_space<vmem>>
    %dma_start3A_40 = tpu.memref_squeeze %dma_start3A_39 : memref<1x80xi32, #tpu.memory_space<vmem>> -> memref<80xi32, #tpu.memory_space<vmem>>
    %dma_start3A_41 = arith.constant 0 : i32
    %dma_start3A_42 = arith.constant 0 : i32
    %dma_start3A_43 = tpu.memref_slice %arg2[%dma_start3A_41, %dma_start3A_42] : memref<20000x64xf32, #tpu.memory_space<hbm>> -> memref<20000x64xf32, #tpu.memory_space<hbm>>
    tpu.enqueue_indirect_dma source(%dma_start3A_43 : memref<20000x64xf32, #tpu.memory_space<hbm>>) target(%arg14 : memref<80x64xf32, #tpu.memory_space<vmem>>) offsets(%dma_start3A_40 : memref<80xi32, #tpu.memory_space<vmem>>) semaphore(%arg22 : memref<!tpu.dma_semaphore, #tpu.memory_space<semaphore_mem>>)
    %dma_start3A_44 = arith.constant 3 : i32
    %dma_start3A_45 = arith.constant 0 : i32
    %dma_start3A_46 = tpu.memref_slice %arg8[%dma_start3A_44, %dma_start3A_45] : memref<250x80xi32, #tpu.memory_space<vmem>> -> memref<1x80xi32, #tpu.memory_space<vmem>>
    %dma_start3A_47 = tpu.memref_squeeze %dma_start3A_46 : memref<1x80xi32, #tpu.memory_space<vmem>> -> memref<80xi32, #tpu.memory_space<vmem>>
    %dma_start3A_48 = arith.constant 0 : i32
    %dma_start3A_49 = arith.constant 0 : i32
    %dma_start3A_50 = tpu.memref_slice %arg2[%dma_start3A_48, %dma_start3A_49] : memref<20000x64xf32, #tpu.memory_space<hbm>> -> memref<20000x64xf32, #tpu.memory_space<hbm>>
    tpu.enqueue_indirect_dma source(%dma_start3A_50 : memref<20000x64xf32, #tpu.memory_space<hbm>>) target(%arg15 : memref<80x64xf32, #tpu.memory_space<vmem>>) offsets(%dma_start3A_47 : memref<80xi32, #tpu.memory_space<vmem>>) semaphore(%arg23 : memref<!tpu.dma_semaphore, #tpu.memory_space<semaphore_mem>>)
    %dma_start3A_51 = arith.constant 4 : i32
    %dma_start3A_52 = arith.constant 0 : i32
    %dma_start3A_53 = tpu.memref_slice %arg8[%dma_start3A_51, %dma_start3A_52] : memref<250x80xi32, #tpu.memory_space<vmem>> -> memref<1x80xi32, #tpu.memory_space<vmem>>
    %dma_start3A_54 = tpu.memref_squeeze %dma_start3A_53 : memref<1x80xi32, #tpu.memory_space<vmem>> -> memref<80xi32, #tpu.memory_space<vmem>>
    %dma_start3A_55 = arith.constant 0 : i32
    %dma_start3A_56 = arith.constant 0 : i32
    %dma_start3A_57 = tpu.memref_slice %arg2[%dma_start3A_55, %dma_start3A_56] : memref<20000x64xf32, #tpu.memory_space<hbm>> -> memref<20000x64xf32, #tpu.memory_space<hbm>>
    tpu.enqueue_indirect_dma source(%dma_start3A_57 : memref<20000x64xf32, #tpu.memory_space<hbm>>) target(%arg16 : memref<80x64xf32, #tpu.memory_space<vmem>>) offsets(%dma_start3A_54 : memref<80xi32, #tpu.memory_space<vmem>>) semaphore(%arg24 : memref<!tpu.dma_semaphore, #tpu.memory_space<semaphore_mem>>)
    %dma_start3A_58 = arith.constant 5 : i32
    %dma_start3A_59 = arith.constant 0 : i32
    %dma_start3A_60 = tpu.memref_slice %arg8[%dma_start3A_58, %dma_start3A_59] : memref<250x80xi32, #tpu.memory_space<vmem>> -> memref<1x80xi32, #tpu.memory_space<vmem>>
    %dma_start3A_61 = tpu.memref_squeeze %dma_start3A_60 : memref<1x80xi32, #tpu.memory_space<vmem>> -> memref<80xi32, #tpu.memory_space<vmem>>
    %dma_start3A_62 = arith.constant 0 : i32
    %dma_start3A_63 = arith.constant 0 : i32
    %dma_start3A_64 = tpu.memref_slice %arg2[%dma_start3A_62, %dma_start3A_63] : memref<20000x64xf32, #tpu.memory_space<hbm>> -> memref<20000x64xf32, #tpu.memory_space<hbm>>
    tpu.enqueue_indirect_dma source(%dma_start3A_64 : memref<20000x64xf32, #tpu.memory_space<hbm>>) target(%arg17 : memref<80x64xf32, #tpu.memory_space<vmem>>) offsets(%dma_start3A_61 : memref<80xi32, #tpu.memory_space<vmem>>) semaphore(%arg25 : memref<!tpu.dma_semaphore, #tpu.memory_space<semaphore_mem>>)
    %dma_start3A_65 = arith.constant 6 : i32
    %dma_start3A_66 = arith.constant 0 : i32
    %dma_start3A_67 = tpu.memref_slice %arg8[%dma_start3A_65, %dma_start3A_66] : memref<250x80xi32, #tpu.memory_space<vmem>> -> memref<1x80xi32, #tpu.memory_space<vmem>>
    %dma_start3A_68 = tpu.memref_squeeze %dma_start3A_67 : memref<1x80xi32, #tpu.memory_space<vmem>> -> memref<80xi32, #tpu.memory_space<vmem>>
    %dma_start3A_69 = arith.constant 0 : i32
    %dma_start3A_70 = arith.constant 0 : i32
    %dma_start3A_71 = tpu.memref_slice %arg2[%dma_start3A_69, %dma_start3A_70] : memref<20000x64xf32, #tpu.memory_space<hbm>> -> memref<20000x64xf32, #tpu.memory_space<hbm>>
    tpu.enqueue_indirect_dma source(%dma_start3A_71 : memref<20000x64xf32, #tpu.memory_space<hbm>>) target(%arg18 : memref<80x64xf32, #tpu.memory_space<vmem>>) offsets(%dma_start3A_68 : memref<80xi32, #tpu.memory_space<vmem>>) semaphore(%arg26 : memref<!tpu.dma_semaphore, #tpu.memory_space<semaphore_mem>>)
    %dma_start3A_72 = arith.constant 7 : i32
    %dma_start3A_73 = arith.constant 0 : i32
    %dma_start3A_74 = tpu.memref_slice %arg8[%dma_start3A_72, %dma_start3A_73] : memref<250x80xi32, #tpu.memory_space<vmem>> -> memref<1x80xi32, #tpu.memory_space<vmem>>
    %dma_start3A_75 = tpu.memref_squeeze %dma_start3A_74 : memref<1x80xi32, #tpu.memory_space<vmem>> -> memref<80xi32, #tpu.memory_space<vmem>>
    %dma_start3A_76 = arith.constant 0 : i32
    %dma_start3A_77 = arith.constant 0 : i32
    %dma_start3A_78 = tpu.memref_slice %arg2[%dma_start3A_76, %dma_start3A_77] : memref<20000x64xf32, #tpu.memory_space<hbm>> -> memref<20000x64xf32, #tpu.memory_space<hbm>>
    tpu.enqueue_indirect_dma source(%dma_start3A_78 : memref<20000x64xf32, #tpu.memory_space<hbm>>) target(%arg19 : memref<80x64xf32, #tpu.memory_space<vmem>>) offsets(%dma_start3A_75 : memref<80xi32, #tpu.memory_space<vmem>>) semaphore(%arg27 : memref<!tpu.dma_semaphore, #tpu.memory_space<semaphore_mem>>)
    %scan3A_79 = arith.constant 0 : i32
    %scan3A_80 = arith.constant 0 : i32
    %scan3A_81 = arith.constant 31 : i32
    %scan3A_82 = arith.addi %scan3A_80, %scan3A_81 : i32
    %scan3A_83 = arith.constant 1 : i32
    scf.for %scan3A_131 = %scan3A_80 to %scan3A_82 step %scan3A_83  : i32 {
      %mul3A_132 = arith.constant 8 : i32
      %mul3A_133 = arith.muli %scan3A_131, %mul3A_132 : i32
      %add3A_134 = arith.constant 0 : i32
      %add3A_135 = arith.addi %mul3A_133, %add3A_134 : i32
      %dma_wait3A_136 = arith.constant 0 : i32
      %dma_wait3A_137 = tpu.memref_slice %arg8[%add3A_135, %dma_wait3A_136] : memref<250x80xi32, #tpu.memory_space<vmem>> -> memref<1x80xi32, #tpu.memory_space<vmem>>
      %dma_wait3A_138 = tpu.memref_squeeze %dma_wait3A_137 : memref<1x80xi32, #tpu.memory_space<vmem>> -> memref<80xi32, #tpu.memory_space<vmem>>
      %dma_wait3A_139 = arith.constant 0 : i32
      %dma_wait3A_140 = arith.constant 0 : i32
      %dma_wait3A_141 = tpu.memref_slice %arg2[%dma_wait3A_139, %dma_wait3A_140] : memref<20000x64xf32, #tpu.memory_space<hbm>> -> memref<20000x64xf32, #tpu.memory_space<hbm>>
      tpu.wait_indirect_dma semaphore(%arg20 : memref<!tpu.dma_semaphore, #tpu.memory_space<semaphore_mem>>) src(%dma_wait3A_141 : memref<20000x64xf32, #tpu.memory_space<hbm>>) dst(%arg12 : memref<80x64xf32, #tpu.memory_space<vmem>>)
      "tpu.region"() ({
        %run_scoped3A_251 = tpu.sem_alloc : memref<!tpu.dma_semaphore, #tpu.memory_space<semaphore_mem>>
        %dma_start3A_252 = arith.constant 0 : i32
        %dma_start3A_253 = tpu.memref_slice %arg9[%add3A_135, %dma_start3A_252] : memref<250x80xi32, #tpu.memory_space<vmem>> -> memref<1x80xi32, #tpu.memory_space<vmem>>
        %dma_start3A_254 = tpu.memref_squeeze %dma_start3A_253 : memref<1x80xi32, #tpu.memory_space<vmem>> -> memref<80xi32, #tpu.memory_space<vmem>>
        %dma_start3A_255 = arith.constant 0 : i32
        %dma_start3A_256 = arith.constant 0 : i32
        %dma_start3A_257 = tpu.memref_slice %arg11[%dma_start3A_255, %dma_start3A_256] : memref<10240x64xf32, #tpu.memory_space<vmem_shared>> -> memref<10240x64xf32, #tpu.memory_space<vmem_shared>>
        tpu.enqueue_indirect_dma source(%arg12 : memref<80x64xf32, #tpu.memory_space<vmem>>) target(%dma_start3A_257 : memref<10240x64xf32, #tpu.memory_space<vmem_shared>>) offsets(%dma_start3A_254 : memref<80xi32, #tpu.memory_space<vmem>>) semaphore(%run_scoped3A_251 : memref<!tpu.dma_semaphore, #tpu.memory_space<semaphore_mem>>) {add = true}
        %dma_wait3A_258 = arith.constant 0 : i32
        %dma_wait3A_259 = tpu.memref_slice %arg9[%add3A_135, %dma_wait3A_258] : memref<250x80xi32, #tpu.memory_space<vmem>> -> memref<1x80xi32, #tpu.memory_space<vmem>>
        %dma_wait3A_260 = tpu.memref_squeeze %dma_wait3A_259 : memref<1x80xi32, #tpu.memory_space<vmem>> -> memref<80xi32, #tpu.memory_space<vmem>>
        %dma_wait3A_261 = arith.constant 0 : i32
        %dma_wait3A_262 = arith.constant 0 : i32
        %dma_wait3A_263 = tpu.memref_slice %arg11[%dma_wait3A_261, %dma_wait3A_262] : memref<10240x64xf32, #tpu.memory_space<vmem_shared>> -> memref<10240x64xf32, #tpu.memory_space<vmem_shared>>
        tpu.wait_indirect_dma semaphore(%run_scoped3A_251 : memref<!tpu.dma_semaphore, #tpu.memory_space<semaphore_mem>>) src(%arg12 : memref<80x64xf32, #tpu.memory_space<vmem>>) dst(%dma_wait3A_263 : memref<10240x64xf32, #tpu.memory_space<vmem_shared>>)
        tpu.yield
      }) : () -> ()
      %add3A_142 = arith.constant 8 : i32
      %add3A_143 = arith.addi %add3A_135, %add3A_142 : i32
      %lt3A = arith.constant 250 : i32
      %lt3A_144 = arith.cmpi slt, %add3A_143, %lt3A : i32
      %convert_element_type3A = arith.extui %lt3A_144 : i1 to i32
      %cond3A = arith.constant 0 : i32
      %cond3A_145 = arith.cmpi ne, %convert_element_type3A, %cond3A : i32
      scf.if %cond3A_145 {
        %add3A_251 = arith.constant 8 : i32
        %add3A_252 = arith.addi %add3A_135, %add3A_251 : i32
        %dma_start3A_253 = arith.constant 0 : i32
        %dma_start3A_254 = tpu.memref_slice %arg8[%add3A_252, %dma_start3A_253] : memref<250x80xi32, #tpu.memory_space<vmem>> -> memref<1x80xi32, #tpu.memory_space<vmem>>
        %dma_start3A_255 = tpu.memref_squeeze %dma_start3A_254 : memref<1x80xi32, #tpu.memory_space<vmem>> -> memref<80xi32, #tpu.memory_space<vmem>>
        %dma_start3A_256 = arith.constant 0 : i32
        %dma_start3A_257 = arith.constant 0 : i32
        %dma_start3A_258 = tpu.memref_slice %arg2[%dma_start3A_256, %dma_start3A_257] : memref<20000x64xf32, #tpu.memory_space<hbm>> -> memref<20000x64xf32, #tpu.memory_space<hbm>>
        tpu.enqueue_indirect_dma source(%dma_start3A_258 : memref<20000x64xf32, #tpu.memory_space<hbm>>) target(%arg12 : memref<80x64xf32, #tpu.memory_space<vmem>>) offsets(%dma_start3A_255 : memref<80xi32, #tpu.memory_space<vmem>>) semaphore(%arg20 : memref<!tpu.dma_semaphore, #tpu.memory_space<semaphore_mem>>)
      } else {
      }
      %add3A_146 = arith.constant 1 : i32
      %add3A_147 = arith.addi %mul3A_133, %add3A_146 : i32
      %dma_wait3A_148 = arith.constant 0 : i32
      %dma_wait3A_149 = tpu.memref_slice %arg8[%add3A_147, %dma_wait3A_148] : memref<250x80xi32, #tpu.memory_space<vmem>> -> memref<1x80xi32, #tpu.memory_space<vmem>>
      %dma_wait3A_150 = tpu.memref_squeeze %dma_wait3A_149 : memref<1x80xi32, #tpu.memory_space<vmem>> -> memref<80xi32, #tpu.memory_space<vmem>>
      %dma_wait3A_151 = arith.constant 0 : i32
      %dma_wait3A_152 = arith.constant 0 : i32
      %dma_wait3A_153 = tpu.memref_slice %arg2[%dma_wait3A_151, %dma_wait3A_152] : memref<20000x64xf32, #tpu.memory_space<hbm>> -> memref<20000x64xf32, #tpu.memory_space<hbm>>
      tpu.wait_indirect_dma semaphore(%arg21 : memref<!tpu.dma_semaphore, #tpu.memory_space<semaphore_mem>>) src(%dma_wait3A_153 : memref<20000x64xf32, #tpu.memory_space<hbm>>) dst(%arg13 : memref<80x64xf32, #tpu.memory_space<vmem>>)
      "tpu.region"() ({
        %run_scoped3A_251 = tpu.sem_alloc : memref<!tpu.dma_semaphore, #tpu.memory_space<semaphore_mem>>
        %dma_start3A_252 = arith.constant 0 : i32
        %dma_start3A_253 = tpu.memref_slice %arg9[%add3A_147, %dma_start3A_252] : memref<250x80xi32, #tpu.memory_space<vmem>> -> memref<1x80xi32, #tpu.memory_space<vmem>>
        %dma_start3A_254 = tpu.memref_squeeze %dma_start3A_253 : memref<1x80xi32, #tpu.memory_space<vmem>> -> memref<80xi32, #tpu.memory_space<vmem>>
        %dma_start3A_255 = arith.constant 0 : i32
        %dma_start3A_256 = arith.constant 0 : i32
        %dma_start3A_257 = tpu.memref_slice %arg11[%dma_start3A_255, %dma_start3A_256] : memref<10240x64xf32, #tpu.memory_space<vmem_shared>> -> memref<10240x64xf32, #tpu.memory_space<vmem_shared>>
        tpu.enqueue_indirect_dma source(%arg13 : memref<80x64xf32, #tpu.memory_space<vmem>>) target(%dma_start3A_257 : memref<10240x64xf32, #tpu.memory_space<vmem_shared>>) offsets(%dma_start3A_254 : memref<80xi32, #tpu.memory_space<vmem>>) semaphore(%run_scoped3A_251 : memref<!tpu.dma_semaphore, #tpu.memory_space<semaphore_mem>>) {add = true}
        %dma_wait3A_258 = arith.constant 0 : i32
        %dma_wait3A_259 = tpu.memref_slice %arg9[%add3A_147, %dma_wait3A_258] : memref<250x80xi32, #tpu.memory_space<vmem>> -> memref<1x80xi32, #tpu.memory_space<vmem>>
        %dma_wait3A_260 = tpu.memref_squeeze %dma_wait3A_259 : memref<1x80xi32, #tpu.memory_space<vmem>> -> memref<80xi32, #tpu.memory_space<vmem>>
        %dma_wait3A_261 = arith.constant 0 : i32
        %dma_wait3A_262 = arith.constant 0 : i32
        %dma_wait3A_263 = tpu.memref_slice %arg11[%dma_wait3A_261, %dma_wait3A_262] : memref<10240x64xf32, #tpu.memory_space<vmem_shared>> -> memref<10240x64xf32, #tpu.memory_space<vmem_shared>>
        tpu.wait_indirect_dma semaphore(%run_scoped3A_251 : memref<!tpu.dma_semaphore, #tpu.memory_space<semaphore_mem>>) src(%arg13 : memref<80x64xf32, #tpu.memory_space<vmem>>) dst(%dma_wait3A_263 : memref<10240x64xf32, #tpu.memory_space<vmem_shared>>)
        tpu.yield
      }) : () -> ()
      %add3A_154 = arith.constant 8 : i32
      %add3A_155 = arith.addi %add3A_147, %add3A_154 : i32
      %lt3A_156 = arith.constant 250 : i32
      %lt3A_157 = arith.cmpi slt, %add3A_155, %lt3A_156 : i32
      %convert_element_type3A_158 = arith.extui %lt3A_157 : i1 to i32
      %cond3A_159 = arith.constant 0 : i32
      %cond3A_160 = arith.cmpi ne, %convert_element_type3A_158, %cond3A_159 : i32
      scf.if %cond3A_160 {
        %add3A_251 = arith.constant 8 : i32
        %add3A_252 = arith.addi %add3A_147, %add3A_251 : i32
        %dma_start3A_253 = arith.constant 0 : i32
        %dma_start3A_254 = tpu.memref_slice %arg8[%add3A_252, %dma_start3A_253] : memref<250x80xi32, #tpu.memory_space<vmem>> -> memref<1x80xi32, #tpu.memory_space<vmem>>
        %dma_start3A_255 = tpu.memref_squeeze %dma_start3A_254 : memref<1x80xi32, #tpu.memory_space<vmem>> -> memref<80xi32, #tpu.memory_space<vmem>>
        %dma_start3A_256 = arith.constant 0 : i32
        %dma_start3A_257 = arith.constant 0 : i32
        %dma_start3A_258 = tpu.memref_slice %arg2[%dma_start3A_256, %dma_start3A_257] : memref<20000x64xf32, #tpu.memory_space<hbm>> -> memref<20000x64xf32, #tpu.memory_space<hbm>>
        tpu.enqueue_indirect_dma source(%dma_start3A_258 : memref<20000x64xf32, #tpu.memory_space<hbm>>) target(%arg13 : memref<80x64xf32, #tpu.memory_space<vmem>>) offsets(%dma_start3A_255 : memref<80xi32, #tpu.memory_space<vmem>>) semaphore(%arg21 : memref<!tpu.dma_semaphore, #tpu.memory_space<semaphore_mem>>)
      } else {
      }
      %add3A_161 = arith.constant 2 : i32
      %add3A_162 = arith.addi %mul3A_133, %add3A_161 : i32
      %dma_wait3A_163 = arith.constant 0 : i32
      %dma_wait3A_164 = tpu.memref_slice %arg8[%add3A_162, %dma_wait3A_163] : memref<250x80xi32, #tpu.memory_space<vmem>> -> memref<1x80xi32, #tpu.memory_space<vmem>>
      %dma_wait3A_165 = tpu.memref_squeeze %dma_wait3A_164 : memref<1x80xi32, #tpu.memory_space<vmem>> -> memref<80xi32, #tpu.memory_space<vmem>>
      %dma_wait3A_166 = arith.constant 0 : i32
      %dma_wait3A_167 = arith.constant 0 : i32
      %dma_wait3A_168 = tpu.memref_slice %arg2[%dma_wait3A_166, %dma_wait3A_167] : memref<20000x64xf32, #tpu.memory_space<hbm>> -> memref<20000x64xf32, #tpu.memory_space<hbm>>
      tpu.wait_indirect_dma semaphore(%arg22 : memref<!tpu.dma_semaphore, #tpu.memory_space<semaphore_mem>>) src(%dma_wait3A_168 : memref<20000x64xf32, #tpu.memory_space<hbm>>) dst(%arg14 : memref<80x64xf32, #tpu.memory_space<vmem>>)
      "tpu.region"() ({
        %run_scoped3A_251 = tpu.sem_alloc : memref<!tpu.dma_semaphore, #tpu.memory_space<semaphore_mem>>
        %dma_start3A_252 = arith.constant 0 : i32
        %dma_start3A_253 = tpu.memref_slice %arg9[%add3A_162, %dma_start3A_252] : memref<250x80xi32, #tpu.memory_space<vmem>> -> memref<1x80xi32, #tpu.memory_space<vmem>>
        %dma_start3A_254 = tpu.memref_squeeze %dma_start3A_253 : memref<1x80xi32, #tpu.memory_space<vmem>> -> memref<80xi32, #tpu.memory_space<vmem>>
        %dma_start3A_255 = arith.constant 0 : i32
        %dma_start3A_256 = arith.constant 0 : i32
        %dma_start3A_257 = tpu.memref_slice %arg11[%dma_start3A_255, %dma_start3A_256] : memref<10240x64xf32, #tpu.memory_space<vmem_shared>> -> memref<10240x64xf32, #tpu.memory_space<vmem_shared>>
        tpu.enqueue_indirect_dma source(%arg14 : memref<80x64xf32, #tpu.memory_space<vmem>>) target(%dma_start3A_257 : memref<10240x64xf32, #tpu.memory_space<vmem_shared>>) offsets(%dma_start3A_254 : memref<80xi32, #tpu.memory_space<vmem>>) semaphore(%run_scoped3A_251 : memref<!tpu.dma_semaphore, #tpu.memory_space<semaphore_mem>>) {add = true}
        %dma_wait3A_258 = arith.constant 0 : i32
        %dma_wait3A_259 = tpu.memref_slice %arg9[%add3A_162, %dma_wait3A_258] : memref<250x80xi32, #tpu.memory_space<vmem>> -> memref<1x80xi32, #tpu.memory_space<vmem>>
        %dma_wait3A_260 = tpu.memref_squeeze %dma_wait3A_259 : memref<1x80xi32, #tpu.memory_space<vmem>> -> memref<80xi32, #tpu.memory_space<vmem>>
        %dma_wait3A_261 = arith.constant 0 : i32
        %dma_wait3A_262 = arith.constant 0 : i32
        %dma_wait3A_263 = tpu.memref_slice %arg11[%dma_wait3A_261, %dma_wait3A_262] : memref<10240x64xf32, #tpu.memory_space<vmem_shared>> -> memref<10240x64xf32, #tpu.memory_space<vmem_shared>>
        tpu.wait_indirect_dma semaphore(%run_scoped3A_251 : memref<!tpu.dma_semaphore, #tpu.memory_space<semaphore_mem>>) src(%arg14 : memref<80x64xf32, #tpu.memory_space<vmem>>) dst(%dma_wait3A_263 : memref<10240x64xf32, #tpu.memory_space<vmem_shared>>)
        tpu.yield
      }) : () -> ()
      %add3A_169 = arith.constant 8 : i32
      %add3A_170 = arith.addi %add3A_162, %add3A_169 : i32
      %lt3A_171 = arith.constant 250 : i32
      %lt3A_172 = arith.cmpi slt, %add3A_170, %lt3A_171 : i32
      %convert_element_type3A_173 = arith.extui %lt3A_172 : i1 to i32
      %cond3A_174 = arith.constant 0 : i32
      %cond3A_175 = arith.cmpi ne, %convert_element_type3A_173, %cond3A_174 : i32
      scf.if %cond3A_175 {
        %add3A_251 = arith.constant 8 : i32
        %add3A_252 = arith.addi %add3A_162, %add3A_251 : i32
        %dma_start3A_253 = arith.constant 0 : i32
        %dma_start3A_254 = tpu.memref_slice %arg8[%add3A_252, %dma_start3A_253] : memref<250x80xi32, #tpu.memory_space<vmem>> -> memref<1x80xi32, #tpu.memory_space<vmem>>
        %dma_start3A_255 = tpu.memref_squeeze %dma_start3A_254 : memref<1x80xi32, #tpu.memory_space<vmem>> -> memref<80xi32, #tpu.memory_space<vmem>>
        %dma_start3A_256 = arith.constant 0 : i32
        %dma_start3A_257 = arith.constant 0 : i32
        %dma_start3A_258 = tpu.memref_slice %arg2[%dma_start3A_256, %dma_start3A_257] : memref<20000x64xf32, #tpu.memory_space<hbm>> -> memref<20000x64xf32, #tpu.memory_space<hbm>>
        tpu.enqueue_indirect_dma source(%dma_start3A_258 : memref<20000x64xf32, #tpu.memory_space<hbm>>) target(%arg14 : memref<80x64xf32, #tpu.memory_space<vmem>>) offsets(%dma_start3A_255 : memref<80xi32, #tpu.memory_space<vmem>>) semaphore(%arg22 : memref<!tpu.dma_semaphore, #tpu.memory_space<semaphore_mem>>)
      } else {
      }
      %add3A_176 = arith.constant 3 : i32
      %add3A_177 = arith.addi %mul3A_133, %add3A_176 : i32
      %dma_wait3A_178 = arith.constant 0 : i32
      %dma_wait3A_179 = tpu.memref_slice %arg8[%add3A_177, %dma_wait3A_178] : memref<250x80xi32, #tpu.memory_space<vmem>> -> memref<1x80xi32, #tpu.memory_space<vmem>>
      %dma_wait3A_180 = tpu.memref_squeeze %dma_wait3A_179 : memref<1x80xi32, #tpu.memory_space<vmem>> -> memref<80xi32, #tpu.memory_space<vmem>>
      %dma_wait3A_181 = arith.constant 0 : i32
      %dma_wait3A_182 = arith.constant 0 : i32
      %dma_wait3A_183 = tpu.memref_slice %arg2[%dma_wait3A_181, %dma_wait3A_182] : memref<20000x64xf32, #tpu.memory_space<hbm>> -> memref<20000x64xf32, #tpu.memory_space<hbm>>
      tpu.wait_indirect_dma semaphore(%arg23 : memref<!tpu.dma_semaphore, #tpu.memory_space<semaphore_mem>>) src(%dma_wait3A_183 : memref<20000x64xf32, #tpu.memory_space<hbm>>) dst(%arg15 : memref<80x64xf32, #tpu.memory_space<vmem>>)
      "tpu.region"() ({
        %run_scoped3A_251 = tpu.sem_alloc : memref<!tpu.dma_semaphore, #tpu.memory_space<semaphore_mem>>
        %dma_start3A_252 = arith.constant 0 : i32
        %dma_start3A_253 = tpu.memref_slice %arg9[%add3A_177, %dma_start3A_252] : memref<250x80xi32, #tpu.memory_space<vmem>> -> memref<1x80xi32, #tpu.memory_space<vmem>>
        %dma_start3A_254 = tpu.memref_squeeze %dma_start3A_253 : memref<1x80xi32, #tpu.memory_space<vmem>> -> memref<80xi32, #tpu.memory_space<vmem>>
        %dma_start3A_255 = arith.constant 0 : i32
        %dma_start3A_256 = arith.constant 0 : i32
        %dma_start3A_257 = tpu.memref_slice %arg11[%dma_start3A_255, %dma_start3A_256] : memref<10240x64xf32, #tpu.memory_space<vmem_shared>> -> memref<10240x64xf32, #tpu.memory_space<vmem_shared>>
        tpu.enqueue_indirect_dma source(%arg15 : memref<80x64xf32, #tpu.memory_space<vmem>>) target(%dma_start3A_257 : memref<10240x64xf32, #tpu.memory_space<vmem_shared>>) offsets(%dma_start3A_254 : memref<80xi32, #tpu.memory_space<vmem>>) semaphore(%run_scoped3A_251 : memref<!tpu.dma_semaphore, #tpu.memory_space<semaphore_mem>>) {add = true}
        %dma_wait3A_258 = arith.constant 0 : i32
        %dma_wait3A_259 = tpu.memref_slice %arg9[%add3A_177, %dma_wait3A_258] : memref<250x80xi32, #tpu.memory_space<vmem>> -> memref<1x80xi32, #tpu.memory_space<vmem>>
        %dma_wait3A_260 = tpu.memref_squeeze %dma_wait3A_259 : memref<1x80xi32, #tpu.memory_space<vmem>> -> memref<80xi32, #tpu.memory_space<vmem>>
        %dma_wait3A_261 = arith.constant 0 : i32
        %dma_wait3A_262 = arith.constant 0 : i32
        %dma_wait3A_263 = tpu.memref_slice %arg11[%dma_wait3A_261, %dma_wait3A_262] : memref<10240x64xf32, #tpu.memory_space<vmem_shared>> -> memref<10240x64xf32, #tpu.memory_space<vmem_shared>>
        tpu.wait_indirect_dma semaphore(%run_scoped3A_251 : memref<!tpu.dma_semaphore, #tpu.memory_space<semaphore_mem>>) src(%arg15 : memref<80x64xf32, #tpu.memory_space<vmem>>) dst(%dma_wait3A_263 : memref<10240x64xf32, #tpu.memory_space<vmem_shared>>)
        tpu.yield
      }) : () -> ()
      %add3A_184 = arith.constant 8 : i32
      %add3A_185 = arith.addi %add3A_177, %add3A_184 : i32
      %lt3A_186 = arith.constant 250 : i32
      %lt3A_187 = arith.cmpi slt, %add3A_185, %lt3A_186 : i32
      %convert_element_type3A_188 = arith.extui %lt3A_187 : i1 to i32
      %cond3A_189 = arith.constant 0 : i32
      %cond3A_190 = arith.cmpi ne, %convert_element_type3A_188, %cond3A_189 : i32
      scf.if %cond3A_190 {
        %add3A_251 = arith.constant 8 : i32
        %add3A_252 = arith.addi %add3A_177, %add3A_251 : i32
        %dma_start3A_253 = arith.constant 0 : i32
        %dma_start3A_254 = tpu.memref_slice %arg8[%add3A_252, %dma_start3A_253] : memref<250x80xi32, #tpu.memory_space<vmem>> -> memref<1x80xi32, #tpu.memory_space<vmem>>
        %dma_start3A_255 = tpu.memref_squeeze %dma_start3A_254 : memref<1x80xi32, #tpu.memory_space<vmem>> -> memref<80xi32, #tpu.memory_space<vmem>>
        %dma_start3A_256 = arith.constant 0 : i32
        %dma_start3A_257 = arith.constant 0 : i32
        %dma_start3A_258 = tpu.memref_slice %arg2[%dma_start3A_256, %dma_start3A_257] : memref<20000x64xf32, #tpu.memory_space<hbm>> -> memref<20000x64xf32, #tpu.memory_space<hbm>>
        tpu.enqueue_indirect_dma source(%dma_start3A_258 : memref<20000x64xf32, #tpu.memory_space<hbm>>) target(%arg15 : memref<80x64xf32, #tpu.memory_space<vmem>>) offsets(%dma_start3A_255 : memref<80xi32, #tpu.memory_space<vmem>>) semaphore(%arg23 : memref<!tpu.dma_semaphore, #tpu.memory_space<semaphore_mem>>)
      } else {
      }
      %add3A_191 = arith.constant 4 : i32
      %add3A_192 = arith.addi %mul3A_133, %add3A_191 : i32
      %dma_wait3A_193 = arith.constant 0 : i32
      %dma_wait3A_194 = tpu.memref_slice %arg8[%add3A_192, %dma_wait3A_193] : memref<250x80xi32, #tpu.memory_space<vmem>> -> memref<1x80xi32, #tpu.memory_space<vmem>>
      %dma_wait3A_195 = tpu.memref_squeeze %dma_wait3A_194 : memref<1x80xi32, #tpu.memory_space<vmem>> -> memref<80xi32, #tpu.memory_space<vmem>>
      %dma_wait3A_196 = arith.constant 0 : i32
      %dma_wait3A_197 = arith.constant 0 : i32
      %dma_wait3A_198 = tpu.memref_slice %arg2[%dma_wait3A_196, %dma_wait3A_197] : memref<20000x64xf32, #tpu.memory_space<hbm>> -> memref<20000x64xf32, #tpu.memory_space<hbm>>
      tpu.wait_indirect_dma semaphore(%arg24 : memref<!tpu.dma_semaphore, #tpu.memory_space<semaphore_mem>>) src(%dma_wait3A_198 : memref<20000x64xf32, #tpu.memory_space<hbm>>) dst(%arg16 : memref<80x64xf32, #tpu.memory_space<vmem>>)
      "tpu.region"() ({
        %run_scoped3A_251 = tpu.sem_alloc : memref<!tpu.dma_semaphore, #tpu.memory_space<semaphore_mem>>
        %dma_start3A_252 = arith.constant 0 : i32
        %dma_start3A_253 = tpu.memref_slice %arg9[%add3A_192, %dma_start3A_252] : memref<250x80xi32, #tpu.memory_space<vmem>> -> memref<1x80xi32, #tpu.memory_space<vmem>>
        %dma_start3A_254 = tpu.memref_squeeze %dma_start3A_253 : memref<1x80xi32, #tpu.memory_space<vmem>> -> memref<80xi32, #tpu.memory_space<vmem>>
        %dma_start3A_255 = arith.constant 0 : i32
        %dma_start3A_256 = arith.constant 0 : i32
        %dma_start3A_257 = tpu.memref_slice %arg11[%dma_start3A_255, %dma_start3A_256] : memref<10240x64xf32, #tpu.memory_space<vmem_shared>> -> memref<10240x64xf32, #tpu.memory_space<vmem_shared>>
        tpu.enqueue_indirect_dma source(%arg16 : memref<80x64xf32, #tpu.memory_space<vmem>>) target(%dma_start3A_257 : memref<10240x64xf32, #tpu.memory_space<vmem_shared>>) offsets(%dma_start3A_254 : memref<80xi32, #tpu.memory_space<vmem>>) semaphore(%run_scoped3A_251 : memref<!tpu.dma_semaphore, #tpu.memory_space<semaphore_mem>>) {add = true}
        %dma_wait3A_258 = arith.constant 0 : i32
        %dma_wait3A_259 = tpu.memref_slice %arg9[%add3A_192, %dma_wait3A_258] : memref<250x80xi32, #tpu.memory_space<vmem>> -> memref<1x80xi32, #tpu.memory_space<vmem>>
        %dma_wait3A_260 = tpu.memref_squeeze %dma_wait3A_259 : memref<1x80xi32, #tpu.memory_space<vmem>> -> memref<80xi32, #tpu.memory_space<vmem>>
        %dma_wait3A_261 = arith.constant 0 : i32
        %dma_wait3A_262 = arith.constant 0 : i32
        %dma_wait3A_263 = tpu.memref_slice %arg11[%dma_wait3A_261, %dma_wait3A_262] : memref<10240x64xf32, #tpu.memory_space<vmem_shared>> -> memref<10240x64xf32, #tpu.memory_space<vmem_shared>>
        tpu.wait_indirect_dma semaphore(%run_scoped3A_251 : memref<!tpu.dma_semaphore, #tpu.memory_space<semaphore_mem>>) src(%arg16 : memref<80x64xf32, #tpu.memory_space<vmem>>) dst(%dma_wait3A_263 : memref<10240x64xf32, #tpu.memory_space<vmem_shared>>)
        tpu.yield
      }) : () -> ()
      %add3A_199 = arith.constant 8 : i32
      %add3A_200 = arith.addi %add3A_192, %add3A_199 : i32
      %lt3A_201 = arith.constant 250 : i32
      %lt3A_202 = arith.cmpi slt, %add3A_200, %lt3A_201 : i32
      %convert_element_type3A_203 = arith.extui %lt3A_202 : i1 to i32
      %cond3A_204 = arith.constant 0 : i32
      %cond3A_205 = arith.cmpi ne, %convert_element_type3A_203, %cond3A_204 : i32
      scf.if %cond3A_205 {
        %add3A_251 = arith.constant 8 : i32
        %add3A_252 = arith.addi %add3A_192, %add3A_251 : i32
        %dma_start3A_253 = arith.constant 0 : i32
        %dma_start3A_254 = tpu.memref_slice %arg8[%add3A_252, %dma_start3A_253] : memref<250x80xi32, #tpu.memory_space<vmem>> -> memref<1x80xi32, #tpu.memory_space<vmem>>
        %dma_start3A_255 = tpu.memref_squeeze %dma_start3A_254 : memref<1x80xi32, #tpu.memory_space<vmem>> -> memref<80xi32, #tpu.memory_space<vmem>>
        %dma_start3A_256 = arith.constant 0 : i32
        %dma_start3A_257 = arith.constant 0 : i32
        %dma_start3A_258 = tpu.memref_slice %arg2[%dma_start3A_256, %dma_start3A_257] : memref<20000x64xf32, #tpu.memory_space<hbm>> -> memref<20000x64xf32, #tpu.memory_space<hbm>>
        tpu.enqueue_indirect_dma source(%dma_start3A_258 : memref<20000x64xf32, #tpu.memory_space<hbm>>) target(%arg16 : memref<80x64xf32, #tpu.memory_space<vmem>>) offsets(%dma_start3A_255 : memref<80xi32, #tpu.memory_space<vmem>>) semaphore(%arg24 : memref<!tpu.dma_semaphore, #tpu.memory_space<semaphore_mem>>)
      } else {
      }
      %add3A_206 = arith.constant 5 : i32
      %add3A_207 = arith.addi %mul3A_133, %add3A_206 : i32
      %dma_wait3A_208 = arith.constant 0 : i32
      %dma_wait3A_209 = tpu.memref_slice %arg8[%add3A_207, %dma_wait3A_208] : memref<250x80xi32, #tpu.memory_space<vmem>> -> memref<1x80xi32, #tpu.memory_space<vmem>>
      %dma_wait3A_210 = tpu.memref_squeeze %dma_wait3A_209 : memref<1x80xi32, #tpu.memory_space<vmem>> -> memref<80xi32, #tpu.memory_space<vmem>>
      %dma_wait3A_211 = arith.constant 0 : i32
      %dma_wait3A_212 = arith.constant 0 : i32
      %dma_wait3A_213 = tpu.memref_slice %arg2[%dma_wait3A_211, %dma_wait3A_212] : memref<20000x64xf32, #tpu.memory_space<hbm>> -> memref<20000x64xf32, #tpu.memory_space<hbm>>
      tpu.wait_indirect_dma semaphore(%arg25 : memref<!tpu.dma_semaphore, #tpu.memory_space<semaphore_mem>>) src(%dma_wait3A_213 : memref<20000x64xf32, #tpu.memory_space<hbm>>) dst(%arg17 : memref<80x64xf32, #tpu.memory_space<vmem>>)
      "tpu.region"() ({
        %run_scoped3A_251 = tpu.sem_alloc : memref<!tpu.dma_semaphore, #tpu.memory_space<semaphore_mem>>
        %dma_start3A_252 = arith.constant 0 : i32
        %dma_start3A_253 = tpu.memref_slice %arg9[%add3A_207, %dma_start3A_252] : memref<250x80xi32, #tpu.memory_space<vmem>> -> memref<1x80xi32, #tpu.memory_space<vmem>>
        %dma_start3A_254 = tpu.memref_squeeze %dma_start3A_253 : memref<1x80xi32, #tpu.memory_space<vmem>> -> memref<80xi32, #tpu.memory_space<vmem>>
        %dma_start3A_255 = arith.constant 0 : i32
        %dma_start3A_256 = arith.constant 0 : i32
        %dma_start3A_257 = tpu.memref_slice %arg11[%dma_start3A_255, %dma_start3A_256] : memref<10240x64xf32, #tpu.memory_space<vmem_shared>> -> memref<10240x64xf32, #tpu.memory_space<vmem_shared>>
        tpu.enqueue_indirect_dma source(%arg17 : memref<80x64xf32, #tpu.memory_space<vmem>>) target(%dma_start3A_257 : memref<10240x64xf32, #tpu.memory_space<vmem_shared>>) offsets(%dma_start3A_254 : memref<80xi32, #tpu.memory_space<vmem>>) semaphore(%run_scoped3A_251 : memref<!tpu.dma_semaphore, #tpu.memory_space<semaphore_mem>>) {add = true}
        %dma_wait3A_258 = arith.constant 0 : i32
        %dma_wait3A_259 = tpu.memref_slice %arg9[%add3A_207, %dma_wait3A_258] : memref<250x80xi32, #tpu.memory_space<vmem>> -> memref<1x80xi32, #tpu.memory_space<vmem>>
        %dma_wait3A_260 = tpu.memref_squeeze %dma_wait3A_259 : memref<1x80xi32, #tpu.memory_space<vmem>> -> memref<80xi32, #tpu.memory_space<vmem>>
        %dma_wait3A_261 = arith.constant 0 : i32
        %dma_wait3A_262 = arith.constant 0 : i32
        %dma_wait3A_263 = tpu.memref_slice %arg11[%dma_wait3A_261, %dma_wait3A_262] : memref<10240x64xf32, #tpu.memory_space<vmem_shared>> -> memref<10240x64xf32, #tpu.memory_space<vmem_shared>>
        tpu.wait_indirect_dma semaphore(%run_scoped3A_251 : memref<!tpu.dma_semaphore, #tpu.memory_space<semaphore_mem>>) src(%arg17 : memref<80x64xf32, #tpu.memory_space<vmem>>) dst(%dma_wait3A_263 : memref<10240x64xf32, #tpu.memory_space<vmem_shared>>)
        tpu.yield
      }) : () -> ()
      %add3A_214 = arith.constant 8 : i32
      %add3A_215 = arith.addi %add3A_207, %add3A_214 : i32
      %lt3A_216 = arith.constant 250 : i32
      %lt3A_217 = arith.cmpi slt, %add3A_215, %lt3A_216 : i32
      %convert_element_type3A_218 = arith.extui %lt3A_217 : i1 to i32
      %cond3A_219 = arith.constant 0 : i32
      %cond3A_220 = arith.cmpi ne, %convert_element_type3A_218, %cond3A_219 : i32
      scf.if %cond3A_220 {
        %add3A_251 = arith.constant 8 : i32
        %add3A_252 = arith.addi %add3A_207, %add3A_251 : i32
        %dma_start3A_253 = arith.constant 0 : i32
        %dma_start3A_254 = tpu.memref_slice %arg8[%add3A_252, %dma_start3A_253] : memref<250x80xi32, #tpu.memory_space<vmem>> -> memref<1x80xi32, #tpu.memory_space<vmem>>
        %dma_start3A_255 = tpu.memref_squeeze %dma_start3A_254 : memref<1x80xi32, #tpu.memory_space<vmem>> -> memref<80xi32, #tpu.memory_space<vmem>>
        %dma_start3A_256 = arith.constant 0 : i32
        %dma_start3A_257 = arith.constant 0 : i32
        %dma_start3A_258 = tpu.memref_slice %arg2[%dma_start3A_256, %dma_start3A_257] : memref<20000x64xf32, #tpu.memory_space<hbm>> -> memref<20000x64xf32, #tpu.memory_space<hbm>>
        tpu.enqueue_indirect_dma source(%dma_start3A_258 : memref<20000x64xf32, #tpu.memory_space<hbm>>) target(%arg17 : memref<80x64xf32, #tpu.memory_space<vmem>>) offsets(%dma_start3A_255 : memref<80xi32, #tpu.memory_space<vmem>>) semaphore(%arg25 : memref<!tpu.dma_semaphore, #tpu.memory_space<semaphore_mem>>)
      } else {
      }
      %add3A_221 = arith.constant 6 : i32
      %add3A_222 = arith.addi %mul3A_133, %add3A_221 : i32
      %dma_wait3A_223 = arith.constant 0 : i32
      %dma_wait3A_224 = tpu.memref_slice %arg8[%add3A_222, %dma_wait3A_223] : memref<250x80xi32, #tpu.memory_space<vmem>> -> memref<1x80xi32, #tpu.memory_space<vmem>>
      %dma_wait3A_225 = tpu.memref_squeeze %dma_wait3A_224 : memref<1x80xi32, #tpu.memory_space<vmem>> -> memref<80xi32, #tpu.memory_space<vmem>>
      %dma_wait3A_226 = arith.constant 0 : i32
      %dma_wait3A_227 = arith.constant 0 : i32
      %dma_wait3A_228 = tpu.memref_slice %arg2[%dma_wait3A_226, %dma_wait3A_227] : memref<20000x64xf32, #tpu.memory_space<hbm>> -> memref<20000x64xf32, #tpu.memory_space<hbm>>
      tpu.wait_indirect_dma semaphore(%arg26 : memref<!tpu.dma_semaphore, #tpu.memory_space<semaphore_mem>>) src(%dma_wait3A_228 : memref<20000x64xf32, #tpu.memory_space<hbm>>) dst(%arg18 : memref<80x64xf32, #tpu.memory_space<vmem>>)
      "tpu.region"() ({
        %run_scoped3A_251 = tpu.sem_alloc : memref<!tpu.dma_semaphore, #tpu.memory_space<semaphore_mem>>
        %dma_start3A_252 = arith.constant 0 : i32
        %dma_start3A_253 = tpu.memref_slice %arg9[%add3A_222, %dma_start3A_252] : memref<250x80xi32, #tpu.memory_space<vmem>> -> memref<1x80xi32, #tpu.memory_space<vmem>>
        %dma_start3A_254 = tpu.memref_squeeze %dma_start3A_253 : memref<1x80xi32, #tpu.memory_space<vmem>> -> memref<80xi32, #tpu.memory_space<vmem>>
        %dma_start3A_255 = arith.constant 0 : i32
        %dma_start3A_256 = arith.constant 0 : i32
        %dma_start3A_257 = tpu.memref_slice %arg11[%dma_start3A_255, %dma_start3A_256] : memref<10240x64xf32, #tpu.memory_space<vmem_shared>> -> memref<10240x64xf32, #tpu.memory_space<vmem_shared>>
        tpu.enqueue_indirect_dma source(%arg18 : memref<80x64xf32, #tpu.memory_space<vmem>>) target(%dma_start3A_257 : memref<10240x64xf32, #tpu.memory_space<vmem_shared>>) offsets(%dma_start3A_254 : memref<80xi32, #tpu.memory_space<vmem>>) semaphore(%run_scoped3A_251 : memref<!tpu.dma_semaphore, #tpu.memory_space<semaphore_mem>>) {add = true}
        %dma_wait3A_258 = arith.constant 0 : i32
        %dma_wait3A_259 = tpu.memref_slice %arg9[%add3A_222, %dma_wait3A_258] : memref<250x80xi32, #tpu.memory_space<vmem>> -> memref<1x80xi32, #tpu.memory_space<vmem>>
        %dma_wait3A_260 = tpu.memref_squeeze %dma_wait3A_259 : memref<1x80xi32, #tpu.memory_space<vmem>> -> memref<80xi32, #tpu.memory_space<vmem>>
        %dma_wait3A_261 = arith.constant 0 : i32
        %dma_wait3A_262 = arith.constant 0 : i32
        %dma_wait3A_263 = tpu.memref_slice %arg11[%dma_wait3A_261, %dma_wait3A_262] : memref<10240x64xf32, #tpu.memory_space<vmem_shared>> -> memref<10240x64xf32, #tpu.memory_space<vmem_shared>>
        tpu.wait_indirect_dma semaphore(%run_scoped3A_251 : memref<!tpu.dma_semaphore, #tpu.memory_space<semaphore_mem>>) src(%arg18 : memref<80x64xf32, #tpu.memory_space<vmem>>) dst(%dma_wait3A_263 : memref<10240x64xf32, #tpu.memory_space<vmem_shared>>)
        tpu.yield
      }) : () -> ()
      %add3A_229 = arith.constant 8 : i32
      %add3A_230 = arith.addi %add3A_222, %add3A_229 : i32
      %lt3A_231 = arith.constant 250 : i32
      %lt3A_232 = arith.cmpi slt, %add3A_230, %lt3A_231 : i32
      %convert_element_type3A_233 = arith.extui %lt3A_232 : i1 to i32
      %cond3A_234 = arith.constant 0 : i32
      %cond3A_235 = arith.cmpi ne, %convert_element_type3A_233, %cond3A_234 : i32
      scf.if %cond3A_235 {
        %add3A_251 = arith.constant 8 : i32
        %add3A_252 = arith.addi %add3A_222, %add3A_251 : i32
        %dma_start3A_253 = arith.constant 0 : i32
        %dma_start3A_254 = tpu.memref_slice %arg8[%add3A_252, %dma_start3A_253] : memref<250x80xi32, #tpu.memory_space<vmem>> -> memref<1x80xi32, #tpu.memory_space<vmem>>
        %dma_start3A_255 = tpu.memref_squeeze %dma_start3A_254 : memref<1x80xi32, #tpu.memory_space<vmem>> -> memref<80xi32, #tpu.memory_space<vmem>>
        %dma_start3A_256 = arith.constant 0 : i32
        %dma_start3A_257 = arith.constant 0 : i32
        %dma_start3A_258 = tpu.memref_slice %arg2[%dma_start3A_256, %dma_start3A_257] : memref<20000x64xf32, #tpu.memory_space<hbm>> -> memref<20000x64xf32, #tpu.memory_space<hbm>>
        tpu.enqueue_indirect_dma source(%dma_start3A_258 : memref<20000x64xf32, #tpu.memory_space<hbm>>) target(%arg18 : memref<80x64xf32, #tpu.memory_space<vmem>>) offsets(%dma_start3A_255 : memref<80xi32, #tpu.memory_space<vmem>>) semaphore(%arg26 : memref<!tpu.dma_semaphore, #tpu.memory_space<semaphore_mem>>)
      } else {
      }
      %add3A_236 = arith.constant 7 : i32
      %add3A_237 = arith.addi %mul3A_133, %add3A_236 : i32
      %dma_wait3A_238 = arith.constant 0 : i32
      %dma_wait3A_239 = tpu.memref_slice %arg8[%add3A_237, %dma_wait3A_238] : memref<250x80xi32, #tpu.memory_space<vmem>> -> memref<1x80xi32, #tpu.memory_space<vmem>>
      %dma_wait3A_240 = tpu.memref_squeeze %dma_wait3A_239 : memref<1x80xi32, #tpu.memory_space<vmem>> -> memref<80xi32, #tpu.memory_space<vmem>>
      %dma_wait3A_241 = arith.constant 0 : i32
      %dma_wait3A_242 = arith.constant 0 : i32
      %dma_wait3A_243 = tpu.memref_slice %arg2[%dma_wait3A_241, %dma_wait3A_242] : memref<20000x64xf32, #tpu.memory_space<hbm>> -> memref<20000x64xf32, #tpu.memory_space<hbm>>
      tpu.wait_indirect_dma semaphore(%arg27 : memref<!tpu.dma_semaphore, #tpu.memory_space<semaphore_mem>>) src(%dma_wait3A_243 : memref<20000x64xf32, #tpu.memory_space<hbm>>) dst(%arg19 : memref<80x64xf32, #tpu.memory_space<vmem>>)
      "tpu.region"() ({
        %run_scoped3A_251 = tpu.sem_alloc : memref<!tpu.dma_semaphore, #tpu.memory_space<semaphore_mem>>
        %dma_start3A_252 = arith.constant 0 : i32
        %dma_start3A_253 = tpu.memref_slice %arg9[%add3A_237, %dma_start3A_252] : memref<250x80xi32, #tpu.memory_space<vmem>> -> memref<1x80xi32, #tpu.memory_space<vmem>>
        %dma_start3A_254 = tpu.memref_squeeze %dma_start3A_253 : memref<1x80xi32, #tpu.memory_space<vmem>> -> memref<80xi32, #tpu.memory_space<vmem>>
        %dma_start3A_255 = arith.constant 0 : i32
        %dma_start3A_256 = arith.constant 0 : i32
        %dma_start3A_257 = tpu.memref_slice %arg11[%dma_start3A_255, %dma_start3A_256] : memref<10240x64xf32, #tpu.memory_space<vmem_shared>> -> memref<10240x64xf32, #tpu.memory_space<vmem_shared>>
        tpu.enqueue_indirect_dma source(%arg19 : memref<80x64xf32, #tpu.memory_space<vmem>>) target(%dma_start3A_257 : memref<10240x64xf32, #tpu.memory_space<vmem_shared>>) offsets(%dma_start3A_254 : memref<80xi32, #tpu.memory_space<vmem>>) semaphore(%run_scoped3A_251 : memref<!tpu.dma_semaphore, #tpu.memory_space<semaphore_mem>>) {add = true}
        %dma_wait3A_258 = arith.constant 0 : i32
        %dma_wait3A_259 = tpu.memref_slice %arg9[%add3A_237, %dma_wait3A_258] : memref<250x80xi32, #tpu.memory_space<vmem>> -> memref<1x80xi32, #tpu.memory_space<vmem>>
        %dma_wait3A_260 = tpu.memref_squeeze %dma_wait3A_259 : memref<1x80xi32, #tpu.memory_space<vmem>> -> memref<80xi32, #tpu.memory_space<vmem>>
        %dma_wait3A_261 = arith.constant 0 : i32
        %dma_wait3A_262 = arith.constant 0 : i32
        %dma_wait3A_263 = tpu.memref_slice %arg11[%dma_wait3A_261, %dma_wait3A_262] : memref<10240x64xf32, #tpu.memory_space<vmem_shared>> -> memref<10240x64xf32, #tpu.memory_space<vmem_shared>>
        tpu.wait_indirect_dma semaphore(%run_scoped3A_251 : memref<!tpu.dma_semaphore, #tpu.memory_space<semaphore_mem>>) src(%arg19 : memref<80x64xf32, #tpu.memory_space<vmem>>) dst(%dma_wait3A_263 : memref<10240x64xf32, #tpu.memory_space<vmem_shared>>)
        tpu.yield
      }) : () -> ()
      %add3A_244 = arith.constant 8 : i32
      %add3A_245 = arith.addi %add3A_237, %add3A_244 : i32
      %lt3A_246 = arith.constant 250 : i32
      %lt3A_247 = arith.cmpi slt, %add3A_245, %lt3A_246 : i32
      %convert_element_type3A_248 = arith.extui %lt3A_247 : i1 to i32
      %cond3A_249 = arith.constant 0 : i32
      %cond3A_250 = arith.cmpi ne, %convert_element_type3A_248, %cond3A_249 : i32
      scf.if %cond3A_250 {
        %add3A_251 = arith.constant 8 : i32
        %add3A_252 = arith.addi %add3A_237, %add3A_251 : i32
        %dma_start3A_253 = arith.constant 0 : i32
        %dma_start3A_254 = tpu.memref_slice %arg8[%add3A_252, %dma_start3A_253] : memref<250x80xi32, #tpu.memory_space<vmem>> -> memref<1x80xi32, #tpu.memory_space<vmem>>
        %dma_start3A_255 = tpu.memref_squeeze %dma_start3A_254 : memref<1x80xi32, #tpu.memory_space<vmem>> -> memref<80xi32, #tpu.memory_space<vmem>>
        %dma_start3A_256 = arith.constant 0 : i32
        %dma_start3A_257 = arith.constant 0 : i32
        %dma_start3A_258 = tpu.memref_slice %arg2[%dma_start3A_256, %dma_start3A_257] : memref<20000x64xf32, #tpu.memory_space<hbm>> -> memref<20000x64xf32, #tpu.memory_space<hbm>>
        tpu.enqueue_indirect_dma source(%dma_start3A_258 : memref<20000x64xf32, #tpu.memory_space<hbm>>) target(%arg19 : memref<80x64xf32, #tpu.memory_space<vmem>>) offsets(%dma_start3A_255 : memref<80xi32, #tpu.memory_space<vmem>>) semaphore(%arg27 : memref<!tpu.dma_semaphore, #tpu.memory_space<semaphore_mem>>)
      } else {
      }
    }
    %scan3A_84 = arith.constant 31 : i32
    %dma_wait3A = arith.constant 248 : i32
    %dma_wait3A_85 = arith.constant 0 : i32
    %dma_wait3A_86 = tpu.memref_slice %arg8[%dma_wait3A, %dma_wait3A_85] : memref<250x80xi32, #tpu.memory_space<vmem>> -> memref<1x80xi32, #tpu.memory_space<vmem>>
    %dma_wait3A_87 = tpu.memref_squeeze %dma_wait3A_86 : memref<1x80xi32, #tpu.memory_space<vmem>> -> memref<80xi32, #tpu.memory_space<vmem>>
    %dma_wait3A_88 = arith.constant 0 : i32
    %dma_wait3A_89 = arith.constant 0 : i32
    %dma_wait3A_90 = tpu.memref_slice %arg2[%dma_wait3A_88, %dma_wait3A_89] : memref<20000x64xf32, #tpu.memory_space<hbm>> -> memref<20000x64xf32, #tpu.memory_space<hbm>>
    tpu.wait_indirect_dma semaphore(%arg20 : memref<!tpu.dma_semaphore, #tpu.memory_space<semaphore_mem>>) src(%dma_wait3A_90 : memref<20000x64xf32, #tpu.memory_space<hbm>>) dst(%arg12 : memref<80x64xf32, #tpu.memory_space<vmem>>)
    %run_scoped3A_91 = arith.constant 248 : i32
    "tpu.region"() ({
      %run_scoped3A_131 = tpu.sem_alloc : memref<!tpu.dma_semaphore, #tpu.memory_space<semaphore_mem>>
      %dma_start3A_132 = arith.constant 0 : i32
      %dma_start3A_133 = tpu.memref_slice %arg9[%run_scoped3A_91, %dma_start3A_132] : memref<250x80xi32, #tpu.memory_space<vmem>> -> memref<1x80xi32, #tpu.memory_space<vmem>>
      %dma_start3A_134 = tpu.memref_squeeze %dma_start3A_133 : memref<1x80xi32, #tpu.memory_space<vmem>> -> memref<80xi32, #tpu.memory_space<vmem>>
      %dma_start3A_135 = arith.constant 0 : i32
      %dma_start3A_136 = arith.constant 0 : i32
      %dma_start3A_137 = tpu.memref_slice %arg11[%dma_start3A_135, %dma_start3A_136] : memref<10240x64xf32, #tpu.memory_space<vmem_shared>> -> memref<10240x64xf32, #tpu.memory_space<vmem_shared>>
      tpu.enqueue_indirect_dma source(%arg12 : memref<80x64xf32, #tpu.memory_space<vmem>>) target(%dma_start3A_137 : memref<10240x64xf32, #tpu.memory_space<vmem_shared>>) offsets(%dma_start3A_134 : memref<80xi32, #tpu.memory_space<vmem>>) semaphore(%run_scoped3A_131 : memref<!tpu.dma_semaphore, #tpu.memory_space<semaphore_mem>>) {add = true}
      %dma_wait3A_138 = arith.constant 0 : i32
      %dma_wait3A_139 = tpu.memref_slice %arg9[%run_scoped3A_91, %dma_wait3A_138] : memref<250x80xi32, #tpu.memory_space<vmem>> -> memref<1x80xi32, #tpu.memory_space<vmem>>
      %dma_wait3A_140 = tpu.memref_squeeze %dma_wait3A_139 : memref<1x80xi32, #tpu.memory_space<vmem>> -> memref<80xi32, #tpu.memory_space<vmem>>
      %dma_wait3A_141 = arith.constant 0 : i32
      %dma_wait3A_142 = arith.constant 0 : i32
      %dma_wait3A_143 = tpu.memref_slice %arg11[%dma_wait3A_141, %dma_wait3A_142] : memref<10240x64xf32, #tpu.memory_space<vmem_shared>> -> memref<10240x64xf32, #tpu.memory_space<vmem_shared>>
      tpu.wait_indirect_dma semaphore(%run_scoped3A_131 : memref<!tpu.dma_semaphore, #tpu.memory_space<semaphore_mem>>) src(%arg12 : memref<80x64xf32, #tpu.memory_space<vmem>>) dst(%dma_wait3A_143 : memref<10240x64xf32, #tpu.memory_space<vmem_shared>>)
      tpu.yield
    }) : () -> ()
    %dma_wait3A_92 = arith.constant 249 : i32
    %dma_wait3A_93 = arith.constant 0 : i32
    %dma_wait3A_94 = tpu.memref_slice %arg8[%dma_wait3A_92, %dma_wait3A_93] : memref<250x80xi32, #tpu.memory_space<vmem>> -> memref<1x80xi32, #tpu.memory_space<vmem>>
    %dma_wait3A_95 = tpu.memref_squeeze %dma_wait3A_94 : memref<1x80xi32, #tpu.memory_space<vmem>> -> memref<80xi32, #tpu.memory_space<vmem>>
    %dma_wait3A_96 = arith.constant 0 : i32
    %dma_wait3A_97 = arith.constant 0 : i32
    %dma_wait3A_98 = tpu.memref_slice %arg2[%dma_wait3A_96, %dma_wait3A_97] : memref<20000x64xf32, #tpu.memory_space<hbm>> -> memref<20000x64xf32, #tpu.memory_space<hbm>>
    tpu.wait_indirect_dma semaphore(%arg21 : memref<!tpu.dma_semaphore, #tpu.memory_space<semaphore_mem>>) src(%dma_wait3A_98 : memref<20000x64xf32, #tpu.memory_space<hbm>>) dst(%arg13 : memref<80x64xf32, #tpu.memory_space<vmem>>)
    %run_scoped3A_99 = arith.constant 249 : i32
    "tpu.region"() ({
      %run_scoped3A_131 = tpu.sem_alloc : memref<!tpu.dma_semaphore, #tpu.memory_space<semaphore_mem>>
      %dma_start3A_132 = arith.constant 0 : i32
      %dma_start3A_133 = tpu.memref_slice %arg9[%run_scoped3A_99, %dma_start3A_132] : memref<250x80xi32, #tpu.memory_space<vmem>> -> memref<1x80xi32, #tpu.memory_space<vmem>>
      %dma_start3A_134 = tpu.memref_squeeze %dma_start3A_133 : memref<1x80xi32, #tpu.memory_space<vmem>> -> memref<80xi32, #tpu.memory_space<vmem>>
      %dma_start3A_135 = arith.constant 0 : i32
      %dma_start3A_136 = arith.constant 0 : i32
      %dma_start3A_137 = tpu.memref_slice %arg11[%dma_start3A_135, %dma_start3A_136] : memref<10240x64xf32, #tpu.memory_space<vmem_shared>> -> memref<10240x64xf32, #tpu.memory_space<vmem_shared>>
      tpu.enqueue_indirect_dma source(%arg13 : memref<80x64xf32, #tpu.memory_space<vmem>>) target(%dma_start3A_137 : memref<10240x64xf32, #tpu.memory_space<vmem_shared>>) offsets(%dma_start3A_134 : memref<80xi32, #tpu.memory_space<vmem>>) semaphore(%run_scoped3A_131 : memref<!tpu.dma_semaphore, #tpu.memory_space<semaphore_mem>>) {add = true}
      %dma_wait3A_138 = arith.constant 0 : i32
      %dma_wait3A_139 = tpu.memref_slice %arg9[%run_scoped3A_99, %dma_wait3A_138] : memref<250x80xi32, #tpu.memory_space<vmem>> -> memref<1x80xi32, #tpu.memory_space<vmem>>
      %dma_wait3A_140 = tpu.memref_squeeze %dma_wait3A_139 : memref<1x80xi32, #tpu.memory_space<vmem>> -> memref<80xi32, #tpu.memory_space<vmem>>
      %dma_wait3A_141 = arith.constant 0 : i32
      %dma_wait3A_142 = arith.constant 0 : i32
      %dma_wait3A_143 = tpu.memref_slice %arg11[%dma_wait3A_141, %dma_wait3A_142] : memref<10240x64xf32, #tpu.memory_space<vmem_shared>> -> memref<10240x64xf32, #tpu.memory_space<vmem_shared>>
      tpu.wait_indirect_dma semaphore(%run_scoped3A_131 : memref<!tpu.dma_semaphore, #tpu.memory_space<semaphore_mem>>) src(%arg13 : memref<80x64xf32, #tpu.memory_space<vmem>>) dst(%dma_wait3A_143 : memref<10240x64xf32, #tpu.memory_space<vmem_shared>>)
      tpu.yield
    }) : () -> ()
    %barrier3A_100 = arith.constant 0 : index
    tpu.barrier barrier_id(%barrier3A_100)
    %mul3A_101 = arith.constant 640 : i32
    %mul3A_102 = arith.muli %arg1, %mul3A_101 : i32
    %add3A_103 = arith.constant 0 : i32
    %add3A_104 = arith.addi %mul3A_102, %add3A_103 : i32
    "tpu.region"() ({
      %run_scoped3A_131 = tpu.sem_alloc : memref<!tpu.dma_semaphore, #tpu.memory_space<semaphore_mem>>
      %dma_start3A_132 = arith.constant 0 : i32
      %dma_start3A_133 = tpu.memref_slice %arg11[%add3A_104, %dma_start3A_132] : memref<10240x64xf32, #tpu.memory_space<vmem_shared>> -> memref<128x64xf32, #tpu.memory_space<vmem_shared>>
      %dma_start3A_134 = arith.constant 0 : i32
      %dma_start3A_135 = tpu.memref_slice %arg11[%add3A_104, %dma_start3A_134] : memref<10240x64xf32, #tpu.memory_space<vmem_shared>> -> memref<128x64xf32, #tpu.memory_space<vmem_shared>>
      tpu.enqueue_dma source(%dma_start3A_135 : memref<128x64xf32, #tpu.memory_space<vmem_shared>>) target(%arg10 : memref<128x64xf32, #tpu.memory_space<vmem>>) target_semaphore(%run_scoped3A_131 : memref<!tpu.dma_semaphore, #tpu.memory_space<semaphore_mem>>)
      %dma_wait3A_136 = arith.constant 0 : i32
      %dma_wait3A_137 = tpu.memref_slice %arg11[%add3A_104, %dma_wait3A_136] : memref<10240x64xf32, #tpu.memory_space<vmem_shared>> -> memref<128x64xf32, #tpu.memory_space<vmem_shared>>
      %dma_wait3A_138 = arith.constant 0 : i32
      %dma_wait3A_139 = tpu.memref_slice %arg11[%add3A_104, %dma_wait3A_138] : memref<10240x64xf32, #tpu.memory_space<vmem_shared>> -> memref<128x64xf32, #tpu.memory_space<vmem_shared>>
      tpu.wait_dma2 semaphore(%run_scoped3A_131 : memref<!tpu.dma_semaphore, #tpu.memory_space<semaphore_mem>>) src(%dma_wait3A_139 : memref<128x64xf32, #tpu.memory_space<vmem_shared>>) dst(%arg10 : memref<128x64xf32, #tpu.memory_space<vmem>>)
      tpu.yield
    }) : () -> ()
    %mul3A_105 = arith.constant 64 : i32
    %mul3A_106 = arith.muli %arg0, %mul3A_105 : i32
    "tpu.region"() ({
      %run_scoped3A_131 = tpu.sem_alloc : memref<!tpu.dma_semaphore, #tpu.memory_space<semaphore_mem>>
      %dma_start3A_132 = tpu.memref_slice %arg7[%add3A_104, %mul3A_106] : memref<10240x128xf32, #tpu.memory_space<hbm>> -> memref<128x64xf32, #tpu.memory_space<hbm>>
      %dma_start3A_133 = tpu.memref_slice %arg7[%add3A_104, %mul3A_106] : memref<10240x128xf32, #tpu.memory_space<hbm>> -> memref<128x64xf32, #tpu.memory_space<hbm>>
      tpu.enqueue_dma source(%arg10 : memref<128x64xf32, #tpu.memory_space<vmem>>) target(%dma_start3A_133 : memref<128x64xf32, #tpu.memory_space<hbm>>) target_semaphore(%run_scoped3A_131 : memref<!tpu.dma_semaphore, #tpu.memory_space<semaphore_mem>>)
      %dma_wait3A_134 = tpu.memref_slice %arg7[%add3A_104, %mul3A_106] : memref<10240x128xf32, #tpu.memory_space<hbm>> -> memref<128x64xf32, #tpu.memory_space<hbm>>
      %dma_wait3A_135 = tpu.memref_slice %arg7[%add3A_104, %mul3A_106] : memref<10240x128xf32, #tpu.memory_space<hbm>> -> memref<128x64xf32, #tpu.memory_space<hbm>>
      tpu.wait_dma2 semaphore(%run_scoped3A_131 : memref<!tpu.dma_semaphore, #tpu.memory_space<semaphore_mem>>) src(%arg10 : memref<128x64xf32, #tpu.memory_space<vmem>>) dst(%dma_wait3A_135 : memref<128x64xf32, #tpu.memory_space<hbm>>)
      tpu.yield
    }) : () -> ()
    %mul3A_107 = arith.constant 640 : i32
    %mul3A_108 = arith.muli %arg1, %mul3A_107 : i32
    %add3A_109 = arith.constant 128 : i32
    %add3A_110 = arith.addi %mul3A_108, %add3A_109 : i32
    "tpu.region"() ({
      %run_scoped3A_131 = tpu.sem_alloc : memref<!tpu.dma_semaphore, #tpu.memory_space<semaphore_mem>>
      %dma_start3A_132 = arith.constant 0 : i32
      %dma_start3A_133 = tpu.memref_slice %arg11[%add3A_110, %dma_start3A_132] : memref<10240x64xf32, #tpu.memory_space<vmem_shared>> -> memref<128x64xf32, #tpu.memory_space<vmem_shared>>
      %dma_start3A_134 = arith.constant 0 : i32
      %dma_start3A_135 = tpu.memref_slice %arg11[%add3A_110, %dma_start3A_134] : memref<10240x64xf32, #tpu.memory_space<vmem_shared>> -> memref<128x64xf32, #tpu.memory_space<vmem_shared>>
      tpu.enqueue_dma source(%dma_start3A_135 : memref<128x64xf32, #tpu.memory_space<vmem_shared>>) target(%arg10 : memref<128x64xf32, #tpu.memory_space<vmem>>) target_semaphore(%run_scoped3A_131 : memref<!tpu.dma_semaphore, #tpu.memory_space<semaphore_mem>>)
      %dma_wait3A_136 = arith.constant 0 : i32
      %dma_wait3A_137 = tpu.memref_slice %arg11[%add3A_110, %dma_wait3A_136] : memref<10240x64xf32, #tpu.memory_space<vmem_shared>> -> memref<128x64xf32, #tpu.memory_space<vmem_shared>>
      %dma_wait3A_138 = arith.constant 0 : i32
      %dma_wait3A_139 = tpu.memref_slice %arg11[%add3A_110, %dma_wait3A_138] : memref<10240x64xf32, #tpu.memory_space<vmem_shared>> -> memref<128x64xf32, #tpu.memory_space<vmem_shared>>
      tpu.wait_dma2 semaphore(%run_scoped3A_131 : memref<!tpu.dma_semaphore, #tpu.memory_space<semaphore_mem>>) src(%dma_wait3A_139 : memref<128x64xf32, #tpu.memory_space<vmem_shared>>) dst(%arg10 : memref<128x64xf32, #tpu.memory_space<vmem>>)
      tpu.yield
    }) : () -> ()
    %mul3A_111 = arith.constant 64 : i32
    %mul3A_112 = arith.muli %arg0, %mul3A_111 : i32
    "tpu.region"() ({
      %run_scoped3A_131 = tpu.sem_alloc : memref<!tpu.dma_semaphore, #tpu.memory_space<semaphore_mem>>
      %dma_start3A_132 = tpu.memref_slice %arg7[%add3A_110, %mul3A_112] : memref<10240x128xf32, #tpu.memory_space<hbm>> -> memref<128x64xf32, #tpu.memory_space<hbm>>
      %dma_start3A_133 = tpu.memref_slice %arg7[%add3A_110, %mul3A_112] : memref<10240x128xf32, #tpu.memory_space<hbm>> -> memref<128x64xf32, #tpu.memory_space<hbm>>
      tpu.enqueue_dma source(%arg10 : memref<128x64xf32, #tpu.memory_space<vmem>>) target(%dma_start3A_133 : memref<128x64xf32, #tpu.memory_space<hbm>>) target_semaphore(%run_scoped3A_131 : memref<!tpu.dma_semaphore, #tpu.memory_space<semaphore_mem>>)
      %dma_wait3A_134 = tpu.memref_slice %arg7[%add3A_110, %mul3A_112] : memref<10240x128xf32, #tpu.memory_space<hbm>> -> memref<128x64xf32, #tpu.memory_space<hbm>>
      %dma_wait3A_135 = tpu.memref_slice %arg7[%add3A_110, %mul3A_112] : memref<10240x128xf32, #tpu.memory_space<hbm>> -> memref<128x64xf32, #tpu.memory_space<hbm>>
      tpu.wait_dma2 semaphore(%run_scoped3A_131 : memref<!tpu.dma_semaphore, #tpu.memory_space<semaphore_mem>>) src(%arg10 : memref<128x64xf32, #tpu.memory_space<vmem>>) dst(%dma_wait3A_135 : memref<128x64xf32, #tpu.memory_space<hbm>>)
      tpu.yield
    }) : () -> ()
    %mul3A_113 = arith.constant 640 : i32
    %mul3A_114 = arith.muli %arg1, %mul3A_113 : i32
    %add3A_115 = arith.constant 256 : i32
    %add3A_116 = arith.addi %mul3A_114, %add3A_115 : i32
    "tpu.region"() ({
      %run_scoped3A_131 = tpu.sem_alloc : memref<!tpu.dma_semaphore, #tpu.memory_space<semaphore_mem>>
      %dma_start3A_132 = arith.constant 0 : i32
      %dma_start3A_133 = tpu.memref_slice %arg11[%add3A_116, %dma_start3A_132] : memref<10240x64xf32, #tpu.memory_space<vmem_shared>> -> memref<128x64xf32, #tpu.memory_space<vmem_shared>>
      %dma_start3A_134 = arith.constant 0 : i32
      %dma_start3A_135 = tpu.memref_slice %arg11[%add3A_116, %dma_start3A_134] : memref<10240x64xf32, #tpu.memory_space<vmem_shared>> -> memref<128x64xf32, #tpu.memory_space<vmem_shared>>
      tpu.enqueue_dma source(%dma_start3A_135 : memref<128x64xf32, #tpu.memory_space<vmem_shared>>) target(%arg10 : memref<128x64xf32, #tpu.memory_space<vmem>>) target_semaphore(%run_scoped3A_131 : memref<!tpu.dma_semaphore, #tpu.memory_space<semaphore_mem>>)
      %dma_wait3A_136 = arith.constant 0 : i32
      %dma_wait3A_137 = tpu.memref_slice %arg11[%add3A_116, %dma_wait3A_136] : memref<10240x64xf32, #tpu.memory_space<vmem_shared>> -> memref<128x64xf32, #tpu.memory_space<vmem_shared>>
      %dma_wait3A_138 = arith.constant 0 : i32
      %dma_wait3A_139 = tpu.memref_slice %arg11[%add3A_116, %dma_wait3A_138] : memref<10240x64xf32, #tpu.memory_space<vmem_shared>> -> memref<128x64xf32, #tpu.memory_space<vmem_shared>>
      tpu.wait_dma2 semaphore(%run_scoped3A_131 : memref<!tpu.dma_semaphore, #tpu.memory_space<semaphore_mem>>) src(%dma_wait3A_139 : memref<128x64xf32, #tpu.memory_space<vmem_shared>>) dst(%arg10 : memref<128x64xf32, #tpu.memory_space<vmem>>)
      tpu.yield
    }) : () -> ()
    %mul3A_117 = arith.constant 64 : i32
    %mul3A_118 = arith.muli %arg0, %mul3A_117 : i32
    "tpu.region"() ({
      %run_scoped3A_131 = tpu.sem_alloc : memref<!tpu.dma_semaphore, #tpu.memory_space<semaphore_mem>>
      %dma_start3A_132 = tpu.memref_slice %arg7[%add3A_116, %mul3A_118] : memref<10240x128xf32, #tpu.memory_space<hbm>> -> memref<128x64xf32, #tpu.memory_space<hbm>>
      %dma_start3A_133 = tpu.memref_slice %arg7[%add3A_116, %mul3A_118] : memref<10240x128xf32, #tpu.memory_space<hbm>> -> memref<128x64xf32, #tpu.memory_space<hbm>>
      tpu.enqueue_dma source(%arg10 : memref<128x64xf32, #tpu.memory_space<vmem>>) target(%dma_start3A_133 : memref<128x64xf32, #tpu.memory_space<hbm>>) target_semaphore(%run_scoped3A_131 : memref<!tpu.dma_semaphore, #tpu.memory_space<semaphore_mem>>)
      %dma_wait3A_134 = tpu.memref_slice %arg7[%add3A_116, %mul3A_118] : memref<10240x128xf32, #tpu.memory_space<hbm>> -> memref<128x64xf32, #tpu.memory_space<hbm>>
      %dma_wait3A_135 = tpu.memref_slice %arg7[%add3A_116, %mul3A_118] : memref<10240x128xf32, #tpu.memory_space<hbm>> -> memref<128x64xf32, #tpu.memory_space<hbm>>
      tpu.wait_dma2 semaphore(%run_scoped3A_131 : memref<!tpu.dma_semaphore, #tpu.memory_space<semaphore_mem>>) src(%arg10 : memref<128x64xf32, #tpu.memory_space<vmem>>) dst(%dma_wait3A_135 : memref<128x64xf32, #tpu.memory_space<hbm>>)
      tpu.yield
    }) : () -> ()
    %mul3A_119 = arith.constant 640 : i32
    %mul3A_120 = arith.muli %arg1, %mul3A_119 : i32
    %add3A_121 = arith.constant 384 : i32
    %add3A_122 = arith.addi %mul3A_120, %add3A_121 : i32
    "tpu.region"() ({
      %run_scoped3A_131 = tpu.sem_alloc : memref<!tpu.dma_semaphore, #tpu.memory_space<semaphore_mem>>
      %dma_start3A_132 = arith.constant 0 : i32
      %dma_start3A_133 = tpu.memref_slice %arg11[%add3A_122, %dma_start3A_132] : memref<10240x64xf32, #tpu.memory_space<vmem_shared>> -> memref<128x64xf32, #tpu.memory_space<vmem_shared>>
      %dma_start3A_134 = arith.constant 0 : i32
      %dma_start3A_135 = tpu.memref_slice %arg11[%add3A_122, %dma_start3A_134] : memref<10240x64xf32, #tpu.memory_space<vmem_shared>> -> memref<128x64xf32, #tpu.memory_space<vmem_shared>>
      tpu.enqueue_dma source(%dma_start3A_135 : memref<128x64xf32, #tpu.memory_space<vmem_shared>>) target(%arg10 : memref<128x64xf32, #tpu.memory_space<vmem>>) target_semaphore(%run_scoped3A_131 : memref<!tpu.dma_semaphore, #tpu.memory_space<semaphore_mem>>)
      %dma_wait3A_136 = arith.constant 0 : i32
      %dma_wait3A_137 = tpu.memref_slice %arg11[%add3A_122, %dma_wait3A_136] : memref<10240x64xf32, #tpu.memory_space<vmem_shared>> -> memref<128x64xf32, #tpu.memory_space<vmem_shared>>
      %dma_wait3A_138 = arith.constant 0 : i32
      %dma_wait3A_139 = tpu.memref_slice %arg11[%add3A_122, %dma_wait3A_138] : memref<10240x64xf32, #tpu.memory_space<vmem_shared>> -> memref<128x64xf32, #tpu.memory_space<vmem_shared>>
      tpu.wait_dma2 semaphore(%run_scoped3A_131 : memref<!tpu.dma_semaphore, #tpu.memory_space<semaphore_mem>>) src(%dma_wait3A_139 : memref<128x64xf32, #tpu.memory_space<vmem_shared>>) dst(%arg10 : memref<128x64xf32, #tpu.memory_space<vmem>>)
      tpu.yield
    }) : () -> ()
    %mul3A_123 = arith.constant 64 : i32
    %mul3A_124 = arith.muli %arg0, %mul3A_123 : i32
    "tpu.region"() ({
      %run_scoped3A_131 = tpu.sem_alloc : memref<!tpu.dma_semaphore, #tpu.memory_space<semaphore_mem>>
      %dma_start3A_132 = tpu.memref_slice %arg7[%add3A_122, %mul3A_124] : memref<10240x128xf32, #tpu.memory_space<hbm>> -> memref<128x64xf32, #tpu.memory_space<hbm>>
      %dma_start3A_133 = tpu.memref_slice %arg7[%add3A_122, %mul3A_124] : memref<10240x128xf32, #tpu.memory_space<hbm>> -> memref<128x64xf32, #tpu.memory_space<hbm>>
      tpu.enqueue_dma source(%arg10 : memref<128x64xf32, #tpu.memory_space<vmem>>) target(%dma_start3A_133 : memref<128x64xf32, #tpu.memory_space<hbm>>) target_semaphore(%run_scoped3A_131 : memref<!tpu.dma_semaphore, #tpu.memory_space<semaphore_mem>>)
      %dma_wait3A_134 = tpu.memref_slice %arg7[%add3A_122, %mul3A_124] : memref<10240x128xf32, #tpu.memory_space<hbm>> -> memref<128x64xf32, #tpu.memory_space<hbm>>
      %dma_wait3A_135 = tpu.memref_slice %arg7[%add3A_122, %mul3A_124] : memref<10240x128xf32, #tpu.memory_space<hbm>> -> memref<128x64xf32, #tpu.memory_space<hbm>>
      tpu.wait_dma2 semaphore(%run_scoped3A_131 : memref<!tpu.dma_semaphore, #tpu.memory_space<semaphore_mem>>) src(%arg10 : memref<128x64xf32, #tpu.memory_space<vmem>>) dst(%dma_wait3A_135 : memref<128x64xf32, #tpu.memory_space<hbm>>)
      tpu.yield
    }) : () -> ()
    %mul3A_125 = arith.constant 640 : i32
    %mul3A_126 = arith.muli %arg1, %mul3A_125 : i32
    %add3A_127 = arith.constant 512 : i32
    %add3A_128 = arith.addi %mul3A_126, %add3A_127 : i32
    "tpu.region"() ({
      %run_scoped3A_131 = tpu.sem_alloc : memref<!tpu.dma_semaphore, #tpu.memory_space<semaphore_mem>>
      %dma_start3A_132 = arith.constant 0 : i32
      %dma_start3A_133 = tpu.memref_slice %arg11[%add3A_128, %dma_start3A_132] : memref<10240x64xf32, #tpu.memory_space<vmem_shared>> -> memref<128x64xf32, #tpu.memory_space<vmem_shared>>
      %dma_start3A_134 = arith.constant 0 : i32
      %dma_start3A_135 = tpu.memref_slice %arg11[%add3A_128, %dma_start3A_134] : memref<10240x64xf32, #tpu.memory_space<vmem_shared>> -> memref<128x64xf32, #tpu.memory_space<vmem_shared>>
      tpu.enqueue_dma source(%dma_start3A_135 : memref<128x64xf32, #tpu.memory_space<vmem_shared>>) target(%arg10 : memref<128x64xf32, #tpu.memory_space<vmem>>) target_semaphore(%run_scoped3A_131 : memref<!tpu.dma_semaphore, #tpu.memory_space<semaphore_mem>>)
      %dma_wait3A_136 = arith.constant 0 : i32
      %dma_wait3A_137 = tpu.memref_slice %arg11[%add3A_128, %dma_wait3A_136] : memref<10240x64xf32, #tpu.memory_space<vmem_shared>> -> memref<128x64xf32, #tpu.memory_space<vmem_shared>>
      %dma_wait3A_138 = arith.constant 0 : i32
      %dma_wait3A_139 = tpu.memref_slice %arg11[%add3A_128, %dma_wait3A_138] : memref<10240x64xf32, #tpu.memory_space<vmem_shared>> -> memref<128x64xf32, #tpu.memory_space<vmem_shared>>
      tpu.wait_dma2 semaphore(%run_scoped3A_131 : memref<!tpu.dma_semaphore, #tpu.memory_space<semaphore_mem>>) src(%dma_wait3A_139 : memref<128x64xf32, #tpu.memory_space<vmem_shared>>) dst(%arg10 : memref<128x64xf32, #tpu.memory_space<vmem>>)
      tpu.yield
    }) : () -> ()
    %mul3A_129 = arith.constant 64 : i32
    %mul3A_130 = arith.muli %arg0, %mul3A_129 : i32
    "tpu.region"() ({
      %run_scoped3A_131 = tpu.sem_alloc : memref<!tpu.dma_semaphore, #tpu.memory_space<semaphore_mem>>
      %dma_start3A_132 = tpu.memref_slice %arg7[%add3A_128, %mul3A_130] : memref<10240x128xf32, #tpu.memory_space<hbm>> -> memref<128x64xf32, #tpu.memory_space<hbm>>
      %dma_start3A_133 = tpu.memref_slice %arg7[%add3A_128, %mul3A_130] : memref<10240x128xf32, #tpu.memory_space<hbm>> -> memref<128x64xf32, #tpu.memory_space<hbm>>
      tpu.enqueue_dma source(%arg10 : memref<128x64xf32, #tpu.memory_space<vmem>>) target(%dma_start3A_133 : memref<128x64xf32, #tpu.memory_space<hbm>>) target_semaphore(%run_scoped3A_131 : memref<!tpu.dma_semaphore, #tpu.memory_space<semaphore_mem>>)
      %dma_wait3A_134 = tpu.memref_slice %arg7[%add3A_128, %mul3A_130] : memref<10240x128xf32, #tpu.memory_space<hbm>> -> memref<128x64xf32, #tpu.memory_space<hbm>>
      %dma_wait3A_135 = tpu.memref_slice %arg7[%add3A_128, %mul3A_130] : memref<10240x128xf32, #tpu.memory_space<hbm>> -> memref<128x64xf32, #tpu.memory_space<hbm>>
      tpu.wait_dma2 semaphore(%run_scoped3A_131 : memref<!tpu.dma_semaphore, #tpu.memory_space<semaphore_mem>>) src(%arg10 : memref<128x64xf32, #tpu.memory_space<vmem>>) dst(%dma_wait3A_135 : memref<128x64xf32, #tpu.memory_space<hbm>>)
      tpu.yield
    }) : () -> ()
    return
  }
}

#map = affine_map<(d0, d1) -> (0, 0)>
#map1 = affine_map<(d0, d1) -> (0, 0, 0, 0)>
#map2 = affine_map<(d0, d1) -> (0, 0, 0)>
module attributes {stable_mosaic.version = 14 : i64} {
  func.func @seg_sum(%arg0: i32, %arg1: i32, %arg2: memref<20000x64xf32, #tpu.memory_space<hbm>>, %arg3: memref<2x16x250x80xi32, #tpu.memory_space<hbm>>, %arg4: memref<128x64xf32, #tpu.memory_space<hbm>>, %arg5: memref<128x16xf32, #tpu.memory_space<hbm>>, %arg6: memref<80x16xf32, #tpu.memory_space<hbm>>, %arg7: memref<10240x128xf32, #tpu.memory_space<hbm>>, %arg8: memref<2x10240x16xf32, #tpu.memory_space<hbm>>, %arg9: memref<250x80xi32, #tpu.memory_space<vmem>>, %arg10: memref<250x80xi32, #tpu.memory_space<vmem>>, %arg11: memref<128x64xf32, #tpu.memory_space<vmem>>, %arg12: memref<10240x64xf32, #tpu.memory_space<vmem_shared>>, %arg13: memref<80x64xf32, #tpu.memory_space<vmem>>, %arg14: memref<80x64xf32, #tpu.memory_space<vmem>>, %arg15: memref<80x64xf32, #tpu.memory_space<vmem>>, %arg16: memref<80x64xf32, #tpu.memory_space<vmem>>, %arg17: memref<80x64xf32, #tpu.memory_space<vmem>>, %arg18: memref<!tpu.dma_semaphore, #tpu.memory_space<semaphore_mem>>, %arg19: memref<!tpu.dma_semaphore, #tpu.memory_space<semaphore_mem>>, %arg20: memref<!tpu.dma_semaphore, #tpu.memory_space<semaphore_mem>>, %arg21: memref<!tpu.dma_semaphore, #tpu.memory_space<semaphore_mem>>, %arg22: memref<!tpu.dma_semaphore, #tpu.memory_space<semaphore_mem>>, %arg23: memref<80x16xf32, #tpu.memory_space<vmem>>, %arg24: memref<128x16xf32, #tpu.memory_space<vmem>>, %arg25: memref<10240x16xf32, #tpu.memory_space<vmem_shared>>) attributes {dimension_semantics = [#tpu.dimension_semantics<core_parallel>, #tpu.dimension_semantics<subcore_parallel>], iteration_bounds = array<i64: 2, 16>, scalar_prefetch = 0 : i64, scratch_operands = 17 : i64, tpu.core_type = #tpu.core_type<sc_vector_subcore>, window_params = [{transform_indices = #map}, {transform_indices = #map1}, {transform_indices = #map}, {transform_indices = #map}, {transform_indices = #map}, {transform_indices = #map}, {transform_indices = #map2}]} {
    %run_scoped3A = arith.constant 0 : i32
    "tpu.region"() ({
      %run_scoped3A_95 = tpu.sem_alloc : memref<!tpu.dma_semaphore, #tpu.memory_space<semaphore_mem>>
      %dma_start3A_96 = arith.constant 0 : i32
      %dma_start3A_97 = arith.constant 0 : i32
      %dma_start3A_98 = arith.constant 0 : i32
      %dma_start3A_99 = tpu.memref_slice %arg3[%run_scoped3A, %dma_start3A_96, %dma_start3A_97, %dma_start3A_98] : memref<2x16x250x80xi32, #tpu.memory_space<hbm>> -> memref<1x16x250x80xi32, #tpu.memory_space<hbm>>
      %dma_start3A_100 = tpu.memref_squeeze %dma_start3A_99 : memref<1x16x250x80xi32, #tpu.memory_space<hbm>> -> memref<16x250x80xi32, #tpu.memory_space<hbm>>
      %dma_start3A_101 = arith.constant 0 : i32
      %dma_start3A_102 = arith.constant 0 : i32
      %dma_start3A_103 = tpu.memref_slice %dma_start3A_100[%arg1, %dma_start3A_101, %dma_start3A_102] : memref<16x250x80xi32, #tpu.memory_space<hbm>> -> memref<1x250x80xi32, #tpu.memory_space<hbm>>
      %dma_start3A_104 = tpu.memref_squeeze %dma_start3A_103 : memref<1x250x80xi32, #tpu.memory_space<hbm>> -> memref<250x80xi32, #tpu.memory_space<hbm>>
      %dma_start3A_105 = arith.constant 0 : i32
      %dma_start3A_106 = arith.constant 0 : i32
      %dma_start3A_107 = arith.constant 0 : i32
      %dma_start3A_108 = tpu.memref_slice %arg3[%run_scoped3A, %dma_start3A_105, %dma_start3A_106, %dma_start3A_107] : memref<2x16x250x80xi32, #tpu.memory_space<hbm>> -> memref<1x16x250x80xi32, #tpu.memory_space<hbm>>
      %dma_start3A_109 = tpu.memref_squeeze %dma_start3A_108 : memref<1x16x250x80xi32, #tpu.memory_space<hbm>> -> memref<16x250x80xi32, #tpu.memory_space<hbm>>
      %dma_start3A_110 = arith.constant 0 : i32
      %dma_start3A_111 = arith.constant 0 : i32
      %dma_start3A_112 = tpu.memref_slice %dma_start3A_109[%arg1, %dma_start3A_110, %dma_start3A_111] : memref<16x250x80xi32, #tpu.memory_space<hbm>> -> memref<1x250x80xi32, #tpu.memory_space<hbm>>
      %dma_start3A_113 = tpu.memref_squeeze %dma_start3A_112 : memref<1x250x80xi32, #tpu.memory_space<hbm>> -> memref<250x80xi32, #tpu.memory_space<hbm>>
      tpu.enqueue_dma source(%dma_start3A_113 : memref<250x80xi32, #tpu.memory_space<hbm>>) target(%arg9 : memref<250x80xi32, #tpu.memory_space<vmem>>) target_semaphore(%run_scoped3A_95 : memref<!tpu.dma_semaphore, #tpu.memory_space<semaphore_mem>>)
      %dma_wait3A = arith.constant 0 : i32
      %dma_wait3A_114 = arith.constant 0 : i32
      %dma_wait3A_115 = arith.constant 0 : i32
      %dma_wait3A_116 = tpu.memref_slice %arg3[%run_scoped3A, %dma_wait3A, %dma_wait3A_114, %dma_wait3A_115] : memref<2x16x250x80xi32, #tpu.memory_space<hbm>> -> memref<1x16x250x80xi32, #tpu.memory_space<hbm>>
      %dma_wait3A_117 = tpu.memref_squeeze %dma_wait3A_116 : memref<1x16x250x80xi32, #tpu.memory_space<hbm>> -> memref<16x250x80xi32, #tpu.memory_space<hbm>>
      %dma_wait3A_118 = arith.constant 0 : i32
      %dma_wait3A_119 = arith.constant 0 : i32
      %dma_wait3A_120 = tpu.memref_slice %dma_wait3A_117[%arg1, %dma_wait3A_118, %dma_wait3A_119] : memref<16x250x80xi32, #tpu.memory_space<hbm>> -> memref<1x250x80xi32, #tpu.memory_space<hbm>>
      %dma_wait3A_121 = tpu.memref_squeeze %dma_wait3A_120 : memref<1x250x80xi32, #tpu.memory_space<hbm>> -> memref<250x80xi32, #tpu.memory_space<hbm>>
      %dma_wait3A_122 = arith.constant 0 : i32
      %dma_wait3A_123 = arith.constant 0 : i32
      %dma_wait3A_124 = arith.constant 0 : i32
      %dma_wait3A_125 = tpu.memref_slice %arg3[%run_scoped3A, %dma_wait3A_122, %dma_wait3A_123, %dma_wait3A_124] : memref<2x16x250x80xi32, #tpu.memory_space<hbm>> -> memref<1x16x250x80xi32, #tpu.memory_space<hbm>>
      %dma_wait3A_126 = tpu.memref_squeeze %dma_wait3A_125 : memref<1x16x250x80xi32, #tpu.memory_space<hbm>> -> memref<16x250x80xi32, #tpu.memory_space<hbm>>
      %dma_wait3A_127 = arith.constant 0 : i32
      %dma_wait3A_128 = arith.constant 0 : i32
      %dma_wait3A_129 = tpu.memref_slice %dma_wait3A_126[%arg1, %dma_wait3A_127, %dma_wait3A_128] : memref<16x250x80xi32, #tpu.memory_space<hbm>> -> memref<1x250x80xi32, #tpu.memory_space<hbm>>
      %dma_wait3A_130 = tpu.memref_squeeze %dma_wait3A_129 : memref<1x250x80xi32, #tpu.memory_space<hbm>> -> memref<250x80xi32, #tpu.memory_space<hbm>>
      tpu.wait_dma2 semaphore(%run_scoped3A_95 : memref<!tpu.dma_semaphore, #tpu.memory_space<semaphore_mem>>) src(%dma_wait3A_130 : memref<250x80xi32, #tpu.memory_space<hbm>>) dst(%arg9 : memref<250x80xi32, #tpu.memory_space<vmem>>)
      tpu.yield
    }) : () -> ()
    %run_scoped3A_0 = arith.constant 1 : i32
    "tpu.region"() ({
      %run_scoped3A_95 = tpu.sem_alloc : memref<!tpu.dma_semaphore, #tpu.memory_space<semaphore_mem>>
      %dma_start3A_96 = arith.constant 0 : i32
      %dma_start3A_97 = arith.constant 0 : i32
      %dma_start3A_98 = arith.constant 0 : i32
      %dma_start3A_99 = tpu.memref_slice %arg3[%run_scoped3A_0, %dma_start3A_96, %dma_start3A_97, %dma_start3A_98] : memref<2x16x250x80xi32, #tpu.memory_space<hbm>> -> memref<1x16x250x80xi32, #tpu.memory_space<hbm>>
      %dma_start3A_100 = tpu.memref_squeeze %dma_start3A_99 : memref<1x16x250x80xi32, #tpu.memory_space<hbm>> -> memref<16x250x80xi32, #tpu.memory_space<hbm>>
      %dma_start3A_101 = arith.constant 0 : i32
      %dma_start3A_102 = arith.constant 0 : i32
      %dma_start3A_103 = tpu.memref_slice %dma_start3A_100[%arg1, %dma_start3A_101, %dma_start3A_102] : memref<16x250x80xi32, #tpu.memory_space<hbm>> -> memref<1x250x80xi32, #tpu.memory_space<hbm>>
      %dma_start3A_104 = tpu.memref_squeeze %dma_start3A_103 : memref<1x250x80xi32, #tpu.memory_space<hbm>> -> memref<250x80xi32, #tpu.memory_space<hbm>>
      %dma_start3A_105 = arith.constant 0 : i32
      %dma_start3A_106 = arith.constant 0 : i32
      %dma_start3A_107 = arith.constant 0 : i32
      %dma_start3A_108 = tpu.memref_slice %arg3[%run_scoped3A_0, %dma_start3A_105, %dma_start3A_106, %dma_start3A_107] : memref<2x16x250x80xi32, #tpu.memory_space<hbm>> -> memref<1x16x250x80xi32, #tpu.memory_space<hbm>>
      %dma_start3A_109 = tpu.memref_squeeze %dma_start3A_108 : memref<1x16x250x80xi32, #tpu.memory_space<hbm>> -> memref<16x250x80xi32, #tpu.memory_space<hbm>>
      %dma_start3A_110 = arith.constant 0 : i32
      %dma_start3A_111 = arith.constant 0 : i32
      %dma_start3A_112 = tpu.memref_slice %dma_start3A_109[%arg1, %dma_start3A_110, %dma_start3A_111] : memref<16x250x80xi32, #tpu.memory_space<hbm>> -> memref<1x250x80xi32, #tpu.memory_space<hbm>>
      %dma_start3A_113 = tpu.memref_squeeze %dma_start3A_112 : memref<1x250x80xi32, #tpu.memory_space<hbm>> -> memref<250x80xi32, #tpu.memory_space<hbm>>
      tpu.enqueue_dma source(%dma_start3A_113 : memref<250x80xi32, #tpu.memory_space<hbm>>) target(%arg10 : memref<250x80xi32, #tpu.memory_space<vmem>>) target_semaphore(%run_scoped3A_95 : memref<!tpu.dma_semaphore, #tpu.memory_space<semaphore_mem>>)
      %dma_wait3A = arith.constant 0 : i32
      %dma_wait3A_114 = arith.constant 0 : i32
      %dma_wait3A_115 = arith.constant 0 : i32
      %dma_wait3A_116 = tpu.memref_slice %arg3[%run_scoped3A_0, %dma_wait3A, %dma_wait3A_114, %dma_wait3A_115] : memref<2x16x250x80xi32, #tpu.memory_space<hbm>> -> memref<1x16x250x80xi32, #tpu.memory_space<hbm>>
      %dma_wait3A_117 = tpu.memref_squeeze %dma_wait3A_116 : memref<1x16x250x80xi32, #tpu.memory_space<hbm>> -> memref<16x250x80xi32, #tpu.memory_space<hbm>>
      %dma_wait3A_118 = arith.constant 0 : i32
      %dma_wait3A_119 = arith.constant 0 : i32
      %dma_wait3A_120 = tpu.memref_slice %dma_wait3A_117[%arg1, %dma_wait3A_118, %dma_wait3A_119] : memref<16x250x80xi32, #tpu.memory_space<hbm>> -> memref<1x250x80xi32, #tpu.memory_space<hbm>>
      %dma_wait3A_121 = tpu.memref_squeeze %dma_wait3A_120 : memref<1x250x80xi32, #tpu.memory_space<hbm>> -> memref<250x80xi32, #tpu.memory_space<hbm>>
      %dma_wait3A_122 = arith.constant 0 : i32
      %dma_wait3A_123 = arith.constant 0 : i32
      %dma_wait3A_124 = arith.constant 0 : i32
      %dma_wait3A_125 = tpu.memref_slice %arg3[%run_scoped3A_0, %dma_wait3A_122, %dma_wait3A_123, %dma_wait3A_124] : memref<2x16x250x80xi32, #tpu.memory_space<hbm>> -> memref<1x16x250x80xi32, #tpu.memory_space<hbm>>
      %dma_wait3A_126 = tpu.memref_squeeze %dma_wait3A_125 : memref<1x16x250x80xi32, #tpu.memory_space<hbm>> -> memref<16x250x80xi32, #tpu.memory_space<hbm>>
      %dma_wait3A_127 = arith.constant 0 : i32
      %dma_wait3A_128 = arith.constant 0 : i32
      %dma_wait3A_129 = tpu.memref_slice %dma_wait3A_126[%arg1, %dma_wait3A_127, %dma_wait3A_128] : memref<16x250x80xi32, #tpu.memory_space<hbm>> -> memref<1x250x80xi32, #tpu.memory_space<hbm>>
      %dma_wait3A_130 = tpu.memref_squeeze %dma_wait3A_129 : memref<1x250x80xi32, #tpu.memory_space<hbm>> -> memref<250x80xi32, #tpu.memory_space<hbm>>
      tpu.wait_dma2 semaphore(%run_scoped3A_95 : memref<!tpu.dma_semaphore, #tpu.memory_space<semaphore_mem>>) src(%dma_wait3A_130 : memref<250x80xi32, #tpu.memory_space<hbm>>) dst(%arg10 : memref<250x80xi32, #tpu.memory_space<vmem>>)
      tpu.yield
    }) : () -> ()
    "tpu.region"() ({
      %run_scoped3A_95 = tpu.sem_alloc : memref<!tpu.dma_semaphore, #tpu.memory_space<semaphore_mem>>
      tpu.enqueue_dma source(%arg4 : memref<128x64xf32, #tpu.memory_space<hbm>>) target(%arg11 : memref<128x64xf32, #tpu.memory_space<vmem>>) target_semaphore(%run_scoped3A_95 : memref<!tpu.dma_semaphore, #tpu.memory_space<semaphore_mem>>)
      tpu.wait_dma2 semaphore(%run_scoped3A_95 : memref<!tpu.dma_semaphore, #tpu.memory_space<semaphore_mem>>) src(%arg4 : memref<128x64xf32, #tpu.memory_space<hbm>>) dst(%arg11 : memref<128x64xf32, #tpu.memory_space<vmem>>)
      tpu.yield
    }) : () -> ()
    "tpu.region"() ({
      %run_scoped3A_95 = tpu.sem_alloc : memref<!tpu.dma_semaphore, #tpu.memory_space<semaphore_mem>>
      tpu.enqueue_dma source(%arg6 : memref<80x16xf32, #tpu.memory_space<hbm>>) target(%arg23 : memref<80x16xf32, #tpu.memory_space<vmem>>) target_semaphore(%run_scoped3A_95 : memref<!tpu.dma_semaphore, #tpu.memory_space<semaphore_mem>>)
      tpu.wait_dma2 semaphore(%run_scoped3A_95 : memref<!tpu.dma_semaphore, #tpu.memory_space<semaphore_mem>>) src(%arg6 : memref<80x16xf32, #tpu.memory_space<hbm>>) dst(%arg23 : memref<80x16xf32, #tpu.memory_space<vmem>>)
      tpu.yield
    }) : () -> ()
    "tpu.region"() ({
      %run_scoped3A_95 = tpu.sem_alloc : memref<!tpu.dma_semaphore, #tpu.memory_space<semaphore_mem>>
      tpu.enqueue_dma source(%arg5 : memref<128x16xf32, #tpu.memory_space<hbm>>) target(%arg24 : memref<128x16xf32, #tpu.memory_space<vmem>>) target_semaphore(%run_scoped3A_95 : memref<!tpu.dma_semaphore, #tpu.memory_space<semaphore_mem>>)
      tpu.wait_dma2 semaphore(%run_scoped3A_95 : memref<!tpu.dma_semaphore, #tpu.memory_space<semaphore_mem>>) src(%arg5 : memref<128x16xf32, #tpu.memory_space<hbm>>) dst(%arg24 : memref<128x16xf32, #tpu.memory_space<vmem>>)
      tpu.yield
    }) : () -> ()
    %mul3A = arith.constant 640 : i32
    %mul3A_1 = arith.muli %arg1, %mul3A : i32
    %add3A = arith.constant 0 : i32
    %add3A_2 = arith.addi %mul3A_1, %add3A : i32
    "tpu.region"() ({
      %run_scoped3A_95 = tpu.sem_alloc : memref<!tpu.dma_semaphore, #tpu.memory_space<semaphore_mem>>
      %dma_start3A_96 = arith.constant 0 : i32
      %dma_start3A_97 = tpu.memref_slice %arg12[%add3A_2, %dma_start3A_96] : memref<10240x64xf32, #tpu.memory_space<vmem_shared>> -> memref<128x64xf32, #tpu.memory_space<vmem_shared>>
      %dma_start3A_98 = arith.constant 0 : i32
      %dma_start3A_99 = tpu.memref_slice %arg12[%add3A_2, %dma_start3A_98] : memref<10240x64xf32, #tpu.memory_space<vmem_shared>> -> memref<128x64xf32, #tpu.memory_space<vmem_shared>>
      tpu.enqueue_dma source(%arg11 : memref<128x64xf32, #tpu.memory_space<vmem>>) target(%dma_start3A_99 : memref<128x64xf32, #tpu.memory_space<vmem_shared>>) target_semaphore(%run_scoped3A_95 : memref<!tpu.dma_semaphore, #tpu.memory_space<semaphore_mem>>)
      %dma_wait3A = arith.constant 0 : i32
      %dma_wait3A_100 = tpu.memref_slice %arg12[%add3A_2, %dma_wait3A] : memref<10240x64xf32, #tpu.memory_space<vmem_shared>> -> memref<128x64xf32, #tpu.memory_space<vmem_shared>>
      %dma_wait3A_101 = arith.constant 0 : i32
      %dma_wait3A_102 = tpu.memref_slice %arg12[%add3A_2, %dma_wait3A_101] : memref<10240x64xf32, #tpu.memory_space<vmem_shared>> -> memref<128x64xf32, #tpu.memory_space<vmem_shared>>
      tpu.wait_dma2 semaphore(%run_scoped3A_95 : memref<!tpu.dma_semaphore, #tpu.memory_space<semaphore_mem>>) src(%arg11 : memref<128x64xf32, #tpu.memory_space<vmem>>) dst(%dma_wait3A_102 : memref<128x64xf32, #tpu.memory_space<vmem_shared>>)
      tpu.yield
    }) : () -> ()
    "tpu.region"() ({
      %run_scoped3A_95 = tpu.sem_alloc : memref<!tpu.dma_semaphore, #tpu.memory_space<semaphore_mem>>
      %dma_start3A_96 = arith.constant 0 : i32
      %dma_start3A_97 = tpu.memref_slice %arg25[%add3A_2, %dma_start3A_96] : memref<10240x16xf32, #tpu.memory_space<vmem_shared>> -> memref<128x16xf32, #tpu.memory_space<vmem_shared>>
      %dma_start3A_98 = arith.constant 0 : i32
      %dma_start3A_99 = tpu.memref_slice %arg25[%add3A_2, %dma_start3A_98] : memref<10240x16xf32, #tpu.memory_space<vmem_shared>> -> memref<128x16xf32, #tpu.memory_space<vmem_shared>>
      tpu.enqueue_dma source(%arg24 : memref<128x16xf32, #tpu.memory_space<vmem>>) target(%dma_start3A_99 : memref<128x16xf32, #tpu.memory_space<vmem_shared>>) target_semaphore(%run_scoped3A_95 : memref<!tpu.dma_semaphore, #tpu.memory_space<semaphore_mem>>)
      %dma_wait3A = arith.constant 0 : i32
      %dma_wait3A_100 = tpu.memref_slice %arg25[%add3A_2, %dma_wait3A] : memref<10240x16xf32, #tpu.memory_space<vmem_shared>> -> memref<128x16xf32, #tpu.memory_space<vmem_shared>>
      %dma_wait3A_101 = arith.constant 0 : i32
      %dma_wait3A_102 = tpu.memref_slice %arg25[%add3A_2, %dma_wait3A_101] : memref<10240x16xf32, #tpu.memory_space<vmem_shared>> -> memref<128x16xf32, #tpu.memory_space<vmem_shared>>
      tpu.wait_dma2 semaphore(%run_scoped3A_95 : memref<!tpu.dma_semaphore, #tpu.memory_space<semaphore_mem>>) src(%arg24 : memref<128x16xf32, #tpu.memory_space<vmem>>) dst(%dma_wait3A_102 : memref<128x16xf32, #tpu.memory_space<vmem_shared>>)
      tpu.yield
    }) : () -> ()
    %mul3A_3 = arith.constant 640 : i32
    %mul3A_4 = arith.muli %arg1, %mul3A_3 : i32
    %add3A_5 = arith.constant 128 : i32
    %add3A_6 = arith.addi %mul3A_4, %add3A_5 : i32
    "tpu.region"() ({
      %run_scoped3A_95 = tpu.sem_alloc : memref<!tpu.dma_semaphore, #tpu.memory_space<semaphore_mem>>
      %dma_start3A_96 = arith.constant 0 : i32
      %dma_start3A_97 = tpu.memref_slice %arg12[%add3A_6, %dma_start3A_96] : memref<10240x64xf32, #tpu.memory_space<vmem_shared>> -> memref<128x64xf32, #tpu.memory_space<vmem_shared>>
      %dma_start3A_98 = arith.constant 0 : i32
      %dma_start3A_99 = tpu.memref_slice %arg12[%add3A_6, %dma_start3A_98] : memref<10240x64xf32, #tpu.memory_space<vmem_shared>> -> memref<128x64xf32, #tpu.memory_space<vmem_shared>>
      tpu.enqueue_dma source(%arg11 : memref<128x64xf32, #tpu.memory_space<vmem>>) target(%dma_start3A_99 : memref<128x64xf32, #tpu.memory_space<vmem_shared>>) target_semaphore(%run_scoped3A_95 : memref<!tpu.dma_semaphore, #tpu.memory_space<semaphore_mem>>)
      %dma_wait3A = arith.constant 0 : i32
      %dma_wait3A_100 = tpu.memref_slice %arg12[%add3A_6, %dma_wait3A] : memref<10240x64xf32, #tpu.memory_space<vmem_shared>> -> memref<128x64xf32, #tpu.memory_space<vmem_shared>>
      %dma_wait3A_101 = arith.constant 0 : i32
      %dma_wait3A_102 = tpu.memref_slice %arg12[%add3A_6, %dma_wait3A_101] : memref<10240x64xf32, #tpu.memory_space<vmem_shared>> -> memref<128x64xf32, #tpu.memory_space<vmem_shared>>
      tpu.wait_dma2 semaphore(%run_scoped3A_95 : memref<!tpu.dma_semaphore, #tpu.memory_space<semaphore_mem>>) src(%arg11 : memref<128x64xf32, #tpu.memory_space<vmem>>) dst(%dma_wait3A_102 : memref<128x64xf32, #tpu.memory_space<vmem_shared>>)
      tpu.yield
    }) : () -> ()
    "tpu.region"() ({
      %run_scoped3A_95 = tpu.sem_alloc : memref<!tpu.dma_semaphore, #tpu.memory_space<semaphore_mem>>
      %dma_start3A_96 = arith.constant 0 : i32
      %dma_start3A_97 = tpu.memref_slice %arg25[%add3A_6, %dma_start3A_96] : memref<10240x16xf32, #tpu.memory_space<vmem_shared>> -> memref<128x16xf32, #tpu.memory_space<vmem_shared>>
      %dma_start3A_98 = arith.constant 0 : i32
      %dma_start3A_99 = tpu.memref_slice %arg25[%add3A_6, %dma_start3A_98] : memref<10240x16xf32, #tpu.memory_space<vmem_shared>> -> memref<128x16xf32, #tpu.memory_space<vmem_shared>>
      tpu.enqueue_dma source(%arg24 : memref<128x16xf32, #tpu.memory_space<vmem>>) target(%dma_start3A_99 : memref<128x16xf32, #tpu.memory_space<vmem_shared>>) target_semaphore(%run_scoped3A_95 : memref<!tpu.dma_semaphore, #tpu.memory_space<semaphore_mem>>)
      %dma_wait3A = arith.constant 0 : i32
      %dma_wait3A_100 = tpu.memref_slice %arg25[%add3A_6, %dma_wait3A] : memref<10240x16xf32, #tpu.memory_space<vmem_shared>> -> memref<128x16xf32, #tpu.memory_space<vmem_shared>>
      %dma_wait3A_101 = arith.constant 0 : i32
      %dma_wait3A_102 = tpu.memref_slice %arg25[%add3A_6, %dma_wait3A_101] : memref<10240x16xf32, #tpu.memory_space<vmem_shared>> -> memref<128x16xf32, #tpu.memory_space<vmem_shared>>
      tpu.wait_dma2 semaphore(%run_scoped3A_95 : memref<!tpu.dma_semaphore, #tpu.memory_space<semaphore_mem>>) src(%arg24 : memref<128x16xf32, #tpu.memory_space<vmem>>) dst(%dma_wait3A_102 : memref<128x16xf32, #tpu.memory_space<vmem_shared>>)
      tpu.yield
    }) : () -> ()
    %mul3A_7 = arith.constant 640 : i32
    %mul3A_8 = arith.muli %arg1, %mul3A_7 : i32
    %add3A_9 = arith.constant 256 : i32
    %add3A_10 = arith.addi %mul3A_8, %add3A_9 : i32
    "tpu.region"() ({
      %run_scoped3A_95 = tpu.sem_alloc : memref<!tpu.dma_semaphore, #tpu.memory_space<semaphore_mem>>
      %dma_start3A_96 = arith.constant 0 : i32
      %dma_start3A_97 = tpu.memref_slice %arg12[%add3A_10, %dma_start3A_96] : memref<10240x64xf32, #tpu.memory_space<vmem_shared>> -> memref<128x64xf32, #tpu.memory_space<vmem_shared>>
      %dma_start3A_98 = arith.constant 0 : i32
      %dma_start3A_99 = tpu.memref_slice %arg12[%add3A_10, %dma_start3A_98] : memref<10240x64xf32, #tpu.memory_space<vmem_shared>> -> memref<128x64xf32, #tpu.memory_space<vmem_shared>>
      tpu.enqueue_dma source(%arg11 : memref<128x64xf32, #tpu.memory_space<vmem>>) target(%dma_start3A_99 : memref<128x64xf32, #tpu.memory_space<vmem_shared>>) target_semaphore(%run_scoped3A_95 : memref<!tpu.dma_semaphore, #tpu.memory_space<semaphore_mem>>)
      %dma_wait3A = arith.constant 0 : i32
      %dma_wait3A_100 = tpu.memref_slice %arg12[%add3A_10, %dma_wait3A] : memref<10240x64xf32, #tpu.memory_space<vmem_shared>> -> memref<128x64xf32, #tpu.memory_space<vmem_shared>>
      %dma_wait3A_101 = arith.constant 0 : i32
      %dma_wait3A_102 = tpu.memref_slice %arg12[%add3A_10, %dma_wait3A_101] : memref<10240x64xf32, #tpu.memory_space<vmem_shared>> -> memref<128x64xf32, #tpu.memory_space<vmem_shared>>
      tpu.wait_dma2 semaphore(%run_scoped3A_95 : memref<!tpu.dma_semaphore, #tpu.memory_space<semaphore_mem>>) src(%arg11 : memref<128x64xf32, #tpu.memory_space<vmem>>) dst(%dma_wait3A_102 : memref<128x64xf32, #tpu.memory_space<vmem_shared>>)
      tpu.yield
    }) : () -> ()
    "tpu.region"() ({
      %run_scoped3A_95 = tpu.sem_alloc : memref<!tpu.dma_semaphore, #tpu.memory_space<semaphore_mem>>
      %dma_start3A_96 = arith.constant 0 : i32
      %dma_start3A_97 = tpu.memref_slice %arg25[%add3A_10, %dma_start3A_96] : memref<10240x16xf32, #tpu.memory_space<vmem_shared>> -> memref<128x16xf32, #tpu.memory_space<vmem_shared>>
      %dma_start3A_98 = arith.constant 0 : i32
      %dma_start3A_99 = tpu.memref_slice %arg25[%add3A_10, %dma_start3A_98] : memref<10240x16xf32, #tpu.memory_space<vmem_shared>> -> memref<128x16xf32, #tpu.memory_space<vmem_shared>>
      tpu.enqueue_dma source(%arg24 : memref<128x16xf32, #tpu.memory_space<vmem>>) target(%dma_start3A_99 : memref<128x16xf32, #tpu.memory_space<vmem_shared>>) target_semaphore(%run_scoped3A_95 : memref<!tpu.dma_semaphore, #tpu.memory_space<semaphore_mem>>)
      %dma_wait3A = arith.constant 0 : i32
      %dma_wait3A_100 = tpu.memref_slice %arg25[%add3A_10, %dma_wait3A] : memref<10240x16xf32, #tpu.memory_space<vmem_shared>> -> memref<128x16xf32, #tpu.memory_space<vmem_shared>>
      %dma_wait3A_101 = arith.constant 0 : i32
      %dma_wait3A_102 = tpu.memref_slice %arg25[%add3A_10, %dma_wait3A_101] : memref<10240x16xf32, #tpu.memory_space<vmem_shared>> -> memref<128x16xf32, #tpu.memory_space<vmem_shared>>
      tpu.wait_dma2 semaphore(%run_scoped3A_95 : memref<!tpu.dma_semaphore, #tpu.memory_space<semaphore_mem>>) src(%arg24 : memref<128x16xf32, #tpu.memory_space<vmem>>) dst(%dma_wait3A_102 : memref<128x16xf32, #tpu.memory_space<vmem_shared>>)
      tpu.yield
    }) : () -> ()
    %mul3A_11 = arith.constant 640 : i32
    %mul3A_12 = arith.muli %arg1, %mul3A_11 : i32
    %add3A_13 = arith.constant 384 : i32
    %add3A_14 = arith.addi %mul3A_12, %add3A_13 : i32
    "tpu.region"() ({
      %run_scoped3A_95 = tpu.sem_alloc : memref<!tpu.dma_semaphore, #tpu.memory_space<semaphore_mem>>
      %dma_start3A_96 = arith.constant 0 : i32
      %dma_start3A_97 = tpu.memref_slice %arg12[%add3A_14, %dma_start3A_96] : memref<10240x64xf32, #tpu.memory_space<vmem_shared>> -> memref<128x64xf32, #tpu.memory_space<vmem_shared>>
      %dma_start3A_98 = arith.constant 0 : i32
      %dma_start3A_99 = tpu.memref_slice %arg12[%add3A_14, %dma_start3A_98] : memref<10240x64xf32, #tpu.memory_space<vmem_shared>> -> memref<128x64xf32, #tpu.memory_space<vmem_shared>>
      tpu.enqueue_dma source(%arg11 : memref<128x64xf32, #tpu.memory_space<vmem>>) target(%dma_start3A_99 : memref<128x64xf32, #tpu.memory_space<vmem_shared>>) target_semaphore(%run_scoped3A_95 : memref<!tpu.dma_semaphore, #tpu.memory_space<semaphore_mem>>)
      %dma_wait3A = arith.constant 0 : i32
      %dma_wait3A_100 = tpu.memref_slice %arg12[%add3A_14, %dma_wait3A] : memref<10240x64xf32, #tpu.memory_space<vmem_shared>> -> memref<128x64xf32, #tpu.memory_space<vmem_shared>>
      %dma_wait3A_101 = arith.constant 0 : i32
      %dma_wait3A_102 = tpu.memref_slice %arg12[%add3A_14, %dma_wait3A_101] : memref<10240x64xf32, #tpu.memory_space<vmem_shared>> -> memref<128x64xf32, #tpu.memory_space<vmem_shared>>
      tpu.wait_dma2 semaphore(%run_scoped3A_95 : memref<!tpu.dma_semaphore, #tpu.memory_space<semaphore_mem>>) src(%arg11 : memref<128x64xf32, #tpu.memory_space<vmem>>) dst(%dma_wait3A_102 : memref<128x64xf32, #tpu.memory_space<vmem_shared>>)
      tpu.yield
    }) : () -> ()
    "tpu.region"() ({
      %run_scoped3A_95 = tpu.sem_alloc : memref<!tpu.dma_semaphore, #tpu.memory_space<semaphore_mem>>
      %dma_start3A_96 = arith.constant 0 : i32
      %dma_start3A_97 = tpu.memref_slice %arg25[%add3A_14, %dma_start3A_96] : memref<10240x16xf32, #tpu.memory_space<vmem_shared>> -> memref<128x16xf32, #tpu.memory_space<vmem_shared>>
      %dma_start3A_98 = arith.constant 0 : i32
      %dma_start3A_99 = tpu.memref_slice %arg25[%add3A_14, %dma_start3A_98] : memref<10240x16xf32, #tpu.memory_space<vmem_shared>> -> memref<128x16xf32, #tpu.memory_space<vmem_shared>>
      tpu.enqueue_dma source(%arg24 : memref<128x16xf32, #tpu.memory_space<vmem>>) target(%dma_start3A_99 : memref<128x16xf32, #tpu.memory_space<vmem_shared>>) target_semaphore(%run_scoped3A_95 : memref<!tpu.dma_semaphore, #tpu.memory_space<semaphore_mem>>)
      %dma_wait3A = arith.constant 0 : i32
      %dma_wait3A_100 = tpu.memref_slice %arg25[%add3A_14, %dma_wait3A] : memref<10240x16xf32, #tpu.memory_space<vmem_shared>> -> memref<128x16xf32, #tpu.memory_space<vmem_shared>>
      %dma_wait3A_101 = arith.constant 0 : i32
      %dma_wait3A_102 = tpu.memref_slice %arg25[%add3A_14, %dma_wait3A_101] : memref<10240x16xf32, #tpu.memory_space<vmem_shared>> -> memref<128x16xf32, #tpu.memory_space<vmem_shared>>
      tpu.wait_dma2 semaphore(%run_scoped3A_95 : memref<!tpu.dma_semaphore, #tpu.memory_space<semaphore_mem>>) src(%arg24 : memref<128x16xf32, #tpu.memory_space<vmem>>) dst(%dma_wait3A_102 : memref<128x16xf32, #tpu.memory_space<vmem_shared>>)
      tpu.yield
    }) : () -> ()
    %mul3A_15 = arith.constant 640 : i32
    %mul3A_16 = arith.muli %arg1, %mul3A_15 : i32
    %add3A_17 = arith.constant 512 : i32
    %add3A_18 = arith.addi %mul3A_16, %add3A_17 : i32
    "tpu.region"() ({
      %run_scoped3A_95 = tpu.sem_alloc : memref<!tpu.dma_semaphore, #tpu.memory_space<semaphore_mem>>
      %dma_start3A_96 = arith.constant 0 : i32
      %dma_start3A_97 = tpu.memref_slice %arg12[%add3A_18, %dma_start3A_96] : memref<10240x64xf32, #tpu.memory_space<vmem_shared>> -> memref<128x64xf32, #tpu.memory_space<vmem_shared>>
      %dma_start3A_98 = arith.constant 0 : i32
      %dma_start3A_99 = tpu.memref_slice %arg12[%add3A_18, %dma_start3A_98] : memref<10240x64xf32, #tpu.memory_space<vmem_shared>> -> memref<128x64xf32, #tpu.memory_space<vmem_shared>>
      tpu.enqueue_dma source(%arg11 : memref<128x64xf32, #tpu.memory_space<vmem>>) target(%dma_start3A_99 : memref<128x64xf32, #tpu.memory_space<vmem_shared>>) target_semaphore(%run_scoped3A_95 : memref<!tpu.dma_semaphore, #tpu.memory_space<semaphore_mem>>)
      %dma_wait3A = arith.constant 0 : i32
      %dma_wait3A_100 = tpu.memref_slice %arg12[%add3A_18, %dma_wait3A] : memref<10240x64xf32, #tpu.memory_space<vmem_shared>> -> memref<128x64xf32, #tpu.memory_space<vmem_shared>>
      %dma_wait3A_101 = arith.constant 0 : i32
      %dma_wait3A_102 = tpu.memref_slice %arg12[%add3A_18, %dma_wait3A_101] : memref<10240x64xf32, #tpu.memory_space<vmem_shared>> -> memref<128x64xf32, #tpu.memory_space<vmem_shared>>
      tpu.wait_dma2 semaphore(%run_scoped3A_95 : memref<!tpu.dma_semaphore, #tpu.memory_space<semaphore_mem>>) src(%arg11 : memref<128x64xf32, #tpu.memory_space<vmem>>) dst(%dma_wait3A_102 : memref<128x64xf32, #tpu.memory_space<vmem_shared>>)
      tpu.yield
    }) : () -> ()
    "tpu.region"() ({
      %run_scoped3A_95 = tpu.sem_alloc : memref<!tpu.dma_semaphore, #tpu.memory_space<semaphore_mem>>
      %dma_start3A_96 = arith.constant 0 : i32
      %dma_start3A_97 = tpu.memref_slice %arg25[%add3A_18, %dma_start3A_96] : memref<10240x16xf32, #tpu.memory_space<vmem_shared>> -> memref<128x16xf32, #tpu.memory_space<vmem_shared>>
      %dma_start3A_98 = arith.constant 0 : i32
      %dma_start3A_99 = tpu.memref_slice %arg25[%add3A_18, %dma_start3A_98] : memref<10240x16xf32, #tpu.memory_space<vmem_shared>> -> memref<128x16xf32, #tpu.memory_space<vmem_shared>>
      tpu.enqueue_dma source(%arg24 : memref<128x16xf32, #tpu.memory_space<vmem>>) target(%dma_start3A_99 : memref<128x16xf32, #tpu.memory_space<vmem_shared>>) target_semaphore(%run_scoped3A_95 : memref<!tpu.dma_semaphore, #tpu.memory_space<semaphore_mem>>)
      %dma_wait3A = arith.constant 0 : i32
      %dma_wait3A_100 = tpu.memref_slice %arg25[%add3A_18, %dma_wait3A] : memref<10240x16xf32, #tpu.memory_space<vmem_shared>> -> memref<128x16xf32, #tpu.memory_space<vmem_shared>>
      %dma_wait3A_101 = arith.constant 0 : i32
      %dma_wait3A_102 = tpu.memref_slice %arg25[%add3A_18, %dma_wait3A_101] : memref<10240x16xf32, #tpu.memory_space<vmem_shared>> -> memref<128x16xf32, #tpu.memory_space<vmem_shared>>
      tpu.wait_dma2 semaphore(%run_scoped3A_95 : memref<!tpu.dma_semaphore, #tpu.memory_space<semaphore_mem>>) src(%arg24 : memref<128x16xf32, #tpu.memory_space<vmem>>) dst(%dma_wait3A_102 : memref<128x16xf32, #tpu.memory_space<vmem_shared>>)
      tpu.yield
    }) : () -> ()
    %scan3A = arith.constant 0 : i32
    %scan3A_19 = arith.constant 0 : i32
    %scan3A_20 = arith.constant 250 : i32
    %scan3A_21 = arith.addi %scan3A_19, %scan3A_20 : i32
    %scan3A_22 = arith.constant 1 : i32
    scf.for %scan3A_95 = %scan3A_19 to %scan3A_21 step %scan3A_22  : i32 {
      %get3A = arith.index_cast %scan3A_95 : i32 to index
      %get3A_96 = arith.constant 0 : index
      %get3A_97 = tpu.vector_load %arg9[%get3A, %get3A_96] {strides = array<i32>} : memref<250x80xi32, #tpu.memory_space<vmem>>, vector<1x16xi32>,
      %get3A_98 = vector.shape_cast %get3A_97 : vector<1x16xi32> to vector<16xi32>
      %mul3A_99 = arith.constant 2 : i32
      %mul3A_100 = vector.broadcast %mul3A_99 : i32 to vector<16xi32>
      %mul3A_101 = arith.muli %get3A_98, %mul3A_100 : vector<16xi32>
      %add3A_102 = vector.broadcast %arg0 : i32 to vector<16xi32>
      %add3A_103 = arith.addi %mul3A_101, %add3A_102 : vector<16xi32>
      %swap3A = arith.index_cast %scan3A_95 : i32 to index
      %swap3A_104 = arith.constant 0 : index
      %swap3A_105 = tpu.vector_load %arg9[%swap3A, %swap3A_104] {strides = array<i32>} : memref<250x80xi32, #tpu.memory_space<vmem>>, vector<1x16xi32>,
      %swap3A_106 = vector.shape_cast %swap3A_105 : vector<1x16xi32> to vector<16xi32>
      %swap3A_107 = vector.shape_cast %add3A_103 : vector<16xi32> to vector<1x16xi32>
      tpu.vector_store %arg9[%swap3A, %swap3A_104], %swap3A_107 {strides = array<i32>} : memref<250x80xi32, #tpu.memory_space<vmem>>, vector<1x16xi32>,
      %get3A_108 = arith.index_cast %scan3A_95 : i32 to index
      %get3A_109 = arith.constant 16 : index
      %get3A_110 = tpu.vector_load %arg9[%get3A_108, %get3A_109] {strides = array<i32>} : memref<250x80xi32, #tpu.memory_space<vmem>>, vector<1x16xi32>,
      %get3A_111 = vector.shape_cast %get3A_110 : vector<1x16xi32> to vector<16xi32>
      %mul3A_112 = arith.constant 2 : i32
      %mul3A_113 = vector.broadcast %mul3A_112 : i32 to vector<16xi32>
      %mul3A_114 = arith.muli %get3A_111, %mul3A_113 : vector<16xi32>
      %add3A_115 = vector.broadcast %arg0 : i32 to vector<16xi32>
      %add3A_116 = arith.addi %mul3A_114, %add3A_115 : vector<16xi32>
      %swap3A_117 = arith.index_cast %scan3A_95 : i32 to index
      %swap3A_118 = arith.constant 16 : index
      %swap3A_119 = tpu.vector_load %arg9[%swap3A_117, %swap3A_118] {strides = array<i32>} : memref<250x80xi32, #tpu.memory_space<vmem>>, vector<1x16xi32>,
      %swap3A_120 = vector.shape_cast %swap3A_119 : vector<1x16xi32> to vector<16xi32>
      %swap3A_121 = vector.shape_cast %add3A_116 : vector<16xi32> to vector<1x16xi32>
      tpu.vector_store %arg9[%swap3A_117, %swap3A_118], %swap3A_121 {strides = array<i32>} : memref<250x80xi32, #tpu.memory_space<vmem>>, vector<1x16xi32>,
      %get3A_122 = arith.index_cast %scan3A_95 : i32 to index
      %get3A_123 = arith.constant 32 : index
      %get3A_124 = tpu.vector_load %arg9[%get3A_122, %get3A_123] {strides = array<i32>} : memref<250x80xi32, #tpu.memory_space<vmem>>, vector<1x16xi32>,
      %get3A_125 = vector.shape_cast %get3A_124 : vector<1x16xi32> to vector<16xi32>
      %mul3A_126 = arith.constant 2 : i32
      %mul3A_127 = vector.broadcast %mul3A_126 : i32 to vector<16xi32>
      %mul3A_128 = arith.muli %get3A_125, %mul3A_127 : vector<16xi32>
      %add3A_129 = vector.broadcast %arg0 : i32 to vector<16xi32>
      %add3A_130 = arith.addi %mul3A_128, %add3A_129 : vector<16xi32>
      %swap3A_131 = arith.index_cast %scan3A_95 : i32 to index
      %swap3A_132 = arith.constant 32 : index
      %swap3A_133 = tpu.vector_load %arg9[%swap3A_131, %swap3A_132] {strides = array<i32>} : memref<250x80xi32, #tpu.memory_space<vmem>>, vector<1x16xi32>,
      %swap3A_134 = vector.shape_cast %swap3A_133 : vector<1x16xi32> to vector<16xi32>
      %swap3A_135 = vector.shape_cast %add3A_130 : vector<16xi32> to vector<1x16xi32>
      tpu.vector_store %arg9[%swap3A_131, %swap3A_132], %swap3A_135 {strides = array<i32>} : memref<250x80xi32, #tpu.memory_space<vmem>>, vector<1x16xi32>,
      %get3A_136 = arith.index_cast %scan3A_95 : i32 to index
      %get3A_137 = arith.constant 48 : index
      %get3A_138 = tpu.vector_load %arg9[%get3A_136, %get3A_137] {strides = array<i32>} : memref<250x80xi32, #tpu.memory_space<vmem>>, vector<1x16xi32>,
      %get3A_139 = vector.shape_cast %get3A_138 : vector<1x16xi32> to vector<16xi32>
      %mul3A_140 = arith.constant 2 : i32
      %mul3A_141 = vector.broadcast %mul3A_140 : i32 to vector<16xi32>
      %mul3A_142 = arith.muli %get3A_139, %mul3A_141 : vector<16xi32>
      %add3A_143 = vector.broadcast %arg0 : i32 to vector<16xi32>
      %add3A_144 = arith.addi %mul3A_142, %add3A_143 : vector<16xi32>
      %swap3A_145 = arith.index_cast %scan3A_95 : i32 to index
      %swap3A_146 = arith.constant 48 : index
      %swap3A_147 = tpu.vector_load %arg9[%swap3A_145, %swap3A_146] {strides = array<i32>} : memref<250x80xi32, #tpu.memory_space<vmem>>, vector<1x16xi32>,
      %swap3A_148 = vector.shape_cast %swap3A_147 : vector<1x16xi32> to vector<16xi32>
      %swap3A_149 = vector.shape_cast %add3A_144 : vector<16xi32> to vector<1x16xi32>
      tpu.vector_store %arg9[%swap3A_145, %swap3A_146], %swap3A_149 {strides = array<i32>} : memref<250x80xi32, #tpu.memory_space<vmem>>, vector<1x16xi32>,
      %get3A_150 = arith.index_cast %scan3A_95 : i32 to index
      %get3A_151 = arith.constant 64 : index
      %get3A_152 = tpu.vector_load %arg9[%get3A_150, %get3A_151] {strides = array<i32>} : memref<250x80xi32, #tpu.memory_space<vmem>>, vector<1x16xi32>,
      %get3A_153 = vector.shape_cast %get3A_152 : vector<1x16xi32> to vector<16xi32>
      %mul3A_154 = arith.constant 2 : i32
      %mul3A_155 = vector.broadcast %mul3A_154 : i32 to vector<16xi32>
      %mul3A_156 = arith.muli %get3A_153, %mul3A_155 : vector<16xi32>
      %add3A_157 = vector.broadcast %arg0 : i32 to vector<16xi32>
      %add3A_158 = arith.addi %mul3A_156, %add3A_157 : vector<16xi32>
      %swap3A_159 = arith.index_cast %scan3A_95 : i32 to index
      %swap3A_160 = arith.constant 64 : index
      %swap3A_161 = tpu.vector_load %arg9[%swap3A_159, %swap3A_160] {strides = array<i32>} : memref<250x80xi32, #tpu.memory_space<vmem>>, vector<1x16xi32>,
      %swap3A_162 = vector.shape_cast %swap3A_161 : vector<1x16xi32> to vector<16xi32>
      %swap3A_163 = vector.shape_cast %add3A_158 : vector<16xi32> to vector<1x16xi32>
      tpu.vector_store %arg9[%swap3A_159, %swap3A_160], %swap3A_163 {strides = array<i32>} : memref<250x80xi32, #tpu.memory_space<vmem>>, vector<1x16xi32>,
    }
    %scan3A_23 = arith.constant 250 : i32
    %barrier3A = arith.constant 0 : index
    tpu.barrier barrier_id(%barrier3A)
    %dma_start3A = arith.constant 0 : i32
    %dma_start3A_24 = arith.constant 0 : i32
    %dma_start3A_25 = tpu.memref_slice %arg9[%dma_start3A, %dma_start3A_24] : memref<250x80xi32, #tpu.memory_space<vmem>> -> memref<1x80xi32, #tpu.memory_space<vmem>>
    %dma_start3A_26 = tpu.memref_squeeze %dma_start3A_25 : memref<1x80xi32, #tpu.memory_space<vmem>> -> memref<80xi32, #tpu.memory_space<vmem>>
    %dma_start3A_27 = arith.constant 0 : i32
    %dma_start3A_28 = arith.constant 0 : i32
    %dma_start3A_29 = tpu.memref_slice %arg2[%dma_start3A_27, %dma_start3A_28] : memref<20000x64xf32, #tpu.memory_space<hbm>> -> memref<20000x64xf32, #tpu.memory_space<hbm>>
    tpu.enqueue_indirect_dma source(%dma_start3A_29 : memref<20000x64xf32, #tpu.memory_space<hbm>>) target(%arg13 : memref<80x64xf32, #tpu.memory_space<vmem>>) offsets(%dma_start3A_26 : memref<80xi32, #tpu.memory_space<vmem>>) semaphore(%arg18 : memref<!tpu.dma_semaphore, #tpu.memory_space<semaphore_mem>>)
    %dma_start3A_30 = arith.constant 1 : i32
    %dma_start3A_31 = arith.constant 0 : i32
    %dma_start3A_32 = tpu.memref_slice %arg9[%dma_start3A_30, %dma_start3A_31] : memref<250x80xi32, #tpu.memory_space<vmem>> -> memref<1x80xi32, #tpu.memory_space<vmem>>
    %dma_start3A_33 = tpu.memref_squeeze %dma_start3A_32 : memref<1x80xi32, #tpu.memory_space<vmem>> -> memref<80xi32, #tpu.memory_space<vmem>>
    %dma_start3A_34 = arith.constant 0 : i32
    %dma_start3A_35 = arith.constant 0 : i32
    %dma_start3A_36 = tpu.memref_slice %arg2[%dma_start3A_34, %dma_start3A_35] : memref<20000x64xf32, #tpu.memory_space<hbm>> -> memref<20000x64xf32, #tpu.memory_space<hbm>>
    tpu.enqueue_indirect_dma source(%dma_start3A_36 : memref<20000x64xf32, #tpu.memory_space<hbm>>) target(%arg14 : memref<80x64xf32, #tpu.memory_space<vmem>>) offsets(%dma_start3A_33 : memref<80xi32, #tpu.memory_space<vmem>>) semaphore(%arg19 : memref<!tpu.dma_semaphore, #tpu.memory_space<semaphore_mem>>)
    %dma_start3A_37 = arith.constant 2 : i32
    %dma_start3A_38 = arith.constant 0 : i32
    %dma_start3A_39 = tpu.memref_slice %arg9[%dma_start3A_37, %dma_start3A_38] : memref<250x80xi32, #tpu.memory_space<vmem>> -> memref<1x80xi32, #tpu.memory_space<vmem>>
    %dma_start3A_40 = tpu.memref_squeeze %dma_start3A_39 : memref<1x80xi32, #tpu.memory_space<vmem>> -> memref<80xi32, #tpu.memory_space<vmem>>
    %dma_start3A_41 = arith.constant 0 : i32
    %dma_start3A_42 = arith.constant 0 : i32
    %dma_start3A_43 = tpu.memref_slice %arg2[%dma_start3A_41, %dma_start3A_42] : memref<20000x64xf32, #tpu.memory_space<hbm>> -> memref<20000x64xf32, #tpu.memory_space<hbm>>
    tpu.enqueue_indirect_dma source(%dma_start3A_43 : memref<20000x64xf32, #tpu.memory_space<hbm>>) target(%arg15 : memref<80x64xf32, #tpu.memory_space<vmem>>) offsets(%dma_start3A_40 : memref<80xi32, #tpu.memory_space<vmem>>) semaphore(%arg20 : memref<!tpu.dma_semaphore, #tpu.memory_space<semaphore_mem>>)
    %dma_start3A_44 = arith.constant 3 : i32
    %dma_start3A_45 = arith.constant 0 : i32
    %dma_start3A_46 = tpu.memref_slice %arg9[%dma_start3A_44, %dma_start3A_45] : memref<250x80xi32, #tpu.memory_space<vmem>> -> memref<1x80xi32, #tpu.memory_space<vmem>>
    %dma_start3A_47 = tpu.memref_squeeze %dma_start3A_46 : memref<1x80xi32, #tpu.memory_space<vmem>> -> memref<80xi32, #tpu.memory_space<vmem>>
    %dma_start3A_48 = arith.constant 0 : i32
    %dma_start3A_49 = arith.constant 0 : i32
    %dma_start3A_50 = tpu.memref_slice %arg2[%dma_start3A_48, %dma_start3A_49] : memref<20000x64xf32, #tpu.memory_space<hbm>> -> memref<20000x64xf32, #tpu.memory_space<hbm>>
    tpu.enqueue_indirect_dma source(%dma_start3A_50 : memref<20000x64xf32, #tpu.memory_space<hbm>>) target(%arg16 : memref<80x64xf32, #tpu.memory_space<vmem>>) offsets(%dma_start3A_47 : memref<80xi32, #tpu.memory_space<vmem>>) semaphore(%arg21 : memref<!tpu.dma_semaphore, #tpu.memory_space<semaphore_mem>>)
    %dma_start3A_51 = arith.constant 4 : i32
    %dma_start3A_52 = arith.constant 0 : i32
    %dma_start3A_53 = tpu.memref_slice %arg9[%dma_start3A_51, %dma_start3A_52] : memref<250x80xi32, #tpu.memory_space<vmem>> -> memref<1x80xi32, #tpu.memory_space<vmem>>
    %dma_start3A_54 = tpu.memref_squeeze %dma_start3A_53 : memref<1x80xi32, #tpu.memory_space<vmem>> -> memref<80xi32, #tpu.memory_space<vmem>>
    %dma_start3A_55 = arith.constant 0 : i32
    %dma_start3A_56 = arith.constant 0 : i32
    %dma_start3A_57 = tpu.memref_slice %arg2[%dma_start3A_55, %dma_start3A_56] : memref<20000x64xf32, #tpu.memory_space<hbm>> -> memref<20000x64xf32, #tpu.memory_space<hbm>>
    tpu.enqueue_indirect_dma source(%dma_start3A_57 : memref<20000x64xf32, #tpu.memory_space<hbm>>) target(%arg17 : memref<80x64xf32, #tpu.memory_space<vmem>>) offsets(%dma_start3A_54 : memref<80xi32, #tpu.memory_space<vmem>>) semaphore(%arg22 : memref<!tpu.dma_semaphore, #tpu.memory_space<semaphore_mem>>)
    %scan3A_58 = arith.constant 0 : i32
    %scan3A_59 = arith.constant 0 : i32
    %scan3A_60 = arith.constant 50 : i32
    %scan3A_61 = arith.addi %scan3A_59, %scan3A_60 : i32
    %scan3A_62 = arith.constant 1 : i32
    scf.for %scan3A_95 = %scan3A_59 to %scan3A_61 step %scan3A_62  : i32 {
      %mul3A_96 = arith.constant 5 : i32
      %mul3A_97 = arith.muli %scan3A_95, %mul3A_96 : i32
      %add3A_98 = arith.constant 0 : i32
      %add3A_99 = arith.addi %mul3A_97, %add3A_98 : i32
      %dma_wait3A = arith.constant 0 : i32
      %dma_wait3A_100 = tpu.memref_slice %arg9[%add3A_99, %dma_wait3A] : memref<250x80xi32, #tpu.memory_space<vmem>> -> memref<1x80xi32, #tpu.memory_space<vmem>>
      %dma_wait3A_101 = tpu.memref_squeeze %dma_wait3A_100 : memref<1x80xi32, #tpu.memory_space<vmem>> -> memref<80xi32, #tpu.memory_space<vmem>>
      %dma_wait3A_102 = arith.constant 0 : i32
      %dma_wait3A_103 = arith.constant 0 : i32
      %dma_wait3A_104 = tpu.memref_slice %arg2[%dma_wait3A_102, %dma_wait3A_103] : memref<20000x64xf32, #tpu.memory_space<hbm>> -> memref<20000x64xf32, #tpu.memory_space<hbm>>
      tpu.wait_indirect_dma semaphore(%arg18 : memref<!tpu.dma_semaphore, #tpu.memory_space<semaphore_mem>>) src(%dma_wait3A_104 : memref<20000x64xf32, #tpu.memory_space<hbm>>) dst(%arg13 : memref<80x64xf32, #tpu.memory_space<vmem>>)
      "tpu.region"() ({
        %run_scoped3A_263 = tpu.sem_alloc : memref<!tpu.dma_semaphore, #tpu.memory_space<semaphore_mem>>
        %dma_start3A_264 = arith.constant 0 : i32
        %dma_start3A_265 = tpu.memref_slice %arg10[%add3A_99, %dma_start3A_264] : memref<250x80xi32, #tpu.memory_space<vmem>> -> memref<1x80xi32, #tpu.memory_space<vmem>>
        %dma_start3A_266 = tpu.memref_squeeze %dma_start3A_265 : memref<1x80xi32, #tpu.memory_space<vmem>> -> memref<80xi32, #tpu.memory_space<vmem>>
        %dma_start3A_267 = arith.constant 0 : i32
        %dma_start3A_268 = arith.constant 0 : i32
        %dma_start3A_269 = tpu.memref_slice %arg12[%dma_start3A_267, %dma_start3A_268] : memref<10240x64xf32, #tpu.memory_space<vmem_shared>> -> memref<10240x64xf32, #tpu.memory_space<vmem_shared>>
        tpu.enqueue_indirect_dma source(%arg13 : memref<80x64xf32, #tpu.memory_space<vmem>>) target(%dma_start3A_269 : memref<10240x64xf32, #tpu.memory_space<vmem_shared>>) offsets(%dma_start3A_266 : memref<80xi32, #tpu.memory_space<vmem>>) semaphore(%run_scoped3A_263 : memref<!tpu.dma_semaphore, #tpu.memory_space<semaphore_mem>>) {add = true}
        %dma_wait3A_270 = arith.constant 0 : i32
        %dma_wait3A_271 = tpu.memref_slice %arg10[%add3A_99, %dma_wait3A_270] : memref<250x80xi32, #tpu.memory_space<vmem>> -> memref<1x80xi32, #tpu.memory_space<vmem>>
        %dma_wait3A_272 = tpu.memref_squeeze %dma_wait3A_271 : memref<1x80xi32, #tpu.memory_space<vmem>> -> memref<80xi32, #tpu.memory_space<vmem>>
        %dma_wait3A_273 = arith.constant 0 : i32
        %dma_wait3A_274 = arith.constant 0 : i32
        %dma_wait3A_275 = tpu.memref_slice %arg12[%dma_wait3A_273, %dma_wait3A_274] : memref<10240x64xf32, #tpu.memory_space<vmem_shared>> -> memref<10240x64xf32, #tpu.memory_space<vmem_shared>>
        tpu.wait_indirect_dma semaphore(%run_scoped3A_263 : memref<!tpu.dma_semaphore, #tpu.memory_space<semaphore_mem>>) src(%arg13 : memref<80x64xf32, #tpu.memory_space<vmem>>) dst(%dma_wait3A_275 : memref<10240x64xf32, #tpu.memory_space<vmem_shared>>)
        tpu.yield
      }) : () -> ()
      %jit3A = arith.constant 2 : i32
      %eq3A = arith.constant 0 : i32
      %eq3A_105 = arith.cmpi eq, %jit3A, %eq3A : i32
      %jit3A_106 = arith.constant 1 : i32
      %select_n3A = arith.select %eq3A_105, %jit3A_106, %jit3A : i32
      %rem3A = arith.remsi %add3A_99, %select_n3A : i32
      %ne3A = arith.constant 0 : i32
      %ne3A_107 = arith.cmpi ne, %rem3A, %ne3A : i32
      %lt3A = arith.constant 0 : i32
      %lt3A_108 = arith.cmpi slt, %rem3A, %lt3A : i32
      %lt3A_109 = arith.constant 0 : i32
      %lt3A_110 = arith.cmpi slt, %select_n3A, %lt3A_109 : i32
      %ne3A_111 = arith.xori %lt3A_108, %lt3A_110 : i1
      %and3A = arith.andi %ne3A_111, %ne3A_107 : i1
      %add3A_112 = arith.addi %rem3A, %select_n3A : i32
      %select_n3A_113 = arith.select %and3A, %add3A_112, %rem3A : i32
      %eq3A_114 = arith.cmpi eq, %select_n3A_113, %arg0 : i32
      %convert_element_type3A = arith.extui %eq3A_114 : i1 to i32
      %cond3A = arith.constant 0 : i32
      %cond3A_115 = arith.cmpi ne, %convert_element_type3A, %cond3A : i32
      scf.if %cond3A_115 {
        "tpu.region"() ({
          %run_scoped3A_263 = tpu.sem_alloc : memref<!tpu.dma_semaphore, #tpu.memory_space<semaphore_mem>>
          %dma_start3A_264 = arith.constant 0 : i32
          %dma_start3A_265 = tpu.memref_slice %arg10[%add3A_99, %dma_start3A_264] : memref<250x80xi32, #tpu.memory_space<vmem>> -> memref<1x80xi32, #tpu.memory_space<vmem>>
          %dma_start3A_266 = tpu.memref_squeeze %dma_start3A_265 : memref<1x80xi32, #tpu.memory_space<vmem>> -> memref<80xi32, #tpu.memory_space<vmem>>
          %dma_start3A_267 = arith.constant 0 : i32
          %dma_start3A_268 = arith.constant 0 : i32
          %dma_start3A_269 = tpu.memref_slice %arg25[%dma_start3A_267, %dma_start3A_268] : memref<10240x16xf32, #tpu.memory_space<vmem_shared>> -> memref<10240x16xf32, #tpu.memory_space<vmem_shared>>
          tpu.enqueue_indirect_dma source(%arg23 : memref<80x16xf32, #tpu.memory_space<vmem>>) target(%dma_start3A_269 : memref<10240x16xf32, #tpu.memory_space<vmem_shared>>) offsets(%dma_start3A_266 : memref<80xi32, #tpu.memory_space<vmem>>) semaphore(%run_scoped3A_263 : memref<!tpu.dma_semaphore, #tpu.memory_space<semaphore_mem>>) {add = true}
          %dma_wait3A_270 = arith.constant 0 : i32
          %dma_wait3A_271 = tpu.memref_slice %arg10[%add3A_99, %dma_wait3A_270] : memref<250x80xi32, #tpu.memory_space<vmem>> -> memref<1x80xi32, #tpu.memory_space<vmem>>
          %dma_wait3A_272 = tpu.memref_squeeze %dma_wait3A_271 : memref<1x80xi32, #tpu.memory_space<vmem>> -> memref<80xi32, #tpu.memory_space<vmem>>
          %dma_wait3A_273 = arith.constant 0 : i32
          %dma_wait3A_274 = arith.constant 0 : i32
          %dma_wait3A_275 = tpu.memref_slice %arg25[%dma_wait3A_273, %dma_wait3A_274] : memref<10240x16xf32, #tpu.memory_space<vmem_shared>> -> memref<10240x16xf32, #tpu.memory_space<vmem_shared>>
          tpu.wait_indirect_dma semaphore(%run_scoped3A_263 : memref<!tpu.dma_semaphore, #tpu.memory_space<semaphore_mem>>) src(%arg23 : memref<80x16xf32, #tpu.memory_space<vmem>>) dst(%dma_wait3A_275 : memref<10240x16xf32, #tpu.memory_space<vmem_shared>>)
          tpu.yield
        }) : () -> ()
      } else {
      }
      %add3A_116 = arith.constant 5 : i32
      %add3A_117 = arith.addi %add3A_99, %add3A_116 : i32
      %lt3A_118 = arith.constant 250 : i32
      %lt3A_119 = arith.cmpi slt, %add3A_117, %lt3A_118 : i32
      %convert_element_type3A_120 = arith.extui %lt3A_119 : i1 to i32
      %cond3A_121 = arith.constant 0 : i32
      %cond3A_122 = arith.cmpi ne, %convert_element_type3A_120, %cond3A_121 : i32
      scf.if %cond3A_122 {
        %add3A_263 = arith.constant 5 : i32
        %add3A_264 = arith.addi %add3A_99, %add3A_263 : i32
        %dma_start3A_265 = arith.constant 0 : i32
        %dma_start3A_266 = tpu.memref_slice %arg9[%add3A_264, %dma_start3A_265] : memref<250x80xi32, #tpu.memory_space<vmem>> -> memref<1x80xi32, #tpu.memory_space<vmem>>
        %dma_start3A_267 = tpu.memref_squeeze %dma_start3A_266 : memref<1x80xi32, #tpu.memory_space<vmem>> -> memref<80xi32, #tpu.memory_space<vmem>>
        %dma_start3A_268 = arith.constant 0 : i32
        %dma_start3A_269 = arith.constant 0 : i32
        %dma_start3A_270 = tpu.memref_slice %arg2[%dma_start3A_268, %dma_start3A_269] : memref<20000x64xf32, #tpu.memory_space<hbm>> -> memref<20000x64xf32, #tpu.memory_space<hbm>>
        tpu.enqueue_indirect_dma source(%dma_start3A_270 : memref<20000x64xf32, #tpu.memory_space<hbm>>) target(%arg13 : memref<80x64xf32, #tpu.memory_space<vmem>>) offsets(%dma_start3A_267 : memref<80xi32, #tpu.memory_space<vmem>>) semaphore(%arg18 : memref<!tpu.dma_semaphore, #tpu.memory_space<semaphore_mem>>)
      } else {
      }
      %add3A_123 = arith.constant 1 : i32
      %add3A_124 = arith.addi %mul3A_97, %add3A_123 : i32
      %dma_wait3A_125 = arith.constant 0 : i32
      %dma_wait3A_126 = tpu.memref_slice %arg9[%add3A_124, %dma_wait3A_125] : memref<250x80xi32, #tpu.memory_space<vmem>> -> memref<1x80xi32, #tpu.memory_space<vmem>>
      %dma_wait3A_127 = tpu.memref_squeeze %dma_wait3A_126 : memref<1x80xi32, #tpu.memory_space<vmem>> -> memref<80xi32, #tpu.memory_space<vmem>>
      %dma_wait3A_128 = arith.constant 0 : i32
      %dma_wait3A_129 = arith.constant 0 : i32
      %dma_wait3A_130 = tpu.memref_slice %arg2[%dma_wait3A_128, %dma_wait3A_129] : memref<20000x64xf32, #tpu.memory_space<hbm>> -> memref<20000x64xf32, #tpu.memory_space<hbm>>
      tpu.wait_indirect_dma semaphore(%arg19 : memref<!tpu.dma_semaphore, #tpu.memory_space<semaphore_mem>>) src(%dma_wait3A_130 : memref<20000x64xf32, #tpu.memory_space<hbm>>) dst(%arg14 : memref<80x64xf32, #tpu.memory_space<vmem>>)
      "tpu.region"() ({
        %run_scoped3A_263 = tpu.sem_alloc : memref<!tpu.dma_semaphore, #tpu.memory_space<semaphore_mem>>
        %dma_start3A_264 = arith.constant 0 : i32
        %dma_start3A_265 = tpu.memref_slice %arg10[%add3A_124, %dma_start3A_264] : memref<250x80xi32, #tpu.memory_space<vmem>> -> memref<1x80xi32, #tpu.memory_space<vmem>>
        %dma_start3A_266 = tpu.memref_squeeze %dma_start3A_265 : memref<1x80xi32, #tpu.memory_space<vmem>> -> memref<80xi32, #tpu.memory_space<vmem>>
        %dma_start3A_267 = arith.constant 0 : i32
        %dma_start3A_268 = arith.constant 0 : i32
        %dma_start3A_269 = tpu.memref_slice %arg12[%dma_start3A_267, %dma_start3A_268] : memref<10240x64xf32, #tpu.memory_space<vmem_shared>> -> memref<10240x64xf32, #tpu.memory_space<vmem_shared>>
        tpu.enqueue_indirect_dma source(%arg14 : memref<80x64xf32, #tpu.memory_space<vmem>>) target(%dma_start3A_269 : memref<10240x64xf32, #tpu.memory_space<vmem_shared>>) offsets(%dma_start3A_266 : memref<80xi32, #tpu.memory_space<vmem>>) semaphore(%run_scoped3A_263 : memref<!tpu.dma_semaphore, #tpu.memory_space<semaphore_mem>>) {add = true}
        %dma_wait3A_270 = arith.constant 0 : i32
        %dma_wait3A_271 = tpu.memref_slice %arg10[%add3A_124, %dma_wait3A_270] : memref<250x80xi32, #tpu.memory_space<vmem>> -> memref<1x80xi32, #tpu.memory_space<vmem>>
        %dma_wait3A_272 = tpu.memref_squeeze %dma_wait3A_271 : memref<1x80xi32, #tpu.memory_space<vmem>> -> memref<80xi32, #tpu.memory_space<vmem>>
        %dma_wait3A_273 = arith.constant 0 : i32
        %dma_wait3A_274 = arith.constant 0 : i32
        %dma_wait3A_275 = tpu.memref_slice %arg12[%dma_wait3A_273, %dma_wait3A_274] : memref<10240x64xf32, #tpu.memory_space<vmem_shared>> -> memref<10240x64xf32, #tpu.memory_space<vmem_shared>>
        tpu.wait_indirect_dma semaphore(%run_scoped3A_263 : memref<!tpu.dma_semaphore, #tpu.memory_space<semaphore_mem>>) src(%arg14 : memref<80x64xf32, #tpu.memory_space<vmem>>) dst(%dma_wait3A_275 : memref<10240x64xf32, #tpu.memory_space<vmem_shared>>)
        tpu.yield
      }) : () -> ()
      %jit3A_131 = arith.constant 2 : i32
      %eq3A_132 = arith.constant 0 : i32
      %eq3A_133 = arith.cmpi eq, %jit3A_131, %eq3A_132 : i32
      %jit3A_134 = arith.constant 1 : i32
      %select_n3A_135 = arith.select %eq3A_133, %jit3A_134, %jit3A_131 : i32
      %rem3A_136 = arith.remsi %add3A_124, %select_n3A_135 : i32
      %ne3A_137 = arith.constant 0 : i32
      %ne3A_138 = arith.cmpi ne, %rem3A_136, %ne3A_137 : i32
      %lt3A_139 = arith.constant 0 : i32
      %lt3A_140 = arith.cmpi slt, %rem3A_136, %lt3A_139 : i32
      %lt3A_141 = arith.constant 0 : i32
      %lt3A_142 = arith.cmpi slt, %select_n3A_135, %lt3A_141 : i32
      %ne3A_143 = arith.xori %lt3A_140, %lt3A_142 : i1
      %and3A_144 = arith.andi %ne3A_143, %ne3A_138 : i1
      %add3A_145 = arith.addi %rem3A_136, %select_n3A_135 : i32
      %select_n3A_146 = arith.select %and3A_144, %add3A_145, %rem3A_136 : i32
      %eq3A_147 = arith.cmpi eq, %select_n3A_146, %arg0 : i32
      %convert_element_type3A_148 = arith.extui %eq3A_147 : i1 to i32
      %cond3A_149 = arith.constant 0 : i32
      %cond3A_150 = arith.cmpi ne, %convert_element_type3A_148, %cond3A_149 : i32
      scf.if %cond3A_150 {
        "tpu.region"() ({
          %run_scoped3A_263 = tpu.sem_alloc : memref<!tpu.dma_semaphore, #tpu.memory_space<semaphore_mem>>
          %dma_start3A_264 = arith.constant 0 : i32
          %dma_start3A_265 = tpu.memref_slice %arg10[%add3A_124, %dma_start3A_264] : memref<250x80xi32, #tpu.memory_space<vmem>> -> memref<1x80xi32, #tpu.memory_space<vmem>>
          %dma_start3A_266 = tpu.memref_squeeze %dma_start3A_265 : memref<1x80xi32, #tpu.memory_space<vmem>> -> memref<80xi32, #tpu.memory_space<vmem>>
          %dma_start3A_267 = arith.constant 0 : i32
          %dma_start3A_268 = arith.constant 0 : i32
          %dma_start3A_269 = tpu.memref_slice %arg25[%dma_start3A_267, %dma_start3A_268] : memref<10240x16xf32, #tpu.memory_space<vmem_shared>> -> memref<10240x16xf32, #tpu.memory_space<vmem_shared>>
          tpu.enqueue_indirect_dma source(%arg23 : memref<80x16xf32, #tpu.memory_space<vmem>>) target(%dma_start3A_269 : memref<10240x16xf32, #tpu.memory_space<vmem_shared>>) offsets(%dma_start3A_266 : memref<80xi32, #tpu.memory_space<vmem>>) semaphore(%run_scoped3A_263 : memref<!tpu.dma_semaphore, #tpu.memory_space<semaphore_mem>>) {add = true}
          %dma_wait3A_270 = arith.constant 0 : i32
          %dma_wait3A_271 = tpu.memref_slice %arg10[%add3A_124, %dma_wait3A_270] : memref<250x80xi32, #tpu.memory_space<vmem>> -> memref<1x80xi32, #tpu.memory_space<vmem>>
          %dma_wait3A_272 = tpu.memref_squeeze %dma_wait3A_271 : memref<1x80xi32, #tpu.memory_space<vmem>> -> memref<80xi32, #tpu.memory_space<vmem>>
          %dma_wait3A_273 = arith.constant 0 : i32
          %dma_wait3A_274 = arith.constant 0 : i32
          %dma_wait3A_275 = tpu.memref_slice %arg25[%dma_wait3A_273, %dma_wait3A_274] : memref<10240x16xf32, #tpu.memory_space<vmem_shared>> -> memref<10240x16xf32, #tpu.memory_space<vmem_shared>>
          tpu.wait_indirect_dma semaphore(%run_scoped3A_263 : memref<!tpu.dma_semaphore, #tpu.memory_space<semaphore_mem>>) src(%arg23 : memref<80x16xf32, #tpu.memory_space<vmem>>) dst(%dma_wait3A_275 : memref<10240x16xf32, #tpu.memory_space<vmem_shared>>)
          tpu.yield
        }) : () -> ()
      } else {
      }
      %add3A_151 = arith.constant 5 : i32
      %add3A_152 = arith.addi %add3A_124, %add3A_151 : i32
      %lt3A_153 = arith.constant 250 : i32
      %lt3A_154 = arith.cmpi slt, %add3A_152, %lt3A_153 : i32
      %convert_element_type3A_155 = arith.extui %lt3A_154 : i1 to i32
      %cond3A_156 = arith.constant 0 : i32
      %cond3A_157 = arith.cmpi ne, %convert_element_type3A_155, %cond3A_156 : i32
      scf.if %cond3A_157 {
        %add3A_263 = arith.constant 5 : i32
        %add3A_264 = arith.addi %add3A_124, %add3A_263 : i32
        %dma_start3A_265 = arith.constant 0 : i32
        %dma_start3A_266 = tpu.memref_slice %arg9[%add3A_264, %dma_start3A_265] : memref<250x80xi32, #tpu.memory_space<vmem>> -> memref<1x80xi32, #tpu.memory_space<vmem>>
        %dma_start3A_267 = tpu.memref_squeeze %dma_start3A_266 : memref<1x80xi32, #tpu.memory_space<vmem>> -> memref<80xi32, #tpu.memory_space<vmem>>
        %dma_start3A_268 = arith.constant 0 : i32
        %dma_start3A_269 = arith.constant 0 : i32
        %dma_start3A_270 = tpu.memref_slice %arg2[%dma_start3A_268, %dma_start3A_269] : memref<20000x64xf32, #tpu.memory_space<hbm>> -> memref<20000x64xf32, #tpu.memory_space<hbm>>
        tpu.enqueue_indirect_dma source(%dma_start3A_270 : memref<20000x64xf32, #tpu.memory_space<hbm>>) target(%arg14 : memref<80x64xf32, #tpu.memory_space<vmem>>) offsets(%dma_start3A_267 : memref<80xi32, #tpu.memory_space<vmem>>) semaphore(%arg19 : memref<!tpu.dma_semaphore, #tpu.memory_space<semaphore_mem>>)
      } else {
      }
      %add3A_158 = arith.constant 2 : i32
      %add3A_159 = arith.addi %mul3A_97, %add3A_158 : i32
      %dma_wait3A_160 = arith.constant 0 : i32
      %dma_wait3A_161 = tpu.memref_slice %arg9[%add3A_159, %dma_wait3A_160] : memref<250x80xi32, #tpu.memory_space<vmem>> -> memref<1x80xi32, #tpu.memory_space<vmem>>
      %dma_wait3A_162 = tpu.memref_squeeze %dma_wait3A_161 : memref<1x80xi32, #tpu.memory_space<vmem>> -> memref<80xi32, #tpu.memory_space<vmem>>
      %dma_wait3A_163 = arith.constant 0 : i32
      %dma_wait3A_164 = arith.constant 0 : i32
      %dma_wait3A_165 = tpu.memref_slice %arg2[%dma_wait3A_163, %dma_wait3A_164] : memref<20000x64xf32, #tpu.memory_space<hbm>> -> memref<20000x64xf32, #tpu.memory_space<hbm>>
      tpu.wait_indirect_dma semaphore(%arg20 : memref<!tpu.dma_semaphore, #tpu.memory_space<semaphore_mem>>) src(%dma_wait3A_165 : memref<20000x64xf32, #tpu.memory_space<hbm>>) dst(%arg15 : memref<80x64xf32, #tpu.memory_space<vmem>>)
      "tpu.region"() ({
        %run_scoped3A_263 = tpu.sem_alloc : memref<!tpu.dma_semaphore, #tpu.memory_space<semaphore_mem>>
        %dma_start3A_264 = arith.constant 0 : i32
        %dma_start3A_265 = tpu.memref_slice %arg10[%add3A_159, %dma_start3A_264] : memref<250x80xi32, #tpu.memory_space<vmem>> -> memref<1x80xi32, #tpu.memory_space<vmem>>
        %dma_start3A_266 = tpu.memref_squeeze %dma_start3A_265 : memref<1x80xi32, #tpu.memory_space<vmem>> -> memref<80xi32, #tpu.memory_space<vmem>>
        %dma_start3A_267 = arith.constant 0 : i32
        %dma_start3A_268 = arith.constant 0 : i32
        %dma_start3A_269 = tpu.memref_slice %arg12[%dma_start3A_267, %dma_start3A_268] : memref<10240x64xf32, #tpu.memory_space<vmem_shared>> -> memref<10240x64xf32, #tpu.memory_space<vmem_shared>>
        tpu.enqueue_indirect_dma source(%arg15 : memref<80x64xf32, #tpu.memory_space<vmem>>) target(%dma_start3A_269 : memref<10240x64xf32, #tpu.memory_space<vmem_shared>>) offsets(%dma_start3A_266 : memref<80xi32, #tpu.memory_space<vmem>>) semaphore(%run_scoped3A_263 : memref<!tpu.dma_semaphore, #tpu.memory_space<semaphore_mem>>) {add = true}
        %dma_wait3A_270 = arith.constant 0 : i32
        %dma_wait3A_271 = tpu.memref_slice %arg10[%add3A_159, %dma_wait3A_270] : memref<250x80xi32, #tpu.memory_space<vmem>> -> memref<1x80xi32, #tpu.memory_space<vmem>>
        %dma_wait3A_272 = tpu.memref_squeeze %dma_wait3A_271 : memref<1x80xi32, #tpu.memory_space<vmem>> -> memref<80xi32, #tpu.memory_space<vmem>>
        %dma_wait3A_273 = arith.constant 0 : i32
        %dma_wait3A_274 = arith.constant 0 : i32
        %dma_wait3A_275 = tpu.memref_slice %arg12[%dma_wait3A_273, %dma_wait3A_274] : memref<10240x64xf32, #tpu.memory_space<vmem_shared>> -> memref<10240x64xf32, #tpu.memory_space<vmem_shared>>
        tpu.wait_indirect_dma semaphore(%run_scoped3A_263 : memref<!tpu.dma_semaphore, #tpu.memory_space<semaphore_mem>>) src(%arg15 : memref<80x64xf32, #tpu.memory_space<vmem>>) dst(%dma_wait3A_275 : memref<10240x64xf32, #tpu.memory_space<vmem_shared>>)
        tpu.yield
      }) : () -> ()
      %jit3A_166 = arith.constant 2 : i32
      %eq3A_167 = arith.constant 0 : i32
      %eq3A_168 = arith.cmpi eq, %jit3A_166, %eq3A_167 : i32
      %jit3A_169 = arith.constant 1 : i32
      %select_n3A_170 = arith.select %eq3A_168, %jit3A_169, %jit3A_166 : i32
      %rem3A_171 = arith.remsi %add3A_159, %select_n3A_170 : i32
      %ne3A_172 = arith.constant 0 : i32
      %ne3A_173 = arith.cmpi ne, %rem3A_171, %ne3A_172 : i32
      %lt3A_174 = arith.constant 0 : i32
      %lt3A_175 = arith.cmpi slt, %rem3A_171, %lt3A_174 : i32
      %lt3A_176 = arith.constant 0 : i32
      %lt3A_177 = arith.cmpi slt, %select_n3A_170, %lt3A_176 : i32
      %ne3A_178 = arith.xori %lt3A_175, %lt3A_177 : i1
      %and3A_179 = arith.andi %ne3A_178, %ne3A_173 : i1
      %add3A_180 = arith.addi %rem3A_171, %select_n3A_170 : i32
      %select_n3A_181 = arith.select %and3A_179, %add3A_180, %rem3A_171 : i32
      %eq3A_182 = arith.cmpi eq, %select_n3A_181, %arg0 : i32
      %convert_element_type3A_183 = arith.extui %eq3A_182 : i1 to i32
      %cond3A_184 = arith.constant 0 : i32
      %cond3A_185 = arith.cmpi ne, %convert_element_type3A_183, %cond3A_184 : i32
      scf.if %cond3A_185 {
        "tpu.region"() ({
          %run_scoped3A_263 = tpu.sem_alloc : memref<!tpu.dma_semaphore, #tpu.memory_space<semaphore_mem>>
          %dma_start3A_264 = arith.constant 0 : i32
          %dma_start3A_265 = tpu.memref_slice %arg10[%add3A_159, %dma_start3A_264] : memref<250x80xi32, #tpu.memory_space<vmem>> -> memref<1x80xi32, #tpu.memory_space<vmem>>
          %dma_start3A_266 = tpu.memref_squeeze %dma_start3A_265 : memref<1x80xi32, #tpu.memory_space<vmem>> -> memref<80xi32, #tpu.memory_space<vmem>>
          %dma_start3A_267 = arith.constant 0 : i32
          %dma_start3A_268 = arith.constant 0 : i32
          %dma_start3A_269 = tpu.memref_slice %arg25[%dma_start3A_267, %dma_start3A_268] : memref<10240x16xf32, #tpu.memory_space<vmem_shared>> -> memref<10240x16xf32, #tpu.memory_space<vmem_shared>>
          tpu.enqueue_indirect_dma source(%arg23 : memref<80x16xf32, #tpu.memory_space<vmem>>) target(%dma_start3A_269 : memref<10240x16xf32, #tpu.memory_space<vmem_shared>>) offsets(%dma_start3A_266 : memref<80xi32, #tpu.memory_space<vmem>>) semaphore(%run_scoped3A_263 : memref<!tpu.dma_semaphore, #tpu.memory_space<semaphore_mem>>) {add = true}
          %dma_wait3A_270 = arith.constant 0 : i32
          %dma_wait3A_271 = tpu.memref_slice %arg10[%add3A_159, %dma_wait3A_270] : memref<250x80xi32, #tpu.memory_space<vmem>> -> memref<1x80xi32, #tpu.memory_space<vmem>>
          %dma_wait3A_272 = tpu.memref_squeeze %dma_wait3A_271 : memref<1x80xi32, #tpu.memory_space<vmem>> -> memref<80xi32, #tpu.memory_space<vmem>>
          %dma_wait3A_273 = arith.constant 0 : i32
          %dma_wait3A_274 = arith.constant 0 : i32
          %dma_wait3A_275 = tpu.memref_slice %arg25[%dma_wait3A_273, %dma_wait3A_274] : memref<10240x16xf32, #tpu.memory_space<vmem_shared>> -> memref<10240x16xf32, #tpu.memory_space<vmem_shared>>
          tpu.wait_indirect_dma semaphore(%run_scoped3A_263 : memref<!tpu.dma_semaphore, #tpu.memory_space<semaphore_mem>>) src(%arg23 : memref<80x16xf32, #tpu.memory_space<vmem>>) dst(%dma_wait3A_275 : memref<10240x16xf32, #tpu.memory_space<vmem_shared>>)
          tpu.yield
        }) : () -> ()
      } else {
      }
      %add3A_186 = arith.constant 5 : i32
      %add3A_187 = arith.addi %add3A_159, %add3A_186 : i32
      %lt3A_188 = arith.constant 250 : i32
      %lt3A_189 = arith.cmpi slt, %add3A_187, %lt3A_188 : i32
      %convert_element_type3A_190 = arith.extui %lt3A_189 : i1 to i32
      %cond3A_191 = arith.constant 0 : i32
      %cond3A_192 = arith.cmpi ne, %convert_element_type3A_190, %cond3A_191 : i32
      scf.if %cond3A_192 {
        %add3A_263 = arith.constant 5 : i32
        %add3A_264 = arith.addi %add3A_159, %add3A_263 : i32
        %dma_start3A_265 = arith.constant 0 : i32
        %dma_start3A_266 = tpu.memref_slice %arg9[%add3A_264, %dma_start3A_265] : memref<250x80xi32, #tpu.memory_space<vmem>> -> memref<1x80xi32, #tpu.memory_space<vmem>>
        %dma_start3A_267 = tpu.memref_squeeze %dma_start3A_266 : memref<1x80xi32, #tpu.memory_space<vmem>> -> memref<80xi32, #tpu.memory_space<vmem>>
        %dma_start3A_268 = arith.constant 0 : i32
        %dma_start3A_269 = arith.constant 0 : i32
        %dma_start3A_270 = tpu.memref_slice %arg2[%dma_start3A_268, %dma_start3A_269] : memref<20000x64xf32, #tpu.memory_space<hbm>> -> memref<20000x64xf32, #tpu.memory_space<hbm>>
        tpu.enqueue_indirect_dma source(%dma_start3A_270 : memref<20000x64xf32, #tpu.memory_space<hbm>>) target(%arg15 : memref<80x64xf32, #tpu.memory_space<vmem>>) offsets(%dma_start3A_267 : memref<80xi32, #tpu.memory_space<vmem>>) semaphore(%arg20 : memref<!tpu.dma_semaphore, #tpu.memory_space<semaphore_mem>>)
      } else {
      }
      %add3A_193 = arith.constant 3 : i32
      %add3A_194 = arith.addi %mul3A_97, %add3A_193 : i32
      %dma_wait3A_195 = arith.constant 0 : i32
      %dma_wait3A_196 = tpu.memref_slice %arg9[%add3A_194, %dma_wait3A_195] : memref<250x80xi32, #tpu.memory_space<vmem>> -> memref<1x80xi32, #tpu.memory_space<vmem>>
      %dma_wait3A_197 = tpu.memref_squeeze %dma_wait3A_196 : memref<1x80xi32, #tpu.memory_space<vmem>> -> memref<80xi32, #tpu.memory_space<vmem>>
      %dma_wait3A_198 = arith.constant 0 : i32
      %dma_wait3A_199 = arith.constant 0 : i32
      %dma_wait3A_200 = tpu.memref_slice %arg2[%dma_wait3A_198, %dma_wait3A_199] : memref<20000x64xf32, #tpu.memory_space<hbm>> -> memref<20000x64xf32, #tpu.memory_space<hbm>>
      tpu.wait_indirect_dma semaphore(%arg21 : memref<!tpu.dma_semaphore, #tpu.memory_space<semaphore_mem>>) src(%dma_wait3A_200 : memref<20000x64xf32, #tpu.memory_space<hbm>>) dst(%arg16 : memref<80x64xf32, #tpu.memory_space<vmem>>)
      "tpu.region"() ({
        %run_scoped3A_263 = tpu.sem_alloc : memref<!tpu.dma_semaphore, #tpu.memory_space<semaphore_mem>>
        %dma_start3A_264 = arith.constant 0 : i32
        %dma_start3A_265 = tpu.memref_slice %arg10[%add3A_194, %dma_start3A_264] : memref<250x80xi32, #tpu.memory_space<vmem>> -> memref<1x80xi32, #tpu.memory_space<vmem>>
        %dma_start3A_266 = tpu.memref_squeeze %dma_start3A_265 : memref<1x80xi32, #tpu.memory_space<vmem>> -> memref<80xi32, #tpu.memory_space<vmem>>
        %dma_start3A_267 = arith.constant 0 : i32
        %dma_start3A_268 = arith.constant 0 : i32
        %dma_start3A_269 = tpu.memref_slice %arg12[%dma_start3A_267, %dma_start3A_268] : memref<10240x64xf32, #tpu.memory_space<vmem_shared>> -> memref<10240x64xf32, #tpu.memory_space<vmem_shared>>
        tpu.enqueue_indirect_dma source(%arg16 : memref<80x64xf32, #tpu.memory_space<vmem>>) target(%dma_start3A_269 : memref<10240x64xf32, #tpu.memory_space<vmem_shared>>) offsets(%dma_start3A_266 : memref<80xi32, #tpu.memory_space<vmem>>) semaphore(%run_scoped3A_263 : memref<!tpu.dma_semaphore, #tpu.memory_space<semaphore_mem>>) {add = true}
        %dma_wait3A_270 = arith.constant 0 : i32
        %dma_wait3A_271 = tpu.memref_slice %arg10[%add3A_194, %dma_wait3A_270] : memref<250x80xi32, #tpu.memory_space<vmem>> -> memref<1x80xi32, #tpu.memory_space<vmem>>
        %dma_wait3A_272 = tpu.memref_squeeze %dma_wait3A_271 : memref<1x80xi32, #tpu.memory_space<vmem>> -> memref<80xi32, #tpu.memory_space<vmem>>
        %dma_wait3A_273 = arith.constant 0 : i32
        %dma_wait3A_274 = arith.constant 0 : i32
        %dma_wait3A_275 = tpu.memref_slice %arg12[%dma_wait3A_273, %dma_wait3A_274] : memref<10240x64xf32, #tpu.memory_space<vmem_shared>> -> memref<10240x64xf32, #tpu.memory_space<vmem_shared>>
        tpu.wait_indirect_dma semaphore(%run_scoped3A_263 : memref<!tpu.dma_semaphore, #tpu.memory_space<semaphore_mem>>) src(%arg16 : memref<80x64xf32, #tpu.memory_space<vmem>>) dst(%dma_wait3A_275 : memref<10240x64xf32, #tpu.memory_space<vmem_shared>>)
        tpu.yield
      }) : () -> ()
      %jit3A_201 = arith.constant 2 : i32
      %eq3A_202 = arith.constant 0 : i32
      %eq3A_203 = arith.cmpi eq, %jit3A_201, %eq3A_202 : i32
      %jit3A_204 = arith.constant 1 : i32
      %select_n3A_205 = arith.select %eq3A_203, %jit3A_204, %jit3A_201 : i32
      %rem3A_206 = arith.remsi %add3A_194, %select_n3A_205 : i32
      %ne3A_207 = arith.constant 0 : i32
      %ne3A_208 = arith.cmpi ne, %rem3A_206, %ne3A_207 : i32
      %lt3A_209 = arith.constant 0 : i32
      %lt3A_210 = arith.cmpi slt, %rem3A_206, %lt3A_209 : i32
      %lt3A_211 = arith.constant 0 : i32
      %lt3A_212 = arith.cmpi slt, %select_n3A_205, %lt3A_211 : i32
      %ne3A_213 = arith.xori %lt3A_210, %lt3A_212 : i1
      %and3A_214 = arith.andi %ne3A_213, %ne3A_208 : i1
      %add3A_215 = arith.addi %rem3A_206, %select_n3A_205 : i32
      %select_n3A_216 = arith.select %and3A_214, %add3A_215, %rem3A_206 : i32
      %eq3A_217 = arith.cmpi eq, %select_n3A_216, %arg0 : i32
      %convert_element_type3A_218 = arith.extui %eq3A_217 : i1 to i32
      %cond3A_219 = arith.constant 0 : i32
      %cond3A_220 = arith.cmpi ne, %convert_element_type3A_218, %cond3A_219 : i32
      scf.if %cond3A_220 {
        "tpu.region"() ({
          %run_scoped3A_263 = tpu.sem_alloc : memref<!tpu.dma_semaphore, #tpu.memory_space<semaphore_mem>>
          %dma_start3A_264 = arith.constant 0 : i32
          %dma_start3A_265 = tpu.memref_slice %arg10[%add3A_194, %dma_start3A_264] : memref<250x80xi32, #tpu.memory_space<vmem>> -> memref<1x80xi32, #tpu.memory_space<vmem>>
          %dma_start3A_266 = tpu.memref_squeeze %dma_start3A_265 : memref<1x80xi32, #tpu.memory_space<vmem>> -> memref<80xi32, #tpu.memory_space<vmem>>
          %dma_start3A_267 = arith.constant 0 : i32
          %dma_start3A_268 = arith.constant 0 : i32
          %dma_start3A_269 = tpu.memref_slice %arg25[%dma_start3A_267, %dma_start3A_268] : memref<10240x16xf32, #tpu.memory_space<vmem_shared>> -> memref<10240x16xf32, #tpu.memory_space<vmem_shared>>
          tpu.enqueue_indirect_dma source(%arg23 : memref<80x16xf32, #tpu.memory_space<vmem>>) target(%dma_start3A_269 : memref<10240x16xf32, #tpu.memory_space<vmem_shared>>) offsets(%dma_start3A_266 : memref<80xi32, #tpu.memory_space<vmem>>) semaphore(%run_scoped3A_263 : memref<!tpu.dma_semaphore, #tpu.memory_space<semaphore_mem>>) {add = true}
          %dma_wait3A_270 = arith.constant 0 : i32
          %dma_wait3A_271 = tpu.memref_slice %arg10[%add3A_194, %dma_wait3A_270] : memref<250x80xi32, #tpu.memory_space<vmem>> -> memref<1x80xi32, #tpu.memory_space<vmem>>
          %dma_wait3A_272 = tpu.memref_squeeze %dma_wait3A_271 : memref<1x80xi32, #tpu.memory_space<vmem>> -> memref<80xi32, #tpu.memory_space<vmem>>
          %dma_wait3A_273 = arith.constant 0 : i32
          %dma_wait3A_274 = arith.constant 0 : i32
          %dma_wait3A_275 = tpu.memref_slice %arg25[%dma_wait3A_273, %dma_wait3A_274] : memref<10240x16xf32, #tpu.memory_space<vmem_shared>> -> memref<10240x16xf32, #tpu.memory_space<vmem_shared>>
          tpu.wait_indirect_dma semaphore(%run_scoped3A_263 : memref<!tpu.dma_semaphore, #tpu.memory_space<semaphore_mem>>) src(%arg23 : memref<80x16xf32, #tpu.memory_space<vmem>>) dst(%dma_wait3A_275 : memref<10240x16xf32, #tpu.memory_space<vmem_shared>>)
          tpu.yield
        }) : () -> ()
      } else {
      }
      %add3A_221 = arith.constant 5 : i32
      %add3A_222 = arith.addi %add3A_194, %add3A_221 : i32
      %lt3A_223 = arith.constant 250 : i32
      %lt3A_224 = arith.cmpi slt, %add3A_222, %lt3A_223 : i32
      %convert_element_type3A_225 = arith.extui %lt3A_224 : i1 to i32
      %cond3A_226 = arith.constant 0 : i32
      %cond3A_227 = arith.cmpi ne, %convert_element_type3A_225, %cond3A_226 : i32
      scf.if %cond3A_227 {
        %add3A_263 = arith.constant 5 : i32
        %add3A_264 = arith.addi %add3A_194, %add3A_263 : i32
        %dma_start3A_265 = arith.constant 0 : i32
        %dma_start3A_266 = tpu.memref_slice %arg9[%add3A_264, %dma_start3A_265] : memref<250x80xi32, #tpu.memory_space<vmem>> -> memref<1x80xi32, #tpu.memory_space<vmem>>
        %dma_start3A_267 = tpu.memref_squeeze %dma_start3A_266 : memref<1x80xi32, #tpu.memory_space<vmem>> -> memref<80xi32, #tpu.memory_space<vmem>>
        %dma_start3A_268 = arith.constant 0 : i32
        %dma_start3A_269 = arith.constant 0 : i32
        %dma_start3A_270 = tpu.memref_slice %arg2[%dma_start3A_268, %dma_start3A_269] : memref<20000x64xf32, #tpu.memory_space<hbm>> -> memref<20000x64xf32, #tpu.memory_space<hbm>>
        tpu.enqueue_indirect_dma source(%dma_start3A_270 : memref<20000x64xf32, #tpu.memory_space<hbm>>) target(%arg16 : memref<80x64xf32, #tpu.memory_space<vmem>>) offsets(%dma_start3A_267 : memref<80xi32, #tpu.memory_space<vmem>>) semaphore(%arg21 : memref<!tpu.dma_semaphore, #tpu.memory_space<semaphore_mem>>)
      } else {
      }
      %add3A_228 = arith.constant 4 : i32
      %add3A_229 = arith.addi %mul3A_97, %add3A_228 : i32
      %dma_wait3A_230 = arith.constant 0 : i32
      %dma_wait3A_231 = tpu.memref_slice %arg9[%add3A_229, %dma_wait3A_230] : memref<250x80xi32, #tpu.memory_space<vmem>> -> memref<1x80xi32, #tpu.memory_space<vmem>>
      %dma_wait3A_232 = tpu.memref_squeeze %dma_wait3A_231 : memref<1x80xi32, #tpu.memory_space<vmem>> -> memref<80xi32, #tpu.memory_space<vmem>>
      %dma_wait3A_233 = arith.constant 0 : i32
      %dma_wait3A_234 = arith.constant 0 : i32
      %dma_wait3A_235 = tpu.memref_slice %arg2[%dma_wait3A_233, %dma_wait3A_234] : memref<20000x64xf32, #tpu.memory_space<hbm>> -> memref<20000x64xf32, #tpu.memory_space<hbm>>
      tpu.wait_indirect_dma semaphore(%arg22 : memref<!tpu.dma_semaphore, #tpu.memory_space<semaphore_mem>>) src(%dma_wait3A_235 : memref<20000x64xf32, #tpu.memory_space<hbm>>) dst(%arg17 : memref<80x64xf32, #tpu.memory_space<vmem>>)
      "tpu.region"() ({
        %run_scoped3A_263 = tpu.sem_alloc : memref<!tpu.dma_semaphore, #tpu.memory_space<semaphore_mem>>
        %dma_start3A_264 = arith.constant 0 : i32
        %dma_start3A_265 = tpu.memref_slice %arg10[%add3A_229, %dma_start3A_264] : memref<250x80xi32, #tpu.memory_space<vmem>> -> memref<1x80xi32, #tpu.memory_space<vmem>>
        %dma_start3A_266 = tpu.memref_squeeze %dma_start3A_265 : memref<1x80xi32, #tpu.memory_space<vmem>> -> memref<80xi32, #tpu.memory_space<vmem>>
        %dma_start3A_267 = arith.constant 0 : i32
        %dma_start3A_268 = arith.constant 0 : i32
        %dma_start3A_269 = tpu.memref_slice %arg12[%dma_start3A_267, %dma_start3A_268] : memref<10240x64xf32, #tpu.memory_space<vmem_shared>> -> memref<10240x64xf32, #tpu.memory_space<vmem_shared>>
        tpu.enqueue_indirect_dma source(%arg17 : memref<80x64xf32, #tpu.memory_space<vmem>>) target(%dma_start3A_269 : memref<10240x64xf32, #tpu.memory_space<vmem_shared>>) offsets(%dma_start3A_266 : memref<80xi32, #tpu.memory_space<vmem>>) semaphore(%run_scoped3A_263 : memref<!tpu.dma_semaphore, #tpu.memory_space<semaphore_mem>>) {add = true}
        %dma_wait3A_270 = arith.constant 0 : i32
        %dma_wait3A_271 = tpu.memref_slice %arg10[%add3A_229, %dma_wait3A_270] : memref<250x80xi32, #tpu.memory_space<vmem>> -> memref<1x80xi32, #tpu.memory_space<vmem>>
        %dma_wait3A_272 = tpu.memref_squeeze %dma_wait3A_271 : memref<1x80xi32, #tpu.memory_space<vmem>> -> memref<80xi32, #tpu.memory_space<vmem>>
        %dma_wait3A_273 = arith.constant 0 : i32
        %dma_wait3A_274 = arith.constant 0 : i32
        %dma_wait3A_275 = tpu.memref_slice %arg12[%dma_wait3A_273, %dma_wait3A_274] : memref<10240x64xf32, #tpu.memory_space<vmem_shared>> -> memref<10240x64xf32, #tpu.memory_space<vmem_shared>>
        tpu.wait_indirect_dma semaphore(%run_scoped3A_263 : memref<!tpu.dma_semaphore, #tpu.memory_space<semaphore_mem>>) src(%arg17 : memref<80x64xf32, #tpu.memory_space<vmem>>) dst(%dma_wait3A_275 : memref<10240x64xf32, #tpu.memory_space<vmem_shared>>)
        tpu.yield
      }) : () -> ()
      %jit3A_236 = arith.constant 2 : i32
      %eq3A_237 = arith.constant 0 : i32
      %eq3A_238 = arith.cmpi eq, %jit3A_236, %eq3A_237 : i32
      %jit3A_239 = arith.constant 1 : i32
      %select_n3A_240 = arith.select %eq3A_238, %jit3A_239, %jit3A_236 : i32
      %rem3A_241 = arith.remsi %add3A_229, %select_n3A_240 : i32
      %ne3A_242 = arith.constant 0 : i32
      %ne3A_243 = arith.cmpi ne, %rem3A_241, %ne3A_242 : i32
      %lt3A_244 = arith.constant 0 : i32
      %lt3A_245 = arith.cmpi slt, %rem3A_241, %lt3A_244 : i32
      %lt3A_246 = arith.constant 0 : i32
      %lt3A_247 = arith.cmpi slt, %select_n3A_240, %lt3A_246 : i32
      %ne3A_248 = arith.xori %lt3A_245, %lt3A_247 : i1
      %and3A_249 = arith.andi %ne3A_248, %ne3A_243 : i1
      %add3A_250 = arith.addi %rem3A_241, %select_n3A_240 : i32
      %select_n3A_251 = arith.select %and3A_249, %add3A_250, %rem3A_241 : i32
      %eq3A_252 = arith.cmpi eq, %select_n3A_251, %arg0 : i32
      %convert_element_type3A_253 = arith.extui %eq3A_252 : i1 to i32
      %cond3A_254 = arith.constant 0 : i32
      %cond3A_255 = arith.cmpi ne, %convert_element_type3A_253, %cond3A_254 : i32
      scf.if %cond3A_255 {
        "tpu.region"() ({
          %run_scoped3A_263 = tpu.sem_alloc : memref<!tpu.dma_semaphore, #tpu.memory_space<semaphore_mem>>
          %dma_start3A_264 = arith.constant 0 : i32
          %dma_start3A_265 = tpu.memref_slice %arg10[%add3A_229, %dma_start3A_264] : memref<250x80xi32, #tpu.memory_space<vmem>> -> memref<1x80xi32, #tpu.memory_space<vmem>>
          %dma_start3A_266 = tpu.memref_squeeze %dma_start3A_265 : memref<1x80xi32, #tpu.memory_space<vmem>> -> memref<80xi32, #tpu.memory_space<vmem>>
          %dma_start3A_267 = arith.constant 0 : i32
          %dma_start3A_268 = arith.constant 0 : i32
          %dma_start3A_269 = tpu.memref_slice %arg25[%dma_start3A_267, %dma_start3A_268] : memref<10240x16xf32, #tpu.memory_space<vmem_shared>> -> memref<10240x16xf32, #tpu.memory_space<vmem_shared>>
          tpu.enqueue_indirect_dma source(%arg23 : memref<80x16xf32, #tpu.memory_space<vmem>>) target(%dma_start3A_269 : memref<10240x16xf32, #tpu.memory_space<vmem_shared>>) offsets(%dma_start3A_266 : memref<80xi32, #tpu.memory_space<vmem>>) semaphore(%run_scoped3A_263 : memref<!tpu.dma_semaphore, #tpu.memory_space<semaphore_mem>>) {add = true}
          %dma_wait3A_270 = arith.constant 0 : i32
          %dma_wait3A_271 = tpu.memref_slice %arg10[%add3A_229, %dma_wait3A_270] : memref<250x80xi32, #tpu.memory_space<vmem>> -> memref<1x80xi32, #tpu.memory_space<vmem>>
          %dma_wait3A_272 = tpu.memref_squeeze %dma_wait3A_271 : memref<1x80xi32, #tpu.memory_space<vmem>> -> memref<80xi32, #tpu.memory_space<vmem>>
          %dma_wait3A_273 = arith.constant 0 : i32
          %dma_wait3A_274 = arith.constant 0 : i32
          %dma_wait3A_275 = tpu.memref_slice %arg25[%dma_wait3A_273, %dma_wait3A_274] : memref<10240x16xf32, #tpu.memory_space<vmem_shared>> -> memref<10240x16xf32, #tpu.memory_space<vmem_shared>>
          tpu.wait_indirect_dma semaphore(%run_scoped3A_263 : memref<!tpu.dma_semaphore, #tpu.memory_space<semaphore_mem>>) src(%arg23 : memref<80x16xf32, #tpu.memory_space<vmem>>) dst(%dma_wait3A_275 : memref<10240x16xf32, #tpu.memory_space<vmem_shared>>)
          tpu.yield
        }) : () -> ()
      } else {
      }
      %add3A_256 = arith.constant 5 : i32
      %add3A_257 = arith.addi %add3A_229, %add3A_256 : i32
      %lt3A_258 = arith.constant 250 : i32
      %lt3A_259 = arith.cmpi slt, %add3A_257, %lt3A_258 : i32
      %convert_element_type3A_260 = arith.extui %lt3A_259 : i1 to i32
      %cond3A_261 = arith.constant 0 : i32
      %cond3A_262 = arith.cmpi ne, %convert_element_type3A_260, %cond3A_261 : i32
      scf.if %cond3A_262 {
        %add3A_263 = arith.constant 5 : i32
        %add3A_264 = arith.addi %add3A_229, %add3A_263 : i32
        %dma_start3A_265 = arith.constant 0 : i32
        %dma_start3A_266 = tpu.memref_slice %arg9[%add3A_264, %dma_start3A_265] : memref<250x80xi32, #tpu.memory_space<vmem>> -> memref<1x80xi32, #tpu.memory_space<vmem>>
        %dma_start3A_267 = tpu.memref_squeeze %dma_start3A_266 : memref<1x80xi32, #tpu.memory_space<vmem>> -> memref<80xi32, #tpu.memory_space<vmem>>
        %dma_start3A_268 = arith.constant 0 : i32
        %dma_start3A_269 = arith.constant 0 : i32
        %dma_start3A_270 = tpu.memref_slice %arg2[%dma_start3A_268, %dma_start3A_269] : memref<20000x64xf32, #tpu.memory_space<hbm>> -> memref<20000x64xf32, #tpu.memory_space<hbm>>
        tpu.enqueue_indirect_dma source(%dma_start3A_270 : memref<20000x64xf32, #tpu.memory_space<hbm>>) target(%arg17 : memref<80x64xf32, #tpu.memory_space<vmem>>) offsets(%dma_start3A_267 : memref<80xi32, #tpu.memory_space<vmem>>) semaphore(%arg22 : memref<!tpu.dma_semaphore, #tpu.memory_space<semaphore_mem>>)
      } else {
      }
    }
    %scan3A_63 = arith.constant 50 : i32
    %barrier3A_64 = arith.constant 0 : index
    tpu.barrier barrier_id(%barrier3A_64)
    %mul3A_65 = arith.constant 640 : i32
    %mul3A_66 = arith.muli %arg1, %mul3A_65 : i32
    %add3A_67 = arith.constant 0 : i32
    %add3A_68 = arith.addi %mul3A_66, %add3A_67 : i32
    "tpu.region"() ({
      %run_scoped3A_95 = tpu.sem_alloc : memref<!tpu.dma_semaphore, #tpu.memory_space<semaphore_mem>>
      %dma_start3A_96 = arith.constant 0 : i32
      %dma_start3A_97 = tpu.memref_slice %arg12[%add3A_68, %dma_start3A_96] : memref<10240x64xf32, #tpu.memory_space<vmem_shared>> -> memref<128x64xf32, #tpu.memory_space<vmem_shared>>
      %dma_start3A_98 = arith.constant 0 : i32
      %dma_start3A_99 = tpu.memref_slice %arg12[%add3A_68, %dma_start3A_98] : memref<10240x64xf32, #tpu.memory_space<vmem_shared>> -> memref<128x64xf32, #tpu.memory_space<vmem_shared>>
      tpu.enqueue_dma source(%dma_start3A_99 : memref<128x64xf32, #tpu.memory_space<vmem_shared>>) target(%arg11 : memref<128x64xf32, #tpu.memory_space<vmem>>) target_semaphore(%run_scoped3A_95 : memref<!tpu.dma_semaphore, #tpu.memory_space<semaphore_mem>>)
      %dma_wait3A = arith.constant 0 : i32
      %dma_wait3A_100 = tpu.memref_slice %arg12[%add3A_68, %dma_wait3A] : memref<10240x64xf32, #tpu.memory_space<vmem_shared>> -> memref<128x64xf32, #tpu.memory_space<vmem_shared>>
      %dma_wait3A_101 = arith.constant 0 : i32
      %dma_wait3A_102 = tpu.memref_slice %arg12[%add3A_68, %dma_wait3A_101] : memref<10240x64xf32, #tpu.memory_space<vmem_shared>> -> memref<128x64xf32, #tpu.memory_space<vmem_shared>>
      tpu.wait_dma2 semaphore(%run_scoped3A_95 : memref<!tpu.dma_semaphore, #tpu.memory_space<semaphore_mem>>) src(%dma_wait3A_102 : memref<128x64xf32, #tpu.memory_space<vmem_shared>>) dst(%arg11 : memref<128x64xf32, #tpu.memory_space<vmem>>)
      tpu.yield
    }) : () -> ()
    %mul3A_69 = arith.constant 64 : i32
    %mul3A_70 = arith.muli %arg0, %mul3A_69 : i32
    "tpu.region"() ({
      %run_scoped3A_95 = tpu.sem_alloc : memref<!tpu.dma_semaphore, #tpu.memory_space<semaphore_mem>>
      %dma_start3A_96 = tpu.memref_slice %arg7[%add3A_68, %mul3A_70] : memref<10240x128xf32, #tpu.memory_space<hbm>> -> memref<128x64xf32, #tpu.memory_space<hbm>>
      %dma_start3A_97 = tpu.memref_slice %arg7[%add3A_68, %mul3A_70] : memref<10240x128xf32, #tpu.memory_space<hbm>> -> memref<128x64xf32, #tpu.memory_space<hbm>>
      tpu.enqueue_dma source(%arg11 : memref<128x64xf32, #tpu.memory_space<vmem>>) target(%dma_start3A_97 : memref<128x64xf32, #tpu.memory_space<hbm>>) target_semaphore(%run_scoped3A_95 : memref<!tpu.dma_semaphore, #tpu.memory_space<semaphore_mem>>)
      %dma_wait3A = tpu.memref_slice %arg7[%add3A_68, %mul3A_70] : memref<10240x128xf32, #tpu.memory_space<hbm>> -> memref<128x64xf32, #tpu.memory_space<hbm>>
      %dma_wait3A_98 = tpu.memref_slice %arg7[%add3A_68, %mul3A_70] : memref<10240x128xf32, #tpu.memory_space<hbm>> -> memref<128x64xf32, #tpu.memory_space<hbm>>
      tpu.wait_dma2 semaphore(%run_scoped3A_95 : memref<!tpu.dma_semaphore, #tpu.memory_space<semaphore_mem>>) src(%arg11 : memref<128x64xf32, #tpu.memory_space<vmem>>) dst(%dma_wait3A_98 : memref<128x64xf32, #tpu.memory_space<hbm>>)
      tpu.yield
    }) : () -> ()
    "tpu.region"() ({
      %run_scoped3A_95 = tpu.sem_alloc : memref<!tpu.dma_semaphore, #tpu.memory_space<semaphore_mem>>
      %dma_start3A_96 = arith.constant 0 : i32
      %dma_start3A_97 = tpu.memref_slice %arg25[%add3A_68, %dma_start3A_96] : memref<10240x16xf32, #tpu.memory_space<vmem_shared>> -> memref<128x16xf32, #tpu.memory_space<vmem_shared>>
      %dma_start3A_98 = arith.constant 0 : i32
      %dma_start3A_99 = tpu.memref_slice %arg25[%add3A_68, %dma_start3A_98] : memref<10240x16xf32, #tpu.memory_space<vmem_shared>> -> memref<128x16xf32, #tpu.memory_space<vmem_shared>>
      tpu.enqueue_dma source(%dma_start3A_99 : memref<128x16xf32, #tpu.memory_space<vmem_shared>>) target(%arg24 : memref<128x16xf32, #tpu.memory_space<vmem>>) target_semaphore(%run_scoped3A_95 : memref<!tpu.dma_semaphore, #tpu.memory_space<semaphore_mem>>)
      %dma_wait3A = arith.constant 0 : i32
      %dma_wait3A_100 = tpu.memref_slice %arg25[%add3A_68, %dma_wait3A] : memref<10240x16xf32, #tpu.memory_space<vmem_shared>> -> memref<128x16xf32, #tpu.memory_space<vmem_shared>>
      %dma_wait3A_101 = arith.constant 0 : i32
      %dma_wait3A_102 = tpu.memref_slice %arg25[%add3A_68, %dma_wait3A_101] : memref<10240x16xf32, #tpu.memory_space<vmem_shared>> -> memref<128x16xf32, #tpu.memory_space<vmem_shared>>
      tpu.wait_dma2 semaphore(%run_scoped3A_95 : memref<!tpu.dma_semaphore, #tpu.memory_space<semaphore_mem>>) src(%dma_wait3A_102 : memref<128x16xf32, #tpu.memory_space<vmem_shared>>) dst(%arg24 : memref<128x16xf32, #tpu.memory_space<vmem>>)
      tpu.yield
    }) : () -> ()
    "tpu.region"() ({
      %run_scoped3A_95 = tpu.sem_alloc : memref<!tpu.dma_semaphore, #tpu.memory_space<semaphore_mem>>
      %dma_start3A_96 = arith.constant 0 : i32
      %dma_start3A_97 = tpu.memref_slice %arg8[%arg0, %add3A_68, %dma_start3A_96] : memref<2x10240x16xf32, #tpu.memory_space<hbm>> -> memref<1x128x16xf32, #tpu.memory_space<hbm>>
      %dma_start3A_98 = tpu.memref_squeeze %dma_start3A_97 : memref<1x128x16xf32, #tpu.memory_space<hbm>> -> memref<128x16xf32, #tpu.memory_space<hbm>>
      %dma_start3A_99 = arith.constant 0 : i32
      %dma_start3A_100 = tpu.memref_slice %arg8[%arg0, %add3A_68, %dma_start3A_99] : memref<2x10240x16xf32, #tpu.memory_space<hbm>> -> memref<1x128x16xf32, #tpu.memory_space<hbm>>
      %dma_start3A_101 = tpu.memref_squeeze %dma_start3A_100 : memref<1x128x16xf32, #tpu.memory_space<hbm>> -> memref<128x16xf32, #tpu.memory_space<hbm>>
      tpu.enqueue_dma source(%arg24 : memref<128x16xf32, #tpu.memory_space<vmem>>) target(%dma_start3A_101 : memref<128x16xf32, #tpu.memory_space<hbm>>) target_semaphore(%run_scoped3A_95 : memref<!tpu.dma_semaphore, #tpu.memory_space<semaphore_mem>>)
      %dma_wait3A = arith.constant 0 : i32
      %dma_wait3A_102 = tpu.memref_slice %arg8[%arg0, %add3A_68, %dma_wait3A] : memref<2x10240x16xf32, #tpu.memory_space<hbm>> -> memref<1x128x16xf32, #tpu.memory_space<hbm>>
      %dma_wait3A_103 = tpu.memref_squeeze %dma_wait3A_102 : memref<1x128x16xf32, #tpu.memory_space<hbm>> -> memref<128x16xf32, #tpu.memory_space<hbm>>
      %dma_wait3A_104 = arith.constant 0 : i32
      %dma_wait3A_105 = tpu.memref_slice %arg8[%arg0, %add3A_68, %dma_wait3A_104] : memref<2x10240x16xf32, #tpu.memory_space<hbm>> -> memref<1x128x16xf32, #tpu.memory_space<hbm>>
      %dma_wait3A_106 = tpu.memref_squeeze %dma_wait3A_105 : memref<1x128x16xf32, #tpu.memory_space<hbm>> -> memref<128x16xf32, #tpu.memory_space<hbm>>
      tpu.wait_dma2 semaphore(%run_scoped3A_95 : memref<!tpu.dma_semaphore, #tpu.memory_space<semaphore_mem>>) src(%arg24 : memref<128x16xf32, #tpu.memory_space<vmem>>) dst(%dma_wait3A_106 : memref<128x16xf32, #tpu.memory_space<hbm>>)
      tpu.yield
    }) : () -> ()
    %mul3A_71 = arith.constant 640 : i32
    %mul3A_72 = arith.muli %arg1, %mul3A_71 : i32
    %add3A_73 = arith.constant 128 : i32
    %add3A_74 = arith.addi %mul3A_72, %add3A_73 : i32
    "tpu.region"() ({
      %run_scoped3A_95 = tpu.sem_alloc : memref<!tpu.dma_semaphore, #tpu.memory_space<semaphore_mem>>
      %dma_start3A_96 = arith.constant 0 : i32
      %dma_start3A_97 = tpu.memref_slice %arg12[%add3A_74, %dma_start3A_96] : memref<10240x64xf32, #tpu.memory_space<vmem_shared>> -> memref<128x64xf32, #tpu.memory_space<vmem_shared>>
      %dma_start3A_98 = arith.constant 0 : i32
      %dma_start3A_99 = tpu.memref_slice %arg12[%add3A_74, %dma_start3A_98] : memref<10240x64xf32, #tpu.memory_space<vmem_shared>> -> memref<128x64xf32, #tpu.memory_space<vmem_shared>>
      tpu.enqueue_dma source(%dma_start3A_99 : memref<128x64xf32, #tpu.memory_space<vmem_shared>>) target(%arg11 : memref<128x64xf32, #tpu.memory_space<vmem>>) target_semaphore(%run_scoped3A_95 : memref<!tpu.dma_semaphore, #tpu.memory_space<semaphore_mem>>)
      %dma_wait3A = arith.constant 0 : i32
      %dma_wait3A_100 = tpu.memref_slice %arg12[%add3A_74, %dma_wait3A] : memref<10240x64xf32, #tpu.memory_space<vmem_shared>> -> memref<128x64xf32, #tpu.memory_space<vmem_shared>>
      %dma_wait3A_101 = arith.constant 0 : i32
      %dma_wait3A_102 = tpu.memref_slice %arg12[%add3A_74, %dma_wait3A_101] : memref<10240x64xf32, #tpu.memory_space<vmem_shared>> -> memref<128x64xf32, #tpu.memory_space<vmem_shared>>
      tpu.wait_dma2 semaphore(%run_scoped3A_95 : memref<!tpu.dma_semaphore, #tpu.memory_space<semaphore_mem>>) src(%dma_wait3A_102 : memref<128x64xf32, #tpu.memory_space<vmem_shared>>) dst(%arg11 : memref<128x64xf32, #tpu.memory_space<vmem>>)
      tpu.yield
    }) : () -> ()
    %mul3A_75 = arith.constant 64 : i32
    %mul3A_76 = arith.muli %arg0, %mul3A_75 : i32
    "tpu.region"() ({
      %run_scoped3A_95 = tpu.sem_alloc : memref<!tpu.dma_semaphore, #tpu.memory_space<semaphore_mem>>
      %dma_start3A_96 = tpu.memref_slice %arg7[%add3A_74, %mul3A_76] : memref<10240x128xf32, #tpu.memory_space<hbm>> -> memref<128x64xf32, #tpu.memory_space<hbm>>
      %dma_start3A_97 = tpu.memref_slice %arg7[%add3A_74, %mul3A_76] : memref<10240x128xf32, #tpu.memory_space<hbm>> -> memref<128x64xf32, #tpu.memory_space<hbm>>
      tpu.enqueue_dma source(%arg11 : memref<128x64xf32, #tpu.memory_space<vmem>>) target(%dma_start3A_97 : memref<128x64xf32, #tpu.memory_space<hbm>>) target_semaphore(%run_scoped3A_95 : memref<!tpu.dma_semaphore, #tpu.memory_space<semaphore_mem>>)
      %dma_wait3A = tpu.memref_slice %arg7[%add3A_74, %mul3A_76] : memref<10240x128xf32, #tpu.memory_space<hbm>> -> memref<128x64xf32, #tpu.memory_space<hbm>>
      %dma_wait3A_98 = tpu.memref_slice %arg7[%add3A_74, %mul3A_76] : memref<10240x128xf32, #tpu.memory_space<hbm>> -> memref<128x64xf32, #tpu.memory_space<hbm>>
      tpu.wait_dma2 semaphore(%run_scoped3A_95 : memref<!tpu.dma_semaphore, #tpu.memory_space<semaphore_mem>>) src(%arg11 : memref<128x64xf32, #tpu.memory_space<vmem>>) dst(%dma_wait3A_98 : memref<128x64xf32, #tpu.memory_space<hbm>>)
      tpu.yield
    }) : () -> ()
    "tpu.region"() ({
      %run_scoped3A_95 = tpu.sem_alloc : memref<!tpu.dma_semaphore, #tpu.memory_space<semaphore_mem>>
      %dma_start3A_96 = arith.constant 0 : i32
      %dma_start3A_97 = tpu.memref_slice %arg25[%add3A_74, %dma_start3A_96] : memref<10240x16xf32, #tpu.memory_space<vmem_shared>> -> memref<128x16xf32, #tpu.memory_space<vmem_shared>>
      %dma_start3A_98 = arith.constant 0 : i32
      %dma_start3A_99 = tpu.memref_slice %arg25[%add3A_74, %dma_start3A_98] : memref<10240x16xf32, #tpu.memory_space<vmem_shared>> -> memref<128x16xf32, #tpu.memory_space<vmem_shared>>
      tpu.enqueue_dma source(%dma_start3A_99 : memref<128x16xf32, #tpu.memory_space<vmem_shared>>) target(%arg24 : memref<128x16xf32, #tpu.memory_space<vmem>>) target_semaphore(%run_scoped3A_95 : memref<!tpu.dma_semaphore, #tpu.memory_space<semaphore_mem>>)
      %dma_wait3A = arith.constant 0 : i32
      %dma_wait3A_100 = tpu.memref_slice %arg25[%add3A_74, %dma_wait3A] : memref<10240x16xf32, #tpu.memory_space<vmem_shared>> -> memref<128x16xf32, #tpu.memory_space<vmem_shared>>
      %dma_wait3A_101 = arith.constant 0 : i32
      %dma_wait3A_102 = tpu.memref_slice %arg25[%add3A_74, %dma_wait3A_101] : memref<10240x16xf32, #tpu.memory_space<vmem_shared>> -> memref<128x16xf32, #tpu.memory_space<vmem_shared>>
      tpu.wait_dma2 semaphore(%run_scoped3A_95 : memref<!tpu.dma_semaphore, #tpu.memory_space<semaphore_mem>>) src(%dma_wait3A_102 : memref<128x16xf32, #tpu.memory_space<vmem_shared>>) dst(%arg24 : memref<128x16xf32, #tpu.memory_space<vmem>>)
      tpu.yield
    }) : () -> ()
    "tpu.region"() ({
      %run_scoped3A_95 = tpu.sem_alloc : memref<!tpu.dma_semaphore, #tpu.memory_space<semaphore_mem>>
      %dma_start3A_96 = arith.constant 0 : i32
      %dma_start3A_97 = tpu.memref_slice %arg8[%arg0, %add3A_74, %dma_start3A_96] : memref<2x10240x16xf32, #tpu.memory_space<hbm>> -> memref<1x128x16xf32, #tpu.memory_space<hbm>>
      %dma_start3A_98 = tpu.memref_squeeze %dma_start3A_97 : memref<1x128x16xf32, #tpu.memory_space<hbm>> -> memref<128x16xf32, #tpu.memory_space<hbm>>
      %dma_start3A_99 = arith.constant 0 : i32
      %dma_start3A_100 = tpu.memref_slice %arg8[%arg0, %add3A_74, %dma_start3A_99] : memref<2x10240x16xf32, #tpu.memory_space<hbm>> -> memref<1x128x16xf32, #tpu.memory_space<hbm>>
      %dma_start3A_101 = tpu.memref_squeeze %dma_start3A_100 : memref<1x128x16xf32, #tpu.memory_space<hbm>> -> memref<128x16xf32, #tpu.memory_space<hbm>>
      tpu.enqueue_dma source(%arg24 : memref<128x16xf32, #tpu.memory_space<vmem>>) target(%dma_start3A_101 : memref<128x16xf32, #tpu.memory_space<hbm>>) target_semaphore(%run_scoped3A_95 : memref<!tpu.dma_semaphore, #tpu.memory_space<semaphore_mem>>)
      %dma_wait3A = arith.constant 0 : i32
      %dma_wait3A_102 = tpu.memref_slice %arg8[%arg0, %add3A_74, %dma_wait3A] : memref<2x10240x16xf32, #tpu.memory_space<hbm>> -> memref<1x128x16xf32, #tpu.memory_space<hbm>>
      %dma_wait3A_103 = tpu.memref_squeeze %dma_wait3A_102 : memref<1x128x16xf32, #tpu.memory_space<hbm>> -> memref<128x16xf32, #tpu.memory_space<hbm>>
      %dma_wait3A_104 = arith.constant 0 : i32
      %dma_wait3A_105 = tpu.memref_slice %arg8[%arg0, %add3A_74, %dma_wait3A_104] : memref<2x10240x16xf32, #tpu.memory_space<hbm>> -> memref<1x128x16xf32, #tpu.memory_space<hbm>>
      %dma_wait3A_106 = tpu.memref_squeeze %dma_wait3A_105 : memref<1x128x16xf32, #tpu.memory_space<hbm>> -> memref<128x16xf32, #tpu.memory_space<hbm>>
      tpu.wait_dma2 semaphore(%run_scoped3A_95 : memref<!tpu.dma_semaphore, #tpu.memory_space<semaphore_mem>>) src(%arg24 : memref<128x16xf32, #tpu.memory_space<vmem>>) dst(%dma_wait3A_106 : memref<128x16xf32, #tpu.memory_space<hbm>>)
      tpu.yield
    }) : () -> ()
    %mul3A_77 = arith.constant 640 : i32
    %mul3A_78 = arith.muli %arg1, %mul3A_77 : i32
    %add3A_79 = arith.constant 256 : i32
    %add3A_80 = arith.addi %mul3A_78, %add3A_79 : i32
    "tpu.region"() ({
      %run_scoped3A_95 = tpu.sem_alloc : memref<!tpu.dma_semaphore, #tpu.memory_space<semaphore_mem>>
      %dma_start3A_96 = arith.constant 0 : i32
      %dma_start3A_97 = tpu.memref_slice %arg12[%add3A_80, %dma_start3A_96] : memref<10240x64xf32, #tpu.memory_space<vmem_shared>> -> memref<128x64xf32, #tpu.memory_space<vmem_shared>>
      %dma_start3A_98 = arith.constant 0 : i32
      %dma_start3A_99 = tpu.memref_slice %arg12[%add3A_80, %dma_start3A_98] : memref<10240x64xf32, #tpu.memory_space<vmem_shared>> -> memref<128x64xf32, #tpu.memory_space<vmem_shared>>
      tpu.enqueue_dma source(%dma_start3A_99 : memref<128x64xf32, #tpu.memory_space<vmem_shared>>) target(%arg11 : memref<128x64xf32, #tpu.memory_space<vmem>>) target_semaphore(%run_scoped3A_95 : memref<!tpu.dma_semaphore, #tpu.memory_space<semaphore_mem>>)
      %dma_wait3A = arith.constant 0 : i32
      %dma_wait3A_100 = tpu.memref_slice %arg12[%add3A_80, %dma_wait3A] : memref<10240x64xf32, #tpu.memory_space<vmem_shared>> -> memref<128x64xf32, #tpu.memory_space<vmem_shared>>
      %dma_wait3A_101 = arith.constant 0 : i32
      %dma_wait3A_102 = tpu.memref_slice %arg12[%add3A_80, %dma_wait3A_101] : memref<10240x64xf32, #tpu.memory_space<vmem_shared>> -> memref<128x64xf32, #tpu.memory_space<vmem_shared>>
      tpu.wait_dma2 semaphore(%run_scoped3A_95 : memref<!tpu.dma_semaphore, #tpu.memory_space<semaphore_mem>>) src(%dma_wait3A_102 : memref<128x64xf32, #tpu.memory_space<vmem_shared>>) dst(%arg11 : memref<128x64xf32, #tpu.memory_space<vmem>>)
      tpu.yield
    }) : () -> ()
    %mul3A_81 = arith.constant 64 : i32
    %mul3A_82 = arith.muli %arg0, %mul3A_81 : i32
    "tpu.region"() ({
      %run_scoped3A_95 = tpu.sem_alloc : memref<!tpu.dma_semaphore, #tpu.memory_space<semaphore_mem>>
      %dma_start3A_96 = tpu.memref_slice %arg7[%add3A_80, %mul3A_82] : memref<10240x128xf32, #tpu.memory_space<hbm>> -> memref<128x64xf32, #tpu.memory_space<hbm>>
      %dma_start3A_97 = tpu.memref_slice %arg7[%add3A_80, %mul3A_82] : memref<10240x128xf32, #tpu.memory_space<hbm>> -> memref<128x64xf32, #tpu.memory_space<hbm>>
      tpu.enqueue_dma source(%arg11 : memref<128x64xf32, #tpu.memory_space<vmem>>) target(%dma_start3A_97 : memref<128x64xf32, #tpu.memory_space<hbm>>) target_semaphore(%run_scoped3A_95 : memref<!tpu.dma_semaphore, #tpu.memory_space<semaphore_mem>>)
      %dma_wait3A = tpu.memref_slice %arg7[%add3A_80, %mul3A_82] : memref<10240x128xf32, #tpu.memory_space<hbm>> -> memref<128x64xf32, #tpu.memory_space<hbm>>
      %dma_wait3A_98 = tpu.memref_slice %arg7[%add3A_80, %mul3A_82] : memref<10240x128xf32, #tpu.memory_space<hbm>> -> memref<128x64xf32, #tpu.memory_space<hbm>>
      tpu.wait_dma2 semaphore(%run_scoped3A_95 : memref<!tpu.dma_semaphore, #tpu.memory_space<semaphore_mem>>) src(%arg11 : memref<128x64xf32, #tpu.memory_space<vmem>>) dst(%dma_wait3A_98 : memref<128x64xf32, #tpu.memory_space<hbm>>)
      tpu.yield
    }) : () -> ()
    "tpu.region"() ({
      %run_scoped3A_95 = tpu.sem_alloc : memref<!tpu.dma_semaphore, #tpu.memory_space<semaphore_mem>>
      %dma_start3A_96 = arith.constant 0 : i32
      %dma_start3A_97 = tpu.memref_slice %arg25[%add3A_80, %dma_start3A_96] : memref<10240x16xf32, #tpu.memory_space<vmem_shared>> -> memref<128x16xf32, #tpu.memory_space<vmem_shared>>
      %dma_start3A_98 = arith.constant 0 : i32
      %dma_start3A_99 = tpu.memref_slice %arg25[%add3A_80, %dma_start3A_98] : memref<10240x16xf32, #tpu.memory_space<vmem_shared>> -> memref<128x16xf32, #tpu.memory_space<vmem_shared>>
      tpu.enqueue_dma source(%dma_start3A_99 : memref<128x16xf32, #tpu.memory_space<vmem_shared>>) target(%arg24 : memref<128x16xf32, #tpu.memory_space<vmem>>) target_semaphore(%run_scoped3A_95 : memref<!tpu.dma_semaphore, #tpu.memory_space<semaphore_mem>>)
      %dma_wait3A = arith.constant 0 : i32
      %dma_wait3A_100 = tpu.memref_slice %arg25[%add3A_80, %dma_wait3A] : memref<10240x16xf32, #tpu.memory_space<vmem_shared>> -> memref<128x16xf32, #tpu.memory_space<vmem_shared>>
      %dma_wait3A_101 = arith.constant 0 : i32
      %dma_wait3A_102 = tpu.memref_slice %arg25[%add3A_80, %dma_wait3A_101] : memref<10240x16xf32, #tpu.memory_space<vmem_shared>> -> memref<128x16xf32, #tpu.memory_space<vmem_shared>>
      tpu.wait_dma2 semaphore(%run_scoped3A_95 : memref<!tpu.dma_semaphore, #tpu.memory_space<semaphore_mem>>) src(%dma_wait3A_102 : memref<128x16xf32, #tpu.memory_space<vmem_shared>>) dst(%arg24 : memref<128x16xf32, #tpu.memory_space<vmem>>)
      tpu.yield
    }) : () -> ()
    "tpu.region"() ({
      %run_scoped3A_95 = tpu.sem_alloc : memref<!tpu.dma_semaphore, #tpu.memory_space<semaphore_mem>>
      %dma_start3A_96 = arith.constant 0 : i32
      %dma_start3A_97 = tpu.memref_slice %arg8[%arg0, %add3A_80, %dma_start3A_96] : memref<2x10240x16xf32, #tpu.memory_space<hbm>> -> memref<1x128x16xf32, #tpu.memory_space<hbm>>
      %dma_start3A_98 = tpu.memref_squeeze %dma_start3A_97 : memref<1x128x16xf32, #tpu.memory_space<hbm>> -> memref<128x16xf32, #tpu.memory_space<hbm>>
      %dma_start3A_99 = arith.constant 0 : i32
      %dma_start3A_100 = tpu.memref_slice %arg8[%arg0, %add3A_80, %dma_start3A_99] : memref<2x10240x16xf32, #tpu.memory_space<hbm>> -> memref<1x128x16xf32, #tpu.memory_space<hbm>>
      %dma_start3A_101 = tpu.memref_squeeze %dma_start3A_100 : memref<1x128x16xf32, #tpu.memory_space<hbm>> -> memref<128x16xf32, #tpu.memory_space<hbm>>
      tpu.enqueue_dma source(%arg24 : memref<128x16xf32, #tpu.memory_space<vmem>>) target(%dma_start3A_101 : memref<128x16xf32, #tpu.memory_space<hbm>>) target_semaphore(%run_scoped3A_95 : memref<!tpu.dma_semaphore, #tpu.memory_space<semaphore_mem>>)
      %dma_wait3A = arith.constant 0 : i32
      %dma_wait3A_102 = tpu.memref_slice %arg8[%arg0, %add3A_80, %dma_wait3A] : memref<2x10240x16xf32, #tpu.memory_space<hbm>> -> memref<1x128x16xf32, #tpu.memory_space<hbm>>
      %dma_wait3A_103 = tpu.memref_squeeze %dma_wait3A_102 : memref<1x128x16xf32, #tpu.memory_space<hbm>> -> memref<128x16xf32, #tpu.memory_space<hbm>>
      %dma_wait3A_104 = arith.constant 0 : i32
      %dma_wait3A_105 = tpu.memref_slice %arg8[%arg0, %add3A_80, %dma_wait3A_104] : memref<2x10240x16xf32, #tpu.memory_space<hbm>> -> memref<1x128x16xf32, #tpu.memory_space<hbm>>
      %dma_wait3A_106 = tpu.memref_squeeze %dma_wait3A_105 : memref<1x128x16xf32, #tpu.memory_space<hbm>> -> memref<128x16xf32, #tpu.memory_space<hbm>>
      tpu.wait_dma2 semaphore(%run_scoped3A_95 : memref<!tpu.dma_semaphore, #tpu.memory_space<semaphore_mem>>) src(%arg24 : memref<128x16xf32, #tpu.memory_space<vmem>>) dst(%dma_wait3A_106 : memref<128x16xf32, #tpu.memory_space<hbm>>)
      tpu.yield
    }) : () -> ()
    %mul3A_83 = arith.constant 640 : i32
    %mul3A_84 = arith.muli %arg1, %mul3A_83 : i32
    %add3A_85 = arith.constant 384 : i32
    %add3A_86 = arith.addi %mul3A_84, %add3A_85 : i32
    "tpu.region"() ({
      %run_scoped3A_95 = tpu.sem_alloc : memref<!tpu.dma_semaphore, #tpu.memory_space<semaphore_mem>>
      %dma_start3A_96 = arith.constant 0 : i32
      %dma_start3A_97 = tpu.memref_slice %arg12[%add3A_86, %dma_start3A_96] : memref<10240x64xf32, #tpu.memory_space<vmem_shared>> -> memref<128x64xf32, #tpu.memory_space<vmem_shared>>
      %dma_start3A_98 = arith.constant 0 : i32
      %dma_start3A_99 = tpu.memref_slice %arg12[%add3A_86, %dma_start3A_98] : memref<10240x64xf32, #tpu.memory_space<vmem_shared>> -> memref<128x64xf32, #tpu.memory_space<vmem_shared>>
      tpu.enqueue_dma source(%dma_start3A_99 : memref<128x64xf32, #tpu.memory_space<vmem_shared>>) target(%arg11 : memref<128x64xf32, #tpu.memory_space<vmem>>) target_semaphore(%run_scoped3A_95 : memref<!tpu.dma_semaphore, #tpu.memory_space<semaphore_mem>>)
      %dma_wait3A = arith.constant 0 : i32
      %dma_wait3A_100 = tpu.memref_slice %arg12[%add3A_86, %dma_wait3A] : memref<10240x64xf32, #tpu.memory_space<vmem_shared>> -> memref<128x64xf32, #tpu.memory_space<vmem_shared>>
      %dma_wait3A_101 = arith.constant 0 : i32
      %dma_wait3A_102 = tpu.memref_slice %arg12[%add3A_86, %dma_wait3A_101] : memref<10240x64xf32, #tpu.memory_space<vmem_shared>> -> memref<128x64xf32, #tpu.memory_space<vmem_shared>>
      tpu.wait_dma2 semaphore(%run_scoped3A_95 : memref<!tpu.dma_semaphore, #tpu.memory_space<semaphore_mem>>) src(%dma_wait3A_102 : memref<128x64xf32, #tpu.memory_space<vmem_shared>>) dst(%arg11 : memref<128x64xf32, #tpu.memory_space<vmem>>)
      tpu.yield
    }) : () -> ()
    %mul3A_87 = arith.constant 64 : i32
    %mul3A_88 = arith.muli %arg0, %mul3A_87 : i32
    "tpu.region"() ({
      %run_scoped3A_95 = tpu.sem_alloc : memref<!tpu.dma_semaphore, #tpu.memory_space<semaphore_mem>>
      %dma_start3A_96 = tpu.memref_slice %arg7[%add3A_86, %mul3A_88] : memref<10240x128xf32, #tpu.memory_space<hbm>> -> memref<128x64xf32, #tpu.memory_space<hbm>>
      %dma_start3A_97 = tpu.memref_slice %arg7[%add3A_86, %mul3A_88] : memref<10240x128xf32, #tpu.memory_space<hbm>> -> memref<128x64xf32, #tpu.memory_space<hbm>>
      tpu.enqueue_dma source(%arg11 : memref<128x64xf32, #tpu.memory_space<vmem>>) target(%dma_start3A_97 : memref<128x64xf32, #tpu.memory_space<hbm>>) target_semaphore(%run_scoped3A_95 : memref<!tpu.dma_semaphore, #tpu.memory_space<semaphore_mem>>)
      %dma_wait3A = tpu.memref_slice %arg7[%add3A_86, %mul3A_88] : memref<10240x128xf32, #tpu.memory_space<hbm>> -> memref<128x64xf32, #tpu.memory_space<hbm>>
      %dma_wait3A_98 = tpu.memref_slice %arg7[%add3A_86, %mul3A_88] : memref<10240x128xf32, #tpu.memory_space<hbm>> -> memref<128x64xf32, #tpu.memory_space<hbm>>
      tpu.wait_dma2 semaphore(%run_scoped3A_95 : memref<!tpu.dma_semaphore, #tpu.memory_space<semaphore_mem>>) src(%arg11 : memref<128x64xf32, #tpu.memory_space<vmem>>) dst(%dma_wait3A_98 : memref<128x64xf32, #tpu.memory_space<hbm>>)
      tpu.yield
    }) : () -> ()
    "tpu.region"() ({
      %run_scoped3A_95 = tpu.sem_alloc : memref<!tpu.dma_semaphore, #tpu.memory_space<semaphore_mem>>
      %dma_start3A_96 = arith.constant 0 : i32
      %dma_start3A_97 = tpu.memref_slice %arg25[%add3A_86, %dma_start3A_96] : memref<10240x16xf32, #tpu.memory_space<vmem_shared>> -> memref<128x16xf32, #tpu.memory_space<vmem_shared>>
      %dma_start3A_98 = arith.constant 0 : i32
      %dma_start3A_99 = tpu.memref_slice %arg25[%add3A_86, %dma_start3A_98] : memref<10240x16xf32, #tpu.memory_space<vmem_shared>> -> memref<128x16xf32, #tpu.memory_space<vmem_shared>>
      tpu.enqueue_dma source(%dma_start3A_99 : memref<128x16xf32, #tpu.memory_space<vmem_shared>>) target(%arg24 : memref<128x16xf32, #tpu.memory_space<vmem>>) target_semaphore(%run_scoped3A_95 : memref<!tpu.dma_semaphore, #tpu.memory_space<semaphore_mem>>)
      %dma_wait3A = arith.constant 0 : i32
      %dma_wait3A_100 = tpu.memref_slice %arg25[%add3A_86, %dma_wait3A] : memref<10240x16xf32, #tpu.memory_space<vmem_shared>> -> memref<128x16xf32, #tpu.memory_space<vmem_shared>>
      %dma_wait3A_101 = arith.constant 0 : i32
      %dma_wait3A_102 = tpu.memref_slice %arg25[%add3A_86, %dma_wait3A_101] : memref<10240x16xf32, #tpu.memory_space<vmem_shared>> -> memref<128x16xf32, #tpu.memory_space<vmem_shared>>
      tpu.wait_dma2 semaphore(%run_scoped3A_95 : memref<!tpu.dma_semaphore, #tpu.memory_space<semaphore_mem>>) src(%dma_wait3A_102 : memref<128x16xf32, #tpu.memory_space<vmem_shared>>) dst(%arg24 : memref<128x16xf32, #tpu.memory_space<vmem>>)
      tpu.yield
    }) : () -> ()
    "tpu.region"() ({
      %run_scoped3A_95 = tpu.sem_alloc : memref<!tpu.dma_semaphore, #tpu.memory_space<semaphore_mem>>
      %dma_start3A_96 = arith.constant 0 : i32
      %dma_start3A_97 = tpu.memref_slice %arg8[%arg0, %add3A_86, %dma_start3A_96] : memref<2x10240x16xf32, #tpu.memory_space<hbm>> -> memref<1x128x16xf32, #tpu.memory_space<hbm>>
      %dma_start3A_98 = tpu.memref_squeeze %dma_start3A_97 : memref<1x128x16xf32, #tpu.memory_space<hbm>> -> memref<128x16xf32, #tpu.memory_space<hbm>>
      %dma_start3A_99 = arith.constant 0 : i32
      %dma_start3A_100 = tpu.memref_slice %arg8[%arg0, %add3A_86, %dma_start3A_99] : memref<2x10240x16xf32, #tpu.memory_space<hbm>> -> memref<1x128x16xf32, #tpu.memory_space<hbm>>
      %dma_start3A_101 = tpu.memref_squeeze %dma_start3A_100 : memref<1x128x16xf32, #tpu.memory_space<hbm>> -> memref<128x16xf32, #tpu.memory_space<hbm>>
      tpu.enqueue_dma source(%arg24 : memref<128x16xf32, #tpu.memory_space<vmem>>) target(%dma_start3A_101 : memref<128x16xf32, #tpu.memory_space<hbm>>) target_semaphore(%run_scoped3A_95 : memref<!tpu.dma_semaphore, #tpu.memory_space<semaphore_mem>>)
      %dma_wait3A = arith.constant 0 : i32
      %dma_wait3A_102 = tpu.memref_slice %arg8[%arg0, %add3A_86, %dma_wait3A] : memref<2x10240x16xf32, #tpu.memory_space<hbm>> -> memref<1x128x16xf32, #tpu.memory_space<hbm>>
      %dma_wait3A_103 = tpu.memref_squeeze %dma_wait3A_102 : memref<1x128x16xf32, #tpu.memory_space<hbm>> -> memref<128x16xf32, #tpu.memory_space<hbm>>
      %dma_wait3A_104 = arith.constant 0 : i32
      %dma_wait3A_105 = tpu.memref_slice %arg8[%arg0, %add3A_86, %dma_wait3A_104] : memref<2x10240x16xf32, #tpu.memory_space<hbm>> -> memref<1x128x16xf32, #tpu.memory_space<hbm>>
      %dma_wait3A_106 = tpu.memref_squeeze %dma_wait3A_105 : memref<1x128x16xf32, #tpu.memory_space<hbm>> -> memref<128x16xf32, #tpu.memory_space<hbm>>
      tpu.wait_dma2 semaphore(%run_scoped3A_95 : memref<!tpu.dma_semaphore, #tpu.memory_space<semaphore_mem>>) src(%arg24 : memref<128x16xf32, #tpu.memory_space<vmem>>) dst(%dma_wait3A_106 : memref<128x16xf32, #tpu.memory_space<hbm>>)
      tpu.yield
    }) : () -> ()
    %mul3A_89 = arith.constant 640 : i32
    %mul3A_90 = arith.muli %arg1, %mul3A_89 : i32
    %add3A_91 = arith.constant 512 : i32
    %add3A_92 = arith.addi %mul3A_90, %add3A_91 : i32
    "tpu.region"() ({
      %run_scoped3A_95 = tpu.sem_alloc : memref<!tpu.dma_semaphore, #tpu.memory_space<semaphore_mem>>
      %dma_start3A_96 = arith.constant 0 : i32
      %dma_start3A_97 = tpu.memref_slice %arg12[%add3A_92, %dma_start3A_96] : memref<10240x64xf32, #tpu.memory_space<vmem_shared>> -> memref<128x64xf32, #tpu.memory_space<vmem_shared>>
      %dma_start3A_98 = arith.constant 0 : i32
      %dma_start3A_99 = tpu.memref_slice %arg12[%add3A_92, %dma_start3A_98] : memref<10240x64xf32, #tpu.memory_space<vmem_shared>> -> memref<128x64xf32, #tpu.memory_space<vmem_shared>>
      tpu.enqueue_dma source(%dma_start3A_99 : memref<128x64xf32, #tpu.memory_space<vmem_shared>>) target(%arg11 : memref<128x64xf32, #tpu.memory_space<vmem>>) target_semaphore(%run_scoped3A_95 : memref<!tpu.dma_semaphore, #tpu.memory_space<semaphore_mem>>)
      %dma_wait3A = arith.constant 0 : i32
      %dma_wait3A_100 = tpu.memref_slice %arg12[%add3A_92, %dma_wait3A] : memref<10240x64xf32, #tpu.memory_space<vmem_shared>> -> memref<128x64xf32, #tpu.memory_space<vmem_shared>>
      %dma_wait3A_101 = arith.constant 0 : i32
      %dma_wait3A_102 = tpu.memref_slice %arg12[%add3A_92, %dma_wait3A_101] : memref<10240x64xf32, #tpu.memory_space<vmem_shared>> -> memref<128x64xf32, #tpu.memory_space<vmem_shared>>
      tpu.wait_dma2 semaphore(%run_scoped3A_95 : memref<!tpu.dma_semaphore, #tpu.memory_space<semaphore_mem>>) src(%dma_wait3A_102 : memref<128x64xf32, #tpu.memory_space<vmem_shared>>) dst(%arg11 : memref<128x64xf32, #tpu.memory_space<vmem>>)
      tpu.yield
    }) : () -> ()
    %mul3A_93 = arith.constant 64 : i32
    %mul3A_94 = arith.muli %arg0, %mul3A_93 : i32
    "tpu.region"() ({
      %run_scoped3A_95 = tpu.sem_alloc : memref<!tpu.dma_semaphore, #tpu.memory_space<semaphore_mem>>
      %dma_start3A_96 = tpu.memref_slice %arg7[%add3A_92, %mul3A_94] : memref<10240x128xf32, #tpu.memory_space<hbm>> -> memref<128x64xf32, #tpu.memory_space<hbm>>
      %dma_start3A_97 = tpu.memref_slice %arg7[%add3A_92, %mul3A_94] : memref<10240x128xf32, #tpu.memory_space<hbm>> -> memref<128x64xf32, #tpu.memory_space<hbm>>
      tpu.enqueue_dma source(%arg11 : memref<128x64xf32, #tpu.memory_space<vmem>>) target(%dma_start3A_97 : memref<128x64xf32, #tpu.memory_space<hbm>>) target_semaphore(%run_scoped3A_95 : memref<!tpu.dma_semaphore, #tpu.memory_space<semaphore_mem>>)
      %dma_wait3A = tpu.memref_slice %arg7[%add3A_92, %mul3A_94] : memref<10240x128xf32, #tpu.memory_space<hbm>> -> memref<128x64xf32, #tpu.memory_space<hbm>>
      %dma_wait3A_98 = tpu.memref_slice %arg7[%add3A_92, %mul3A_94] : memref<10240x128xf32, #tpu.memory_space<hbm>> -> memref<128x64xf32, #tpu.memory_space<hbm>>
      tpu.wait_dma2 semaphore(%run_scoped3A_95 : memref<!tpu.dma_semaphore, #tpu.memory_space<semaphore_mem>>) src(%arg11 : memref<128x64xf32, #tpu.memory_space<vmem>>) dst(%dma_wait3A_98 : memref<128x64xf32, #tpu.memory_space<hbm>>)
      tpu.yield
    }) : () -> ()
    "tpu.region"() ({
      %run_scoped3A_95 = tpu.sem_alloc : memref<!tpu.dma_semaphore, #tpu.memory_space<semaphore_mem>>
      %dma_start3A_96 = arith.constant 0 : i32
      %dma_start3A_97 = tpu.memref_slice %arg25[%add3A_92, %dma_start3A_96] : memref<10240x16xf32, #tpu.memory_space<vmem_shared>> -> memref<128x16xf32, #tpu.memory_space<vmem_shared>>
      %dma_start3A_98 = arith.constant 0 : i32
      %dma_start3A_99 = tpu.memref_slice %arg25[%add3A_92, %dma_start3A_98] : memref<10240x16xf32, #tpu.memory_space<vmem_shared>> -> memref<128x16xf32, #tpu.memory_space<vmem_shared>>
      tpu.enqueue_dma source(%dma_start3A_99 : memref<128x16xf32, #tpu.memory_space<vmem_shared>>) target(%arg24 : memref<128x16xf32, #tpu.memory_space<vmem>>) target_semaphore(%run_scoped3A_95 : memref<!tpu.dma_semaphore, #tpu.memory_space<semaphore_mem>>)
      %dma_wait3A = arith.constant 0 : i32
      %dma_wait3A_100 = tpu.memref_slice %arg25[%add3A_92, %dma_wait3A] : memref<10240x16xf32, #tpu.memory_space<vmem_shared>> -> memref<128x16xf32, #tpu.memory_space<vmem_shared>>
      %dma_wait3A_101 = arith.constant 0 : i32
      %dma_wait3A_102 = tpu.memref_slice %arg25[%add3A_92, %dma_wait3A_101] : memref<10240x16xf32, #tpu.memory_space<vmem_shared>> -> memref<128x16xf32, #tpu.memory_space<vmem_shared>>
      tpu.wait_dma2 semaphore(%run_scoped3A_95 : memref<!tpu.dma_semaphore, #tpu.memory_space<semaphore_mem>>) src(%dma_wait3A_102 : memref<128x16xf32, #tpu.memory_space<vmem_shared>>) dst(%arg24 : memref<128x16xf32, #tpu.memory_space<vmem>>)
      tpu.yield
    }) : () -> ()
    "tpu.region"() ({
      %run_scoped3A_95 = tpu.sem_alloc : memref<!tpu.dma_semaphore, #tpu.memory_space<semaphore_mem>>
      %dma_start3A_96 = arith.constant 0 : i32
      %dma_start3A_97 = tpu.memref_slice %arg8[%arg0, %add3A_92, %dma_start3A_96] : memref<2x10240x16xf32, #tpu.memory_space<hbm>> -> memref<1x128x16xf32, #tpu.memory_space<hbm>>
      %dma_start3A_98 = tpu.memref_squeeze %dma_start3A_97 : memref<1x128x16xf32, #tpu.memory_space<hbm>> -> memref<128x16xf32, #tpu.memory_space<hbm>>
      %dma_start3A_99 = arith.constant 0 : i32
      %dma_start3A_100 = tpu.memref_slice %arg8[%arg0, %add3A_92, %dma_start3A_99] : memref<2x10240x16xf32, #tpu.memory_space<hbm>> -> memref<1x128x16xf32, #tpu.memory_space<hbm>>
      %dma_start3A_101 = tpu.memref_squeeze %dma_start3A_100 : memref<1x128x16xf32, #tpu.memory_space<hbm>> -> memref<128x16xf32, #tpu.memory_space<hbm>>
      tpu.enqueue_dma source(%arg24 : memref<128x16xf32, #tpu.memory_space<vmem>>) target(%dma_start3A_101 : memref<128x16xf32, #tpu.memory_space<hbm>>) target_semaphore(%run_scoped3A_95 : memref<!tpu.dma_semaphore, #tpu.memory_space<semaphore_mem>>)
      %dma_wait3A = arith.constant 0 : i32
      %dma_wait3A_102 = tpu.memref_slice %arg8[%arg0, %add3A_92, %dma_wait3A] : memref<2x10240x16xf32, #tpu.memory_space<hbm>> -> memref<1x128x16xf32, #tpu.memory_space<hbm>>
      %dma_wait3A_103 = tpu.memref_squeeze %dma_wait3A_102 : memref<1x128x16xf32, #tpu.memory_space<hbm>> -> memref<128x16xf32, #tpu.memory_space<hbm>>
      %dma_wait3A_104 = arith.constant 0 : i32
      %dma_wait3A_105 = tpu.memref_slice %arg8[%arg0, %add3A_92, %dma_wait3A_104] : memref<2x10240x16xf32, #tpu.memory_space<hbm>> -> memref<1x128x16xf32, #tpu.memory_space<hbm>>
      %dma_wait3A_106 = tpu.memref_squeeze %dma_wait3A_105 : memref<1x128x16xf32, #tpu.memory_space<hbm>> -> memref<128x16xf32, #tpu.memory_space<hbm>>
      tpu.wait_dma2 semaphore(%run_scoped3A_95 : memref<!tpu.dma_semaphore, #tpu.memory_space<semaphore_mem>>) src(%arg24 : memref<128x16xf32, #tpu.memory_space<vmem>>) dst(%dma_wait3A_106 : memref<128x16xf32, #tpu.memory_space<hbm>>)
      tpu.yield
    }) : () -> ()
    return
  }
}

module attributes {stable_mosaic.version = 14 : i64} {
  func.func @_tc_body(%arg0: memref<10000x128xf32, #tpu.memory_space<vmem>>, %arg1: memref<10240x128xf32, #tpu.memory_space<vmem>>, %arg2: memref<2x10240x16xf32, #tpu.memory_space<vmem>>, %arg3: memref<128x128xf32, #tpu.memory_space<vmem>>, %arg4: memref<128x128xf32, #tpu.memory_space<vmem>>, %arg5: memref<1x128xf32, #tpu.memory_space<vmem>>, %arg6: memref<10000x128xf32, #tpu.memory_space<vmem>>) attributes {dimension_semantics = [], scalar_prefetch = 0 : i64, scratch_operands = 0 : i64, tpu.core_type = #tpu.core_type<tc>} {
    %get3A = arith.constant 0 : index
    %get3A_0 = arith.constant 0 : index
    %get3A_1 = vector.load %arg1[%get3A, %get3A_0] : memref<10240x128xf32, #tpu.memory_space<vmem>>, vector<10000x128xf32>
    %get3A_2 = arith.constant 0 : index
    %get3A_3 = arith.constant 0 : index
    %get3A_4 = arith.constant 0 : index
    %get3A_5 = vector.load %arg2[%get3A_2, %get3A_3, %get3A_4] : memref<2x10240x16xf32, #tpu.memory_space<vmem>>, vector<1x10000x1xf32>
    %get3A_6 = vector.shape_cast %get3A_5 : vector<1x10000x1xf32> to vector<10000x1xf32>
    %get3A_7 = arith.constant 1 : index
    %get3A_8 = arith.constant 0 : index
    %get3A_9 = arith.constant 0 : index
    %get3A_10 = vector.load %arg2[%get3A_7, %get3A_8, %get3A_9] : memref<2x10240x16xf32, #tpu.memory_space<vmem>>, vector<1x10000x1xf32>
    %get3A_11 = vector.shape_cast %get3A_10 : vector<1x10000x1xf32> to vector<10000x1xf32>
    %add3A = arith.addf %get3A_6, %get3A_11 : vector<10000x1xf32>
    %max3A = arith.constant 1.000000e+00 : f32
    %max3A_12 = vector.broadcast %max3A : f32 to vector<10000x1xf32>
    %max3A_13 = arith.maximumf %add3A, %max3A_12 : vector<10000x1xf32>
    %div3A = arith.constant 1.000000e+00 : f32
    %div3A_14 = vector.broadcast %div3A : f32 to vector<10000x1xf32>
    %div3A_15 = arith.divf %div3A_14, %max3A_13 : vector<10000x1xf32>
    %mul3A = vector.broadcast %div3A_15 : vector<10000x1xf32> to vector<10000x128xf32>
    %mul3A_16 = arith.mulf %get3A_1, %mul3A : vector<10000x128xf32>
    %get3A_17 = arith.constant 0 : index
    %get3A_18 = arith.constant 0 : index
    %get3A_19 = vector.load %arg0[%get3A_17, %get3A_18] : memref<10000x128xf32, #tpu.memory_space<vmem>>, vector<10000x128xf32>
    %get3A_20 = arith.constant 0 : index
    %get3A_21 = arith.constant 0 : index
    %get3A_22 = vector.load %arg3[%get3A_20, %get3A_21] : memref<128x128xf32, #tpu.memory_space<vmem>>, vector<128x128xf32>
    %dot_general3A = arith.constant dense<0.000000e+00> : vector<10000x128xf32>
    %dot_general3A_23 = tpu.matmul %get3A_19, %get3A_22, %dot_general3A {dimension_numbers = #tpu.dot_dimension_numbers<[1], [0], [0], [1], [0, 0, 1, 1], [], []>, transpose_lhs_hint = false} : vector<10000x128xf32>, vector<128x128xf32>, vector<10000x128xf32> -> vector<10000x128xf32>
    %get3A_24 = arith.constant 0 : index
    %get3A_25 = arith.constant 0 : index
    %get3A_26 = vector.load %arg4[%get3A_24, %get3A_25] : memref<128x128xf32, #tpu.memory_space<vmem>>, vector<128x128xf32>
    %dot_general3A_27 = arith.constant dense<0.000000e+00> : vector<10000x128xf32>
    %dot_general3A_28 = tpu.matmul %mul3A_16, %get3A_26, %dot_general3A_27 {dimension_numbers = #tpu.dot_dimension_numbers<[1], [0], [0], [1], [0, 0, 1, 1], [], []>, transpose_lhs_hint = false} : vector<10000x128xf32>, vector<128x128xf32>, vector<10000x128xf32> -> vector<10000x128xf32>
    %add3A_29 = arith.addf %dot_general3A_23, %dot_general3A_28 : vector<10000x128xf32>
    %get3A_30 = arith.constant 0 : index
    %get3A_31 = arith.constant 0 : index
    %get3A_32 = vector.load %arg5[%get3A_30, %get3A_31] : memref<1x128xf32, #tpu.memory_space<vmem>>, vector<1x128xf32>
    %add3A_33 = vector.broadcast %get3A_32 : vector<1x128xf32> to vector<10000x128xf32>
    %add3A_34 = arith.addf %add3A_29, %add3A_33 : vector<10000x128xf32>
    %max3A_35 = arith.constant 0.000000e+00 : f32
    %max3A_36 = vector.broadcast %max3A_35 : f32 to vector<10000x128xf32>
    %max3A_37 = arith.maximumf %add3A_34, %max3A_36 : vector<10000x128xf32>
    %swap3A = arith.constant 0 : index
    %swap3A_38 = arith.constant 0 : index
    %swap3A_39 = vector.load %arg6[%swap3A, %swap3A_38] : memref<10000x128xf32, #tpu.memory_space<vmem>>, vector<10000x128xf32>
    tpu.vector_store %arg6[%swap3A, %swap3A_38], %max3A_37 {strides = array<i32>} : memref<10000x128xf32, #tpu.memory_space<vmem>>, vector<10000x128xf32>,
    return
  }
}

module attributes {stable_mosaic.version = 14 : i64} {
  func.func @_tc_body(%arg0: memref<10000x128xf32, #tpu.memory_space<vmem>>, %arg1: memref<10240x128xf32, #tpu.memory_space<vmem>>, %arg2: memref<2x10240x16xf32, #tpu.memory_space<vmem>>, %arg3: memref<128x128xf32, #tpu.memory_space<vmem>>, %arg4: memref<128x128xf32, #tpu.memory_space<vmem>>, %arg5: memref<1x128xf32, #tpu.memory_space<vmem>>, %arg6: memref<10000x128xf32, #tpu.memory_space<vmem>>) attributes {dimension_semantics = [], scalar_prefetch = 0 : i64, scratch_operands = 0 : i64, tpu.core_type = #tpu.core_type<tc>} {
    %get3A = arith.constant 0 : index
    %get3A_0 = arith.constant 0 : index
    %get3A_1 = vector.load %arg1[%get3A, %get3A_0] : memref<10240x128xf32, #tpu.memory_space<vmem>>, vector<10000x128xf32>
    %get3A_2 = arith.constant 0 : index
    %get3A_3 = arith.constant 0 : index
    %get3A_4 = arith.constant 0 : index
    %get3A_5 = vector.load %arg2[%get3A_2, %get3A_3, %get3A_4] : memref<2x10240x16xf32, #tpu.memory_space<vmem>>, vector<1x10000x1xf32>
    %get3A_6 = vector.shape_cast %get3A_5 : vector<1x10000x1xf32> to vector<10000x1xf32>
    %get3A_7 = arith.constant 1 : index
    %get3A_8 = arith.constant 0 : index
    %get3A_9 = arith.constant 0 : index
    %get3A_10 = vector.load %arg2[%get3A_7, %get3A_8, %get3A_9] : memref<2x10240x16xf32, #tpu.memory_space<vmem>>, vector<1x10000x1xf32>
    %get3A_11 = vector.shape_cast %get3A_10 : vector<1x10000x1xf32> to vector<10000x1xf32>
    %add3A = arith.addf %get3A_6, %get3A_11 : vector<10000x1xf32>
    %max3A = arith.constant 1.000000e+00 : f32
    %max3A_12 = vector.broadcast %max3A : f32 to vector<10000x1xf32>
    %max3A_13 = arith.maximumf %add3A, %max3A_12 : vector<10000x1xf32>
    %div3A = arith.constant 1.000000e+00 : f32
    %div3A_14 = vector.broadcast %div3A : f32 to vector<10000x1xf32>
    %div3A_15 = arith.divf %div3A_14, %max3A_13 : vector<10000x1xf32>
    %mul3A = vector.broadcast %div3A_15 : vector<10000x1xf32> to vector<10000x128xf32>
    %mul3A_16 = arith.mulf %get3A_1, %mul3A : vector<10000x128xf32>
    %get3A_17 = arith.constant 0 : index
    %get3A_18 = arith.constant 0 : index
    %get3A_19 = vector.load %arg0[%get3A_17, %get3A_18] : memref<10000x128xf32, #tpu.memory_space<vmem>>, vector<10000x128xf32>
    %get3A_20 = arith.constant 0 : index
    %get3A_21 = arith.constant 0 : index
    %get3A_22 = vector.load %arg3[%get3A_20, %get3A_21] : memref<128x128xf32, #tpu.memory_space<vmem>>, vector<128x128xf32>
    %dot_general3A = arith.constant dense<0.000000e+00> : vector<10000x128xf32>
    %dot_general3A_23 = tpu.matmul %get3A_19, %get3A_22, %dot_general3A {dimension_numbers = #tpu.dot_dimension_numbers<[1], [0], [0], [1], [0, 0, 1, 1], [], []>, transpose_lhs_hint = false} : vector<10000x128xf32>, vector<128x128xf32>, vector<10000x128xf32> -> vector<10000x128xf32>
    %get3A_24 = arith.constant 0 : index
    %get3A_25 = arith.constant 0 : index
    %get3A_26 = vector.load %arg4[%get3A_24, %get3A_25] : memref<128x128xf32, #tpu.memory_space<vmem>>, vector<128x128xf32>
    %dot_general3A_27 = arith.constant dense<0.000000e+00> : vector<10000x128xf32>
    %dot_general3A_28 = tpu.matmul %mul3A_16, %get3A_26, %dot_general3A_27 {dimension_numbers = #tpu.dot_dimension_numbers<[1], [0], [0], [1], [0, 0, 1, 1], [], []>, transpose_lhs_hint = false} : vector<10000x128xf32>, vector<128x128xf32>, vector<10000x128xf32> -> vector<10000x128xf32>
    %add3A_29 = arith.addf %dot_general3A_23, %dot_general3A_28 : vector<10000x128xf32>
    %get3A_30 = arith.constant 0 : index
    %get3A_31 = arith.constant 0 : index
    %get3A_32 = vector.load %arg5[%get3A_30, %get3A_31] : memref<1x128xf32, #tpu.memory_space<vmem>>, vector<1x128xf32>
    %add3A_33 = vector.broadcast %get3A_32 : vector<1x128xf32> to vector<10000x128xf32>
    %add3A_34 = arith.addf %add3A_29, %add3A_33 : vector<10000x128xf32>
    %swap3A = arith.constant 0 : index
    %swap3A_35 = arith.constant 0 : index
    %swap3A_36 = vector.load %arg6[%swap3A, %swap3A_35] : memref<10000x128xf32, #tpu.memory_space<vmem>>, vector<10000x128xf32>
    tpu.vector_store %arg6[%swap3A, %swap3A_35], %add3A_34 {strides = array<i32>} : memref<10000x128xf32, #tpu.memory_space<vmem>>, vector<10000x128xf32>,
    return
  }
}

</mosaic_0001>

<sc_bundles>
// kernel: kernel.6.cloned.1.call-start
scs
__scs_entry_jumppad:
0x0: {  	(pc) =	sbr.rel $0x88, $3  }
0x1: {  	(tag) =	ssettag $0x0;
	lr =	simm.s32 $0x1  }
0x2: {  	[smem:$0x3F99] =	sst lr;
	_ =	strace $0xD0000000  }
0x3: {  	_ = 	snop  }
0x4: {  	_ = 	snop  }
0x5: {  	_ = 	snop  }
0x6: {  	_ = 	snop  }
0x7: {  	_ = 	snop  }
__scs_overlays_trampoline_lowered:
0x8: {  	[smem:$0x3FA8] =	sst s0  }
0x9: {  	[smem:$0x3FA9] =	sst s1  }
0xa: {  	[smem:$0x3FAA] =	sst s2  }
0xb: {  	[smem:$0x3FAB] =	sst s3  }
0xc: {  	[smem:$0x3FAC] =	sst s4  }
0xd: {  	[smem:$0x3FAD] =	sst s5  }
0xe: {  	[smem:$0x3FAE] =	sst s6  }
0xf: {  	[smem:$0x3FAF] =	sst s7  }
0x10: {  	[smem:$0x3FB0] =	sst s8  }
0x11: {  	[smem:$0x3FB1] =	sst s9;
	s0 =	simm.s32 @!p0 $0x0  }
0x12: {  	s1 =	sld [smem:$0x3F97];
	s0 =	simm.s32 @p0 $0x1  }
0x13: {  	[smem:$0x3FB2] =	sst s0;
	s0 =	simm.s32 @!p1 $0x0  }
0x14: {  	s2 =	sld [smem:$0x3F96];
	s0 =	simm.s32 @p1 $0x1  }
0x15: {  	[smem:$0x3FB3] =	sst s0;
	s0 =	simm.s32 @!p2 $0x0  }
0x16: {  	s3 =	sld [smem:$0x3FDB];
	s0 =	simm.s32 @p2 $0x1  }
0x17: {  	s4 =	simm.s32 $0x1BF5;
	[smem:$0x3FB5] =	sst s0  }
0x18: {  	s0 =	sld [smem:$0x3F98];
	_ =	swait.ge [sflag:s4], $0x0  }
0x19: {  	s7 =	sld [smem:$0x3F99]  }
0x1a: {  	s8 =	sadd.s32 $0xFFFFE003, lr  }
0x1b: {  	s9 =	sadd.s32 $0xFFFFFEF7, lr;
	s5 =	simm.s32 $0xFFFFFFFF;
	p2 =	slt.u32 s8, $0xFFFFF086  }
0x1c: {  	p1 =	slt.u32 s9, $0xF7A;
	s5 =	simm.s32 @!p2 $0x0  }
0x1d: {  	s5 =	simm.s32 @p1 $0x1;
	p0 =	seq.s32 s7, s2  }
0x1e: {  	s7 =	smul.u32 @!p0 $0xF7A, s2;
	p2 =	seq.s32 @!p0 s5, $0x0  }
0x1f: {  	s9 =	smul.u32 $0xF7A, s1;
	s8 =	simm.s32 @!p0 $0x1BF5;
	p2 =	por !p2, p0  }
0x20: {  	[sflag:s8] =	ssyncset.s32 @!p0 $0xFFFFF086;
	s6 =	sadd.s32 @!p0 s3, s7;
	s7 =	simm.s32 @!p0 $0x108  }
0x21: {  	s3 =	sadd.s32 s3, s9;
	s6 =	sadd.s32 @!p0 $0x88, s6;
	s7 =	simm.s32 @p2 $0x1082  }
0x22: {  	[simem:s7], [sflag:s8] =	dma.local @!p0 [hbm:s6], $0xF7A  }
0x23: {  	s9 =	sor.u32 $0xD0000000, s2;
	s6 =	simm.s32 $0x108;
	_ =	swait.ge @!p0 [sflag:s8], $0x0  }
0x24: {  	s3 =	sadd.s32 $0x88, s3;
	s6 =	simm.s32 @!p1 $0x1082;
	[sflag:s4] =	ssyncset.s32 $0xFFFFF086  }
0x25: {  	[simem:s6], [sflag:s4] =	dma.local [hbm:s3], $0xF7A  }
0x26: {  	[smem:$0x3F99] =	sst s1;
	(tag) =	ssettag s2;
	_ =	strace s9  }
0x27: {  	s1 =	sld [smem:$0x3FA9]  }
0x28: {  	s2 =	sld [smem:$0x3FAA]  }
0x29: {  	s4 =	sld [smem:$0x3FAC]  }
0x2a: {  	p0 =	seq.s32 s5, $0x0;
	s5 =	sld [smem:$0x3FAD]  }
0x2b: {  	s6 =	sld [smem:$0x3FAE]  }
0x2c: {  	s7 =	sld [smem:$0x3FAF]  }
0x2d: {  	s3 =	simm.s32 $0x108;
	s8 =	sld [smem:$0x3FB0]  }
0x2e: {  	s3 =	simm.s32 @!p0 $0x1082;
	s9 =	sld [smem:$0x3FB1]  }
0x2f: {  	lr =	sadd.s32 s0, s3;
	s0 =	sld [smem:$0x3FA8]  }
0x30: {  	s3 =	sld [smem:$0x3FAB]  }
0x31: {  	[smem:$0x3FB4] =	sst s10  }
0x32: {  	s10 =	sld [smem:$0x3FB2];
	_ =	sdelay $0x3  }
0x33: {  	p0 =	seq.s32 s10, $0x1;
	s10 =	sld [smem:$0x3FB4];
	_ =	sdelay $0x3  }
0x34: {  	[smem:$0x3FB4] =	sst s10  }
0x35: {  	s10 =	sld [smem:$0x3FB3];
	_ =	sdelay $0x3  }
0x36: {  	p1 =	seq.s32 s10, $0x1;
	s10 =	sld [smem:$0x3FB4];
	_ =	sdelay $0x3  }
0x37: {  	[smem:$0x3FB4] =	sst s10  }
0x38: {  	s10 =	sld [smem:$0x3FB5]  }
0x39: {  	_ = 	snop;
	(pc) =	sbr.ind lr, $3  }
0x3a: {  	_ = 	snop  }
0x3b: {  	_ = 	snop  }
0x3c: {  	p2 =	seq.s32 s10, $0x1;
	s10 =	sld [smem:$0x3FB4]  }
0x3d: {  	_ =	shalt  }
0x3e: {  	_ =	shalt  }
0x3f: {  	_ =	shalt  }
0x40: {  	_ =	shalt  }
0x41: {  	_ =	shalt  }
0x42: {  	_ =	shalt  }
0x43: {  	_ =	shalt  }
0x44: {  	_ =	shalt  }
0x45: {  	_ =	shalt  }
0x46: {  	_ =	shalt  }
0x47: {  	_ =	shalt  }
0x48: {  	_ =	shalt  }
0x49: {  	_ =	shalt  }
0x4a: {  	_ =	shalt  }
0x4b: {  	_ =	shalt  }
0x4c: {  	_ =	shalt  }
0x4d: {  	_ =	shalt  }
0x4e: {  	_ =	shalt  }
0x4f: {  	_ =	shalt  }
0x50: {  	_ =	shalt  }
0x51: {  	_ =	shalt  }
0x52: {  	_ =	shalt  }
0x53: {  	_ =	shalt  }
0x54: {  	_ =	shalt  }
0x55: {  	_ =	shalt  }
0x56: {  	_ =	shalt  }
0x57: {  	_ =	shalt  }
0x58: {  	_ =	shalt  }
0x59: {  	_ =	shalt  }
0x5a: {  	_ =	shalt  }
0x5b: {  	_ =	shalt  }
0x5c: {  	_ =	shalt  }
0x5d: {  	_ =	shalt  }
0x5e: {  	_ =	shalt  }
0x5f: {  	_ =	shalt  }
0x60: {  	_ =	shalt  }
0x61: {  	_ =	shalt  }
0x62: {  	_ =	shalt  }
0x63: {  	_ =	shalt  }
0x64: {  	_ =	shalt  }
0x65: {  	_ =	shalt  }
0x66: {  	_ =	shalt  }
0x67: {  	_ =	shalt  }
0x68: {  	_ =	shalt  }
0x69: {  	_ =	shalt  }
0x6a: {  	_ =	shalt  }
0x6b: {  	_ =	shalt  }
0x6c: {  	_ =	shalt  }
0x6d: {  	_ =	shalt  }
0x6e: {  	_ =	shalt  }
0x6f: {  	_ =	shalt  }
0x70: {  	_ =	shalt  }
0x71: {  	_ =	shalt  }
0x72: {  	_ =	shalt  }
0x73: {  	_ =	shalt  }
0x74: {  	_ =	shalt  }
0x75: {  	_ =	shalt  }
0x76: {  	_ =	shalt  }
0x77: {  	_ =	shalt  }
0x78: {  	_ =	shalt  }
0x79: {  	_ =	shalt  }
0x7a: {  	_ =	shalt  }
0x7b: {  	_ =	shalt  }
0x7c: {  	_ =	shalt  }
0x7d: {  	_ =	shalt  }
0x7e: {  	_ =	shalt  }
0x7f: {  	_ =	shalt  }
0x80: {  	_ =	shalt  }
0x81: {  	_ =	shalt  }
0x82: {  	_ =	shalt  }
0x83: {  	_ =	shalt  }
0x84: {  	_ =	shalt  }
0x85: {  	_ =	shalt  }
0x86: {  	_ =	shalt  }
0x87: {  	_ =	shalt  }
.Lfunc_end0:
.L_simem_size_0:
called_computation_lowered:
.L_overlay_start_0:
0x88: {  	s2 =	sld [smem:$0x3FD9]  }
0x89: {  	s3 =	sld [smem:$0x3FFE];
	_ =	sdelay $0x1  }
0x8a: {  	s1 =	srdreg.scid  }
0x8b: {  	s0 =	sand.u32 $0x1, s1  }
0x8c: {  	s17 =	sshll.u32 s0, $0xA;
	s2 =	sadd.s32 s3, s2  }
0x8d: {  	s2 =	sadd.s32 s2, s17  }
0x8e: {  	[smem:$0x3FC0] =	sst s2  }
0x8f: {  	_ = 	snop  }
0x90: {  	s2 =	sld [smem:$0x3FC9]  }
0x91: {  	s18 =	sld [smem:$0x3FD0];
	(tm) =	ssettm $0x1  }
0x92: {  	s4 =	sld [smem:$0x3FFB];
	_ =	sdelay $0x3  }
0x93: {  	_ =	strace s4  }
0x94: {  	s4 =	sld [smem:$0x3FFC];
	_ =	sdelay $0x3  }
0x95: {  	_ =	strace s4  }
0x96: {  	s4 =	sld [smem:$0x3FFD];
	_ =	sdelay $0x3  }
0x97: {  	_ =	strace s4  }
0x98: {  	_ =	strace $0x8FFFFFFF  }
0x99: {  	s19 =	sld [smem:$0x3FDB];
	_ =	sdelay $0x1  }
0x9a: {  	s5 =	simm.s32 $_scs_section_size  }
0x9b: {  	s6 =	simm.s32 $_size__tile_overlayer_lowered;
	s7 =	simm.s32 $_tile_overlayer_lowered  }
0x9c: {  	s22 =	simm.s32 $0x1BFF;
	s21 =	sshll.u32 s7, $0x1;
	s4 =	sadd.s32 s5, s19  }
0x9d: {  	s8 =	simm.s32 $0x0;
	s20 =	sshll.u32 s6, $0x1;
	s6 =	sadd.s32 s21, s4  }
0x9e: {  	[timem:s8], [sflag:s22] =	dma.local [hbm:s6], s20  }
0x9f: {  	_ =	swait.ge [sflag:s22], s20  }
0xa0: {  	s5 =	ssub.s32 $0x0, s20;
	[sflag:s22] =	ssyncset.done $0x0  }
0xa1: {  	[sflag:s22] =	ssyncadd.s32 s5;
	_ =	sdelay $0x1  }
0xa2: {  	s23 =	simm.s32 $0x1B8B  }
0xa3: {  	_ =	swait.ge [sflag:s23], $0x1  }
0xa4: {  	[sflag:s23] =	ssyncset.done $0x0  }
0xa5: {  	s25 =	simm.s32 $0x1B8E;
	s24 =	sld [smem:$0x3FFE];
	[sflag:s23] =	ssyncadd.s32 $0xFFFFFFFF  }
0xa6: {  	s26 =	simm.s32 $execute0_lowered;
	[smem:$0x3FD2] =	sst s25  }
0xa7: {  	s6 =	sshll.u32 s26, $0x1;
	_ =	strace $0x80000046;
	[dreg:$0x1] =	wrdreg $0xFFFFFFFF  }
0xa8: {  	s28 =	simm.s32 $_size_execute0_lowered;
	s4 =	sadd.s32 s4, s6;
	[dreg:$0x0] =	wrdreg $0x0  }
0xa9: {  	s6 =	sshll.u32 s28, $0x1;
	[dreg:$0x2] =	wrdreg s4  }
0xaa: {  	[dreg:$0x3] =	wrdreg s6  }
0xab: {  	[dreg:$0x4] =	wrdreg $0xC0  }
0xac: {  	_ =	task [dreg:s8], $0x5FFFF  }
0xad: {  	[dreg:$0x1] =	wrdreg $0xFFFFFFFF  }
0xae: {  	[dreg:$0x0] =	wrdreg $0x60  }
0xaf: {  	[dreg:$0x2] =	wrdreg s2  }
0xb0: {  	[dreg:$0x3] =	wrdreg s24  }
0xb1: {  	[dreg:$0x4] =	wrdreg s18  }
0xb2: {  	[dreg:$0x5] =	wrdreg $0xBC400  }
0xb3: {  	[dreg:$0x6] =	wrdreg $0x1CD400  }
0xb4: {  	[dreg:$0x7] =	wrdreg $0x9  }
0xb5: {  	_ =	task.clear_ibuf [dreg:s8], $0x8FFFF;
	_ =	strace $0x90000046  }
0xb6: {  	s29 =	simm.s32 $0x9;
	_ =	strace $0x80000048  }
0xb7: {  	_ =	swait.ge [sflag:s29], $0x1  }
0xb8: {  	[sflag:s29] =	ssyncadd.s32 $0xFFFFFFFF  }
0xb9: {  	_ =	strace $0x90000048  }
0xba: {  	_ =	sfence  }
0xbb: {  	s30 =	sld [smem:$0x0];
	_ =	sdelay $0x2  }
0xbc: {  	s31 =	sshll.u32 s1, $0xD;
	s1 =	sshrl.u32 s1, $0x2  }
0xbd: {  	s3 =	sand.u32 $0x4000, s31;
	s1 =	sadd.s32 s1, s30  }
0xbe: {  	s0 =	sor.u32 s3, s0;
	s1 =	sshll.u32 s1, $0x11  }
0xbf: {  	s0 =	sor.u32 s1, s0  }
0xc0: {  	s0 =	sadd.s32 $0x8F2B, s0  }
0xc1: {  	[sflag:s0] =	ssyncadd.remote.s32 $0x1  }
0xc2: {  	_ =	sfence.sel $0xFFFF  }
0xc3: {  	[dreg:$0x0] =	wrdreg $0xFFFFFFFF;
	(pc) =	sbr.abs _section_cstart, $3  }
0xc4: {  	[dreg:$0x1] =	wrdreg $0xFFFFFFFF  }
0xc5: {  	_ =	task.clear_ibuf [dreg:s8], $0x2FFFF;
	_ =	strace $0x9FFFFFFF  }
0xc6: {  	(tm) =	ssettm $0x7FFFFFFF  }
0xc7: {  	_ =	shalt  }
tec
execute0_lowered:
.L_overlay_start_1:
0x0: {  	(tag) =	ssettag $0x1  }
0x1: {  	s1 =	rddreg [dreg:$0x0]  }
0x2: {  	s4 =	rddreg [dreg:$0x1]  }
0x3: {  	s8 =	rddreg [dreg:$0x2];
	s21 =	stileid.u32  }
0x4: {  	s0 =	srdreg.scid;
	s9 =	smul.u32 $0x280, s21  }
0x5: {  	s2 =	simm.s32 $0x0;
	s3 =	sand.u32 $0x1, s0;
	s11 =	smul.u32 $0x2800, s21  }
0x6: {  	[smem:$0x7FF] =	sst s2;
	s10 =	sadd.s32 $0x17600, s4;
	s13 =	smul.u32 $0x14000, s21  }
0x7: {  	s0 =	ssub.s32 $0x2, s3;
	s14 =	smul.u32 $0x28000, s3;
	s16 =	sshll.u32 s3, $0x6  }
0x8: {  	s5 =	sshrl.u32 s0, $0x1;
	s12 =	sadd.s32 $0x80, s9;
	s15 =	sadd.s32 $0x100, s9  }
0x9: {  	s6 =	sadd.s32 $0x180, s9;
	s9 =	sadd.s32 $0x200, s9;
	s13 =	sor.u32 s16, s13  }
0xa: {  	s0 =	ssub.s32 s0, s5;
	s5 =	sshll.u32 s12, $0x4;
	s17 =	sshll.u32 s15, $0x4  }
0xb: {  	s7 =	sshll.u32 s6, $0x4;
	s18 =	sadd.s32 s11, s14;
	s19 =	sshll.u32 s9, $0x4  }
0xc: {  	s13 =	sshrl.u32 s13, $0x3;
	s25 =	sshll.u32 s12, $0x7;
	s20 =	sshll.u32 s15, $0x7  }
0xd: {  	s22 =	sshll.u32 s6, $0x7;
	s23 =	sshll.u32 s9, $0x7;
	s18 =	sshrl.u32 s18, $0x3  }
0xe: {  	s13 =	sadd.s32 s10, s13;
	s26 =	sadd.s32 s14, s5;
	s20 =	sor.u32 s16, s20  }
0xf: {  	s0 =	smax.u32 s0, $0x1;
	[dreg:$0x6] =	wrdreg s13;
	s24 =	sadd.s32 s8, s18  }
0x10: {  	s13 =	sor.u32 s16, s25;
	s18 =	sshrl.u32 s26, $0x3;
	s20 =	sshrl.u32 s20, $0x3  }
0x11: {  	[dreg:$0x7] =	wrdreg s24;
	s13 =	sshrl.u32 s13, $0x3;
	s18 =	sadd.s32 s8, s18  }
0x12: {  	s24 =	sadd.s32 s14, s17;
	s13 =	sadd.s32 s10, s13;
	[dreg:$0x9] =	wrdreg s18  }
0x13: {  	s25 =	sadd.s32 s14, s7;
	s18 =	sshrl.u32 s24, $0x3;
	[dreg:$0x8] =	wrdreg s13  }
0x14: {  	s13 =	sadd.s32 s10, s20;
	s26 =	sadd.s32 s8, s18;
	s20 =	smul.u32 $0x9C4, s21  }
0x15: {  	[dreg:$0xa] =	wrdreg s13;
	s13 =	sor.u32 s16, s22;
	s16 =	sor.u32 s16, s23  }
0x16: {  	[dreg:$0xd] =	wrdreg s26;
	s22 =	sadd.s32 $0xD040, s4;
	s13 =	sshrl.u32 s13, $0x3  }
0x17: {  	s23 =	smul.u32 $0x28000, s21;
	s16 =	sshrl.u32 s16, $0x3;
	s13 =	sadd.s32 s10, s13  }
0x18: {  	s10 =	sadd.s32 s10, s16;
	s16 =	sadd.s32 s14, s19;
	s14 =	rddreg [dreg:$0x3]  }
0x19: {  	s26 =	sadd.s32 $0x17000, s4;
	s24 =	sshrl.u32 s23, $0x2;
	[dreg:$0xb] =	wrdreg s13  }
0x1a: {  	[dreg:$0xc] =	wrdreg s10;
	s10 =	sshrl.u32 s25, $0x3;
	s18 =	sshrl.u32 s16, $0x3  }
0x1b: {  	s16 =	rddreg [dreg:$0x4];
	s25 =	sadd.s32 $0x17200, s4;
	s10 =	sadd.s32 s8, s10  }
0x1c: {  	s21 =	sadd.s32 s24, s14;
	s8 =	sadd.s32 s8, s18;
	[dreg:$0xe] =	wrdreg s10  }
0x1d: {  	s13 =	sshll.u32 s12, $0x6;
	[dreg:$0xf] =	wrdreg s8;
	s10 =	sadd.s32 s20, s22  }
0x1e: {  	s23 =	sadd.s32 s11, s16;
	_ =	strace $0x80000047;
	[dreg:$0x10] =	wrdreg s10  }
0x1f: {  	s18 =	sshll.u32 s15, $0x6;
	s12 =	sadd.s32 s13, s14;
	[dreg:$0x11] =	wrdreg s25  }
0x20: {  	s8 =	sadd.s32 s20, s4;
	s4 =	sadd.s32 $0x16E00, s4;
	[dreg:$0x12] =	wrdreg s26  }
0x21: {  	s24 =	sadd.s32 s5, s16;
	s29 =	sadd.s32 s7, s16;
	[dreg:$0x13] =	wrdreg s4  }
0x22: {  	s31 =	sadd.s32 s19, s16;
	s5 =	simm.s32 $0x9C40;
	[dreg:$0x1f] =	wrdreg s0  }
0x23: {  	s7 =	simm.s32 $0x50;
	s11 =	simm.s32 $0x19840;
	[dreg:$0x15] =	wrdreg s21  }
0x24: {  	s13 =	simm.s32 $0x1AC40;
	s15 =	simm.s32 $0x1;
	[dreg:$0x16] =	wrdreg s23  }
0x25: {  	s19 =	simm.s32 $0x4;
	s20 =	sshll.u32 s6, $0x6;
	[dreg:$0x17] =	wrdreg s12  }
0x26: {  	s22 =	sshll.u32 s9, $0x6;
	s6 =	simm.s32 $0x1C540;
	[dreg:$0x18] =	wrdreg s24  }
0x27: {  	s9 =	simm.s32 $0x17040;
	s8 =	sadd.s32 $0x3400, s8;
	[dreg:$0x1c] =	wrdreg s29  }
0x28: {  	s25 =	sadd.s32 s18, s14;
	s26 =	sadd.s32 s17, s16;
	[dreg:$0x1e] =	wrdreg s31  }
.Ltmp0:
0x29: {  	s28 =	sadd.s32 s20, s14;
	[dreg:$0x14] =	wrdreg s8;
	(pc) =	sbr.rel .LBB2_1-.Ltmp0, $4  }
0x2a: {  	s30 =	sadd.s32 s22, s14;
	s4 =	simm.s32 $0x6;
	[dreg:$0x19] =	wrdreg s25  }
0x2b: {  	s10 =	simm.s32 $0x18440;
	s17 =	simm.s32 $0x2;
	[dreg:$0x1a] =	wrdreg s26  }
0x2c: {  	s18 =	simm.s32 $0x3;
	s20 =	simm.s32 $0x5;
	[dreg:$0x1b] =	wrdreg s28  }
0x2d: {  	v0 =	vmov s3;
	s22 =	simm.s32 $0x0;
	s8 =	simm.s32 $0x15C40;
	[dreg:$0x1d] =	wrdreg s30  }
.LBB2_6:
0x2e: {  	[bflag:$0x0] =	sbarrier.arrive $0xFFFF  }
0x2f: {  	s21 =	rddreg [dreg:$0x15]  }
0x30: {  	[tilespmem:s5], [sflag:$0x6] =	stream.linear.gather [spmem:s21], $0x2000, $0x38;
	[tilespmem:$0x1F540] =	vst v63  }
0x31: {  	_ =	swait.ge [sflag:s4], $0x2000  }
0x32: {  	s22 =	simm.s32 $0x40;
	[sflag:s4] =	ssyncset.done $0x0  }
0x33: {  	s31 =	simm.s32 $0x80;
	s0 =	rddreg [dreg:$0x6];
	[sflag:s4] =	ssyncadd.s32 $0xFFFFE000  }
0x34: {  	[hbm4b:s0+s22] =	stream.strided.scatter [tilespmem:s5], [sflag:$0x6], $0x2000, s31, s22, $0x38;
	[tilespmem:$0x1F540] =	vst v63  }
0x35: {  	_ =	swait.ge [sflag:s4], $0x2000  }
0x36: {  	[sflag:s4] =	ssyncset.done $0x0  }
0x37: {  	s23 =	rddreg [dreg:$0x16];
	[sflag:s4] =	ssyncadd.s32 $0xFFFFE000  }
0x38: {  	[tilespmem:s6], [sflag:$0x6] =	stream.linear.gather [spmem:s23], $0x800, $0x38;
	[tilespmem:$0x1F540] =	vst v63  }
0x39: {  	_ =	swait.ge [sflag:s4], $0x800  }
0x3a: {  	[sflag:s4] =	ssyncset.done $0x0  }
0x3b: {  	s12 =	rddreg [dreg:$0x7];
	[sflag:s4] =	ssyncadd.s32 $0xFFFFF800  }
0x3c: {  	[hbm4b:s12+s2] =	stream.linear.scatter [tilespmem:s6], [sflag:$0x6], $0x800, $0x38;
	[tilespmem:$0x1F540] =	vst v63  }
0x3d: {  	_ =	swait.ge [sflag:s4], $0x800  }
0x3e: {  	[sflag:s4] =	ssyncset.done $0x0  }
0x3f: {  	s12 =	rddreg [dreg:$0x17];
	[sflag:s4] =	ssyncadd.s32 $0xFFFFF800  }
0x40: {  	[tilespmem:s5], [sflag:$0x6] =	stream.linear.gather [spmem:s12], $0x2000, $0x38;
	[tilespmem:$0x1F540] =	vst v63  }
0x41: {  	_ =	swait.ge [sflag:s4], $0x2000  }
0x42: {  	[sflag:s4] =	ssyncset.done $0x0  }
0x43: {  	s24 =	rddreg [dreg:$0x8];
	[sflag:s4] =	ssyncadd.s32 $0xFFFFE000  }
0x44: {  	[hbm4b:s24+s22] =	stream.strided.scatter [tilespmem:s5], [sflag:$0x6], $0x2000, s31, s22, $0x38;
	[tilespmem:$0x1F540] =	vst v63  }
0x45: {  	_ =	swait.ge [sflag:s4], $0x2000  }
0x46: {  	[sflag:s4] =	ssyncset.done $0x0  }
0x47: {  	s24 =	rddreg [dreg:$0x18];
	[sflag:s4] =	ssyncadd.s32 $0xFFFFE000  }
0x48: {  	[tilespmem:s6], [sflag:$0x6] =	stream.linear.gather [spmem:s24], $0x800, $0x38;
	[tilespmem:$0x1F540] =	vst v63  }
0x49: {  	_ =	swait.ge [sflag:s4], $0x800  }
0x4a: {  	[sflag:s4] =	ssyncset.done $0x0  }
0x4b: {  	s25 =	rddreg [dreg:$0x9];
	[sflag:s4] =	ssyncadd.s32 $0xFFFFF800  }
0x4c: {  	[hbm4b:s25+s2] =	stream.linear.scatter [tilespmem:s6], [sflag:$0x6], $0x800, $0x38;
	[tilespmem:$0x1F540] =	vst v63  }
0x4d: {  	_ =	swait.ge [sflag:s4], $0x800  }
0x4e: {  	[sflag:s4] =	ssyncset.done $0x0  }
0x4f: {  	s25 =	rddreg [dreg:$0x19];
	[sflag:s4] =	ssyncadd.s32 $0xFFFFF800  }
0x50: {  	[tilespmem:s5], [sflag:$0x6] =	stream.linear.gather [spmem:s25], $0x2000, $0x38;
	[tilespmem:$0x1F540] =	vst v63  }
0x51: {  	_ =	swait.ge [sflag:s4], $0x2000  }
0x52: {  	[sflag:s4] =	ssyncset.done $0x0  }
0x53: {  	s26 =	rddreg [dreg:$0xa];
	[sflag:s4] =	ssyncadd.s32 $0xFFFFE000  }
0x54: {  	[hbm4b:s26+s22] =	stream.strided.scatter [tilespmem:s5], [sflag:$0x6], $0x2000, s31, s22, $0x38;
	[tilespmem:$0x1F540] =	vst v63  }
0x55: {  	_ =	swait.ge [sflag:s4], $0x2000  }
0x56: {  	[sflag:s4] =	ssyncset.done $0x0  }
0x57: {  	s26 =	rddreg [dreg:$0x1a];
	[sflag:s4] =	ssyncadd.s32 $0xFFFFE000  }
0x58: {  	[tilespmem:s6], [sflag:$0x6] =	stream.linear.gather [spmem:s26], $0x800, $0x38;
	[tilespmem:$0x1F540] =	vst v63  }
0x59: {  	_ =	swait.ge [sflag:s4], $0x800  }
0x5a: {  	[sflag:s4] =	ssyncset.done $0x0  }
0x5b: {  	s0 =	rddreg [dreg:$0xd];
	[sflag:s4] =	ssyncadd.s32 $0xFFFFF800  }
0x5c: {  	[hbm4b:s0+s2] =	stream.linear.scatter [tilespmem:s6], [sflag:$0x6], $0x800, $0x38;
	[tilespmem:$0x1F540] =	vst v63  }
0x5d: {  	_ =	swait.ge [sflag:s4], $0x800  }
0x5e: {  	[sflag:s4] =	ssyncset.done $0x0  }
0x5f: {  	s28 =	rddreg [dreg:$0x1b];
	[sflag:s4] =	ssyncadd.s32 $0xFFFFF800  }
0x60: {  	[tilespmem:s5], [sflag:$0x6] =	stream.linear.gather [spmem:s28], $0x2000, $0x38;
	[tilespmem:$0x1F540] =	vst v63  }
0x61: {  	_ =	swait.ge [sflag:s4], $0x2000  }
0x62: {  	[sflag:s4] =	ssyncset.done $0x0  }
0x63: {  	s0 =	rddreg [dreg:$0xb];
	[sflag:s4] =	ssyncadd.s32 $0xFFFFE000  }
0x64: {  	[hbm4b:s0+s22] =	stream.strided.scatter [tilespmem:s5], [sflag:$0x6], $0x2000, s31, s22, $0x38;
	[tilespmem:$0x1F540] =	vst v63  }
0x65: {  	_ =	swait.ge [sflag:s4], $0x2000  }
0x66: {  	[sflag:s4] =	ssyncset.done $0x0  }
0x67: {  	s29 =	rddreg [dreg:$0x1c];
	[sflag:s4] =	ssyncadd.s32 $0xFFFFE000  }
0x68: {  	[tilespmem:s6], [sflag:$0x6] =	stream.linear.gather [spmem:s29], $0x800, $0x38;
	[tilespmem:$0x1F540] =	vst v63  }
0x69: {  	_ =	swait.ge [sflag:s4], $0x800  }
0x6a: {  	[sflag:s4] =	ssyncset.done $0x0  }
0x6b: {  	s0 =	rddreg [dreg:$0xe];
	[sflag:s4] =	ssyncadd.s32 $0xFFFFF800  }
0x6c: {  	[hbm4b:s0+s2] =	stream.linear.scatter [tilespmem:s6], [sflag:$0x6], $0x800, $0x38;
	[tilespmem:$0x1F540] =	vst v63  }
0x6d: {  	_ =	swait.ge [sflag:s4], $0x800  }
0x6e: {  	[sflag:s4] =	ssyncset.done $0x0  }
0x6f: {  	s30 =	rddreg [dreg:$0x1d];
	[sflag:s4] =	ssyncadd.s32 $0xFFFFF800  }
0x70: {  	[tilespmem:s5], [sflag:$0x6] =	stream.linear.gather [spmem:s30], $0x2000, $0x38;
	[tilespmem:$0x1F540] =	vst v63  }
0x71: {  	_ =	swait.ge [sflag:s4], $0x2000  }
0x72: {  	[sflag:s4] =	ssyncset.done $0x0  }
0x73: {  	s0 =	rddreg [dreg:$0xc];
	[sflag:s4] =	ssyncadd.s32 $0xFFFFE000  }
0x74: {  	[hbm4b:s0+s22] =	stream.strided.scatter [tilespmem:s5], [sflag:$0x6], $0x2000, s31, s22, $0x38;
	[tilespmem:$0x1F540] =	vst v63  }
0x75: {  	_ =	swait.ge [sflag:s4], $0x2000  }
0x76: {  	[sflag:s4] =	ssyncset.done $0x0  }
0x77: {  	s31 =	rddreg [dreg:$0x1e];
	[sflag:s4] =	ssyncadd.s32 $0xFFFFE000  }
0x78: {  	[tilespmem:s6], [sflag:$0x6] =	stream.linear.gather [spmem:s31], $0x800, $0x38;
	[tilespmem:$0x1F540] =	vst v63  }
0x79: {  	_ =	swait.ge [sflag:s4], $0x800  }
0x7a: {  	[sflag:s4] =	ssyncset.done $0x0  }
0x7b: {  	s22 =	rddreg [dreg:$0xf];
	[sflag:s4] =	ssyncadd.s32 $0xFFFFF800  }
0x7c: {  	[hbm4b:s22+s2] =	stream.linear.scatter [tilespmem:s6], [sflag:$0x6], $0x800, $0x38;
	[tilespmem:$0x1F540] =	vst v63  }
0x7d: {  	_ =	swait.ge [sflag:s4], $0x800  }
0x7e: {  	s0 =	sld [smem:$0x7FD];
	_ =	sdelay $0x2  }
0x7f: {  	s22 =	sadd.s32 $0x1, s0;
	s0 =	rddreg [dreg:$0x1f]  }
0x80: {  	p0 =	sne.s32 s22, s0  }
.Ltmp1:
0x81: {  	_ = 	snop;
	(pc) =	sbr.rel @!p0 .LBB2_7-.Ltmp1, $3  }
0x82: {  	_ =	sdelay $0x1  }
0x83: {  	[sflag:s4] =	ssyncset.done $0x0  }
0x84: {  	[sflag:s4] =	ssyncadd.s32 $0xFFFFF800  }
.LBB2_1:
0x85: {  	[smem:$0x7FD] =	sst s22  }
0x86: {  	s0 =	rddreg [dreg:$0x14]  }
0x87: {  	[tilespmem:s2], [sflag:$0x6] =	stream.linear.gather [hbm4b:s0+s2], $0x4E20, $0x38;
	[tilespmem:$0x1F540] =	vst v63  }
0x88: {  	_ =	swait.ge [sflag:s4], $0x4E20  }
0x89: {  	s22 =	simm.s32 $0x0;
	[sflag:s4] =	ssyncset.done $0x0  }
0x8a: {  	s2 =	simm.s32 $0x4E20;
	s0 =	rddreg [dreg:$0x10];
	[sflag:s4] =	ssyncadd.s32 $0xFFFFB1E0  }
0x8b: {  	[tilespmem:s2], [sflag:$0x6] =	stream.linear.gather [hbm4b:s0+s22], $0x4E20, $0x38;
	[tilespmem:$0x1F540] =	vst v63  }
0x8c: {  	_ =	swait.ge [sflag:s4], $0x4E20  }
0x8d: {  	[sflag:s4] =	ssyncset.done $0x0  }
0x8e: {  	s2 =	simm.s32 $0x0;
	s22 =	rddreg [dreg:$0x11];
	[sflag:s4] =	ssyncadd.s32 $0xFFFFB1E0  }
0x8f: {  	[tilespmem:s5], [sflag:$0x6] =	stream.linear.gather [hbm4b:s22+s2], $0x2000, $0x38;
	[tilespmem:$0x1F540] =	vst v63  }
0x90: {  	_ =	swait.ge [sflag:s4], $0x2000  }
0x91: {  	[sflag:s4] =	ssyncset.done $0x0  }
0x92: {  	s22 =	simm.s32 $0x1C040;
	s0 =	rddreg [dreg:$0x13];
	[sflag:s4] =	ssyncadd.s32 $0xFFFFE000  }
0x93: {  	[tilespmem:s22], [sflag:$0x6] =	stream.linear.gather [hbm4b:s0+s2], $0x500, $0x38;
	[tilespmem:$0x1F540] =	vst v63  }
0x94: {  	_ =	swait.ge [sflag:s4], $0x500  }
0x95: {  	[sflag:s4] =	ssyncset.done $0x0  }
0x96: {  	s22 =	rddreg [dreg:$0x12];
	[sflag:s4] =	ssyncadd.s32 $0xFFFFFB00  }
0x97: {  	[tilespmem:s6], [sflag:$0x6] =	stream.linear.gather [hbm4b:s22+s2], $0x800, $0x38;
	[tilespmem:$0x1F540] =	vst v63  }
0x98: {  	_ =	swait.ge [sflag:s4], $0x800  }
0x99: {  	[sflag:s4] =	ssyncset.done $0x0  }
0x9a: {  	[sflag:s4] =	ssyncadd.s32 $0xFFFFF800  }
0x9b: {  	[spmem:s21] =	stream.linear.scatter [tilespmem:s5], [sflag:$0x6], $0x2000, $0x38;
	[tilespmem:$0x1F540] =	vst v63  }
0x9c: {  	_ =	swait.ge [sflag:s4], $0x2000  }
0x9d: {  	[sflag:s4] =	ssyncset.done $0x0  }
0x9e: {  	[sflag:s4] =	ssyncadd.s32 $0xFFFFE000  }
0x9f: {  	[spmem:s23] =	stream.linear.scatter [tilespmem:s6], [sflag:$0x6], $0x800, $0x38;
	[tilespmem:$0x1F540] =	vst v63  }
0xa0: {  	_ =	swait.ge [sflag:s4], $0x800  }
0xa1: {  	[sflag:s4] =	ssyncset.done $0x0  }
0xa2: {  	[sflag:s4] =	ssyncadd.s32 $0xFFFFF800  }
0xa3: {  	[spmem:s12] =	stream.linear.scatter [tilespmem:s5], [sflag:$0x6], $0x2000, $0x38;
	[tilespmem:$0x1F540] =	vst v63  }
0xa4: {  	_ =	swait.ge [sflag:s4], $0x2000  }
0xa5: {  	[sflag:s4] =	ssyncset.done $0x0  }
0xa6: {  	[sflag:s4] =	ssyncadd.s32 $0xFFFFE000  }
0xa7: {  	[spmem:s24] =	stream.linear.scatter [tilespmem:s6], [sflag:$0x6], $0x800, $0x38;
	[tilespmem:$0x1F540] =	vst v63  }
0xa8: {  	_ =	swait.ge [sflag:s4], $0x800  }
0xa9: {  	[sflag:s4] =	ssyncset.done $0x0  }
0xaa: {  	[sflag:s4] =	ssyncadd.s32 $0xFFFFF800  }
0xab: {  	[spmem:s25] =	stream.linear.scatter [tilespmem:s5], [sflag:$0x6], $0x2000, $0x38;
	[tilespmem:$0x1F540] =	vst v63  }
0xac: {  	_ =	swait.ge [sflag:s4], $0x2000  }
0xad: {  	[sflag:s4] =	ssyncset.done $0x0  }
0xae: {  	[sflag:s4] =	ssyncadd.s32 $0xFFFFE000  }
0xaf: {  	[spmem:s26] =	stream.linear.scatter [tilespmem:s6], [sflag:$0x6], $0x800, $0x38;
	[tilespmem:$0x1F540] =	vst v63  }
0xb0: {  	_ =	swait.ge [sflag:s4], $0x800  }
0xb1: {  	[sflag:s4] =	ssyncset.done $0x0  }
0xb2: {  	[sflag:s4] =	ssyncadd.s32 $0xFFFFF800  }
0xb3: {  	[spmem:s28] =	stream.linear.scatter [tilespmem:s5], [sflag:$0x6], $0x2000, $0x38;
	[tilespmem:$0x1F540] =	vst v63  }
0xb4: {  	_ =	swait.ge [sflag:s4], $0x2000  }
0xb5: {  	[sflag:s4] =	ssyncset.done $0x0  }
0xb6: {  	[sflag:s4] =	ssyncadd.s32 $0xFFFFE000  }
0xb7: {  	[spmem:s29] =	stream.linear.scatter [tilespmem:s6], [sflag:$0x6], $0x800, $0x38;
	[tilespmem:$0x1F540] =	vst v63  }
0xb8: {  	_ =	swait.ge [sflag:s4], $0x800  }
0xb9: {  	[sflag:s4] =	ssyncset.done $0x0  }
0xba: {  	[sflag:s4] =	ssyncadd.s32 $0xFFFFF800  }
0xbb: {  	[spmem:s30] =	stream.linear.scatter [tilespmem:s5], [sflag:$0x6], $0x2000, $0x38;
	[tilespmem:$0x1F540] =	vst v63  }
0xbc: {  	_ =	swait.ge [sflag:s4], $0x2000  }
0xbd: {  	[sflag:s4] =	ssyncset.done $0x0  }
0xbe: {  	[sflag:s4] =	ssyncadd.s32 $0xFFFFE000  }
0xbf: {  	[spmem:s31] =	stream.linear.scatter [tilespmem:s6], [sflag:$0x6], $0x800, $0x38;
	[tilespmem:$0x1F540] =	vst v63  }
0xc0: {  	_ =	swait.ge [sflag:s4], $0x800  }
0xc1: {  	[sflag:s4] =	ssyncset.done $0x0  }
0xc2: {  	s23 =	simm.s32 $0x0;
	[sflag:s4] =	ssyncadd.s32 $0xFFFFF800  }
0xc3: {  	v3 =	vld [tilespmem:s23+$0x0]  }
0xc4: {  	v4 =	vld [tilespmem:s23+$0x10]  }
0xc5: {  	v2 =	vld [tilespmem:s23+$0x20]  }
0xc6: {  	s24 =	simm.s32 $0x140;
	v1 =	vld [tilespmem:s23+$0x30]  }
.LBB2_2:
0xc7: {  	p0 =	sne.s32 s24, $0x13740;
	v5 =	vld [tilespmem:s23+$0x40]  }
0xc8: {  	v3 =	vshll.u32 v3, $0x1  }
0xc9: {  	v3 =	vor.u32 v0, v3;
	v4 =	vshll.u32 v4, $0x1  }
.Ltmp2:
0xca: {  	s25 =	sshra.s32 s24, $0x2;
	[tilespmem:s23+$0x0] =	vst v3;
	v4 =	vor.u32 v0, v4;
	v2 =	vshll.u32 v2, $0x1;
	(pc) =	sbr.rel @p0 .LBB2_2-.Ltmp2, $4  }
0xcb: {  	v3 =	vld [tilespmem:s25+$0x0];
	[tilespmem:s23+$0x10] =	vst v4;
	v2 =	vor.u32 v0, v2;
	v1 =	vshll.u32 v1, $0x1  }
0xcc: {  	v4 =	vld [tilespmem:s25+$0x10];
	[tilespmem:s23+$0x20] =	vst v2;
	v1 =	vor.u32 v0, v1;
	v5 =	vshll.u32 v5, $0x1  }
0xcd: {  	v2 =	vld [tilespmem:s25+$0x20];
	[tilespmem:s23+$0x30] =	vst v1;
	v5 =	vor.u32 v0, v5  }
0xce: {  	s24 =	sadd.s32 $0x140, s24;
	v1 =	vld [tilespmem:s25+$0x30];
	[tilespmem:s23+$0x40] =	vst v5;
	s23 =	smov.u32 s25  }
0xcf: {  	v5 =	vld [tilespmem:s23+$0x40]  }
0xd0: {  	v3 =	vshll.u32 v3, $0x1  }
0xd1: {  	v3 =	vor.u32 v0, v3;
	v4 =	vshll.u32 v4, $0x1  }
0xd2: {  	[tilespmem:s23+$0x0] =	vst v3;
	v3 =	vor.u32 v0, v4;
	v2 =	vshll.u32 v2, $0x1  }
0xd3: {  	[tilespmem:s23+$0x10] =	vst v3;
	v2 =	vor.u32 v0, v2;
	v1 =	vshll.u32 v1, $0x1  }
0xd4: {  	[tilespmem:s23+$0x20] =	vst v2;
	v1 =	vor.u32 v0, v1;
	v2 =	vshll.u32 v5, $0x1  }
0xd5: {  	[tilespmem:s23+$0x30] =	vst v1;
	v1 =	vor.u32 v0, v2  }
0xd6: {  	[tilespmem:s23+$0x40] =	vst v1  }
0xd7: {  	s23 =	simm.s32 $0x0;
	[bflag:$0x0] =	sbarrier.arrive $0xFFFF  }
0xd8: {  	[tilespmem:s8], [sflag:$0x1] =	stream.indirect.gather [hbm4b:s1+s7], $0x40, s23, s7, $0xb8;
	[tilespmem:$0x1F540] =	vst v63  }
0xd9: {  	_ = 	snop  }
0xda: {  	[tilespmem:s9], [sflag:$0x2] =	stream.indirect.gather [hbm4b:s1+s7], $0x40, s7, s7, $0xb8;
	[tilespmem:$0x1F540] =	vst v63  }
0xdb: {  	s0 =	simm.s32 $0xA0  }
0xdc: {  	[tilespmem:s10], [sflag:$0x3] =	stream.indirect.gather [hbm4b:s1+s7], $0x40, s0, s7, $0xb8;
	[tilespmem:$0x1F540] =	vst v63  }
0xdd: {  	s30 =	simm.s32 $0xF0  }
0xde: {  	[tilespmem:s11], [sflag:$0x4] =	stream.indirect.gather [hbm4b:s1+s7], $0x40, s30, s7, $0xb8;
	[tilespmem:$0x1F540] =	vst v63  }
0xdf: {  	s31 =	simm.s32 $0x140;
	s24 =	simm.s32 $0x0  }
0xe0: {  	[tilespmem:s13], [sflag:$0x5] =	stream.indirect.gather [hbm4b:s1+s7], $0x40, s31, s7, $0xb8;
	[tilespmem:$0x1F540] =	vst v63  }
.LBB2_4:
0xe1: {  	_ =	swait.ge [sflag:s15], $0x1400  }
0xe2: {  	s25 =	sshra.s32 s24, $0x2;
	[sflag:s15] =	ssyncset.done $0x0  }
0xe3: {  	s28 =	sadd.s32 $0x4E20, s25;
	[sflag:s15] =	ssyncadd.s32 $0xFFFFEC00  }
0xe4: {  	[spmem:s14] =	stream.indirect.scatter.add.f32 [tilespmem:s8], [sflag:$0x6], $0x40, s28, s7, $0xb8;
	[tilespmem:$0x1F540] =	vst v63  }
0xe5: {  	s26 =	sand.u32 $0x1, s23;
	_ =	swait.ge [sflag:s4], $0x1400  }
0xe6: {  	p0 =	sne.s32 s26, s3;
	[sflag:s4] =	ssyncset.done $0x0  }
0xe7: {  	s26 =	simm.s32 @!p0 $0x50;
	s29 =	simm.s32 @!p0 $0x1C040;
	[sflag:s4] =	ssyncadd.s32 $0xFFFFEC00  }
0xe8: {  	[spmem:s16] =	stream.indirect.scatter.add.f32 @!p0 [tilespmem:s29], [sflag:$0x6], $0x10, s28, s26, $0xb8;
	[tilespmem:$0x1F540] =	vst v63  }
0xe9: {  	s28 =	simm.s32 @!p0 $0x6  }
0xea: {  	p1 =	seq.s32 s24, $0x13240;
	_ =	swait.ge @!p0 [sflag:s28], $0x500  }
0xeb: {  	s30 =	sshra.s32 @!p1 s24, $0x2;
	s12 =	simm.s32 @!p1 $0x50;
	[sflag:s28] =	ssyncset.done @!p0 $0x0  }
0xec: {  	s21 =	simm.s32 @!p1 $0x15C40;
	s31 =	sadd.s32 @!p1 $0x190, s30;
	[sflag:s28] =	ssyncadd.s32 @!p0 $0xFFFFFB00  }
0xed: {  	[tilespmem:s21], [sflag:$0x1] =	stream.indirect.gather @!p1 [hbm4b:s1+s12], $0x40, s31, s12, $0xb8;
	[tilespmem:$0x1F540] =	vst v63  }
0xee: {  	_ =	swait.ge [sflag:s17], $0x1400  }
0xef: {  	[sflag:s17] =	ssyncset.done $0x0  }
0xf0: {  	s22 =	sxor.u32 $0xFFFFFFFF, s23;
	s21 =	sadd.s32 $0x4E70, s25;
	[sflag:s17] =	ssyncadd.s32 $0xFFFFEC00  }
0xf1: {  	[spmem:s14] =	stream.indirect.scatter.add.f32 [tilespmem:s9], [sflag:$0x6], $0x40, s21, s7, $0xb8;
	[tilespmem:$0x1F540] =	vst v63  }
0xf2: {  	s31 =	sand.u32 $0x1, s22;
	_ =	swait.ge [sflag:s4], $0x1400  }
0xf3: {  	p2 =	sne.s32 s31, s3;
	[sflag:s4] =	ssyncset.done $0x0  }
0xf4: {  	s31 =	simm.s32 @!p2 $0x50;
	s0 =	simm.s32 @!p2 $0x1C040;
	[sflag:s4] =	ssyncadd.s32 $0xFFFFEC00  }
0xf5: {  	[spmem:s16] =	stream.indirect.scatter.add.f32 @!p2 [tilespmem:s0], [sflag:$0x6], $0x10, s21, s31, $0xb8;
	[tilespmem:$0x1F540] =	vst v63  }
0xf6: {  	s0 =	simm.s32 @!p2 $0x6  }
0xf7: {  	_ =	swait.ge @!p2 [sflag:s0], $0x500  }
0xf8: {  	[sflag:s0] =	ssyncset.done @!p2 $0x0  }
0xf9: {  	s21 =	simm.s32 @!p1 $0x17040;
	[sflag:s0] =	ssyncadd.s32 @!p2 $0xFFFFFB00;
	s0 =	sadd.s32 @!p1 $0x1E0, s30  }
0xfa: {  	[tilespmem:s21], [sflag:$0x2] =	stream.indirect.gather @!p1 [hbm4b:s1+s12], $0x40, s0, s12, $0xb8;
	[tilespmem:$0x1F540] =	vst v63  }
0xfb: {  	_ =	swait.ge [sflag:s18], $0x1400  }
0xfc: {  	[sflag:s18] =	ssyncset.done $0x0  }
0xfd: {  	s0 =	sadd.s32 $0x4EC0, s25;
	[sflag:s18] =	ssyncadd.s32 $0xFFFFEC00  }
0xfe: {  	[spmem:s14] =	stream.indirect.scatter.add.f32 [tilespmem:s10], [sflag:$0x6], $0x40, s0, s7, $0xb8;
	[tilespmem:$0x1F540] =	vst v63  }
0xff: {  	_ =	swait.ge [sflag:s4], $0x1400  }
0x100: {  	[sflag:s4] =	ssyncset.done $0x0  }
0x101: {  	[sflag:s4] =	ssyncadd.s32 $0xFFFFEC00  }
0x102: {  	[spmem:s16] =	stream.indirect.scatter.add.f32 @!p0 [tilespmem:s29], [sflag:$0x6], $0x10, s0, s26, $0xb8;
	[tilespmem:$0x1F540] =	vst v63  }
0x103: {  	_ =	swait.ge @!p0 [sflag:s28], $0x500  }
0x104: {  	[sflag:s28] =	ssyncset.done @!p0 $0x0  }
0x105: {  	s21 =	simm.s32 @!p1 $0x18440;
	s0 =	sadd.s32 @!p1 $0x230, s30;
	[sflag:s28] =	ssyncadd.s32 @!p0 $0xFFFFFB00  }
0x106: {  	[tilespmem:s21], [sflag:$0x3] =	stream.indirect.gather @!p1 [hbm4b:s1+s12], $0x40, s0, s12, $0xb8;
	[tilespmem:$0x1F540] =	vst v63  }
0x107: {  	_ =	swait.ge [sflag:s19], $0x1400  }
0x108: {  	[sflag:s19] =	ssyncset.done $0x0  }
0x109: {  	s31 =	sadd.s32 $0xFFFFFFFF, s23;
	s21 =	sadd.s32 $0x4F10, s25;
	[sflag:s19] =	ssyncadd.s32 $0xFFFFEC00  }
0x10a: {  	[spmem:s14] =	stream.indirect.scatter.add.f32 [tilespmem:s11], [sflag:$0x6], $0x40, s21, s7, $0xb8;
	[tilespmem:$0x1F540] =	vst v63  }
0x10b: {  	s0 =	sand.u32 $0x1, s31;
	_ =	swait.ge [sflag:s4], $0x1400  }
0x10c: {  	p2 =	sne.s32 s0, s3;
	[sflag:s4] =	ssyncset.done $0x0  }
0x10d: {  	s0 =	simm.s32 @!p2 $0x50;
	s31 =	simm.s32 @!p2 $0x1C040;
	[sflag:s4] =	ssyncadd.s32 $0xFFFFEC00  }
0x10e: {  	[spmem:s16] =	stream.indirect.scatter.add.f32 @!p2 [tilespmem:s31], [sflag:$0x6], $0x10, s21, s0, $0xb8;
	[tilespmem:$0x1F540] =	vst v63  }
0x10f: {  	s0 =	simm.s32 @!p2 $0x6  }
0x110: {  	_ =	swait.ge @!p2 [sflag:s0], $0x500  }
0x111: {  	[sflag:s0] =	ssyncset.done @!p2 $0x0  }
0x112: {  	s21 =	simm.s32 @!p1 $0x19840;
	[sflag:s0] =	ssyncadd.s32 @!p2 $0xFFFFFB00;
	s0 =	sadd.s32 @!p1 $0x280, s30  }
0x113: {  	[tilespmem:s21], [sflag:$0x4] =	stream.indirect.gather @!p1 [hbm4b:s1+s12], $0x40, s0, s12, $0xb8;
	[tilespmem:$0x1F540] =	vst v63  }
0x114: {  	_ =	swait.ge [sflag:s20], $0x1400  }
0x115: {  	[sflag:s20] =	ssyncset.done $0x0  }
0x116: {  	s0 =	sadd.s32 $0x4F60, s25;
	[sflag:s20] =	ssyncadd.s32 $0xFFFFEC00  }
0x117: {  	[spmem:s14] =	stream.indirect.scatter.add.f32 [tilespmem:s13], [sflag:$0x6], $0x40, s0, s7, $0xb8;
	[tilespmem:$0x1F540] =	vst v63  }
0x118: {  	_ =	swait.ge [sflag:s4], $0x1400  }
0x119: {  	[sflag:s4] =	ssyncset.done $0x0  }
.Ltmp3:
0x11a: {  	[sflag:s4] =	ssyncadd.s32 $0xFFFFEC00;
	(pc) =	sbr.rel @p1 .LBB2_6-.Ltmp3, $4  }
0x11b: {  	[spmem:s16] =	stream.indirect.scatter.add.f32 @!p0 [tilespmem:s29], [sflag:$0x6], $0x10, s0, s26, $0xb8;
	[tilespmem:$0x1F540] =	vst v63  }
0x11c: {  	_ =	swait.ge @!p0 [sflag:s28], $0x500  }
0x11d: {  	[sflag:s28] =	ssyncset.done @!p0 $0x0  }
0x11e: {  	[sflag:s28] =	ssyncadd.s32 @!p0 $0xFFFFFB00  }
.Ltmp4:
0x11f: {  	(pc) =	sbr.rel .LBB2_4-.Ltmp4, $3  }
0x120: {  	_ =	sdelay $0x1  }
0x121: {  	s0 =	sadd.s32 $0x2D0, s25;
	s24 =	sadd.s32 $0x640, s24;
	s23 =	sadd.s32 $0x5, s23  }
0x122: {  	[tilespmem:s13], [sflag:$0x5] =	stream.indirect.gather [hbm4b:s1+s7], $0x40, s0, s7, $0xb8;
	[tilespmem:$0x1F540] =	vst v63  }
.LBB2_7:
0x123: {  	_ =	sfence.sel $0x180000  }
0x124: {  	[bflag:$0x0] =	sbarrier.arrive $0xFFFF  }
0x125: {  	_ =	strace $0x90000047  }
0x126: {  	s0 =	stileid.u32;
	[bflag:$0x2] =	sbarrier.arrive $0xFFFF  }
0x127: {  	p0 =	sne.s32 s0, $0x0;
	s0 =	rddreg [dreg:$0x5]  }
0x128: {  	s0 =	sadd.s32 @!p0 $0x100000, s0  }
0x129: {  	[sflag:s0] =	ssyncadd.tile.s32 @!p0 $0x1;
	_ =	shalt  }
.Lfunc_end2:
_tile_overlayer_lowered:
.L_overlay_start_2:
0x12a: {  	(tag) =	ssettag $0x2  }
0x12b: {  	s0 =	rddreg [dreg:$0x0];
	s2 =	stileid.u32  }
0x12c: {  	s1 =	rddreg [dreg:$0x1];
	p0 =	sne.s32 s2, $0x0  }
0x12d: {  	s3 =	rddreg [dreg:$0x2];
	[bflag:$0x3] =	sbarrier.arrive $0xFFFF;
	s2 =	simm.s32 @!p0 $0x1C06  }
0x12e: {  	[timem:s3], [sflag:s2] =	dma.local @!p0 [hbm:s0], s1  }
0x12f: {  	s0 =	simm.s32 @!p0 $0x6  }
0x130: {  	_ =	swait.ge @!p0 [sflag:s0], s1  }
0x131: {  	s1 =	ssub.s32 @!p0 $0x0, s1;
	[sflag:s0] =	ssyncset.done @!p0 $0x0  }
0x132: {  	[sflag:s0] =	ssyncadd.s32 @!p0 s1  }
0x133: {  	[bflag:$0x3] =	sbarrier.arrive $0xFFFF  }
0x134: {  	_ =	shalt  }

// kernel: kernel.9.cloned.1.call-start
scs
__scs_entry_jumppad:
0x0: {  	(pc) =	sbr.rel $0x88, $3  }
0x1: {  	(tag) =	ssettag $0x0;
	lr =	simm.s32 $0x1  }
0x2: {  	[smem:$0x3F99] =	sst lr;
	_ =	strace $0xD0000000  }
0x3: {  	_ = 	snop  }
0x4: {  	_ = 	snop  }
0x5: {  	_ = 	snop  }
0x6: {  	_ = 	snop  }
0x7: {  	_ = 	snop  }
__scs_overlays_trampoline_lowered:
0x8: {  	[smem:$0x3FA8] =	sst s0  }
0x9: {  	[smem:$0x3FA9] =	sst s1  }
0xa: {  	[smem:$0x3FAA] =	sst s2  }
0xb: {  	[smem:$0x3FAB] =	sst s3  }
0xc: {  	[smem:$0x3FAC] =	sst s4  }
0xd: {  	[smem:$0x3FAD] =	sst s5  }
0xe: {  	[smem:$0x3FAE] =	sst s6  }
0xf: {  	[smem:$0x3FAF] =	sst s7  }
0x10: {  	[smem:$0x3FB0] =	sst s8  }
0x11: {  	[smem:$0x3FB1] =	sst s9;
	s0 =	simm.s32 @!p0 $0x0  }
0x12: {  	s1 =	sld [smem:$0x3F97];
	s0 =	simm.s32 @p0 $0x1  }
0x13: {  	[smem:$0x3FB2] =	sst s0;
	s0 =	simm.s32 @!p1 $0x0  }
0x14: {  	s2 =	sld [smem:$0x3F96];
	s0 =	simm.s32 @p1 $0x1  }
0x15: {  	[smem:$0x3FB3] =	sst s0;
	s0 =	simm.s32 @!p2 $0x0  }
0x16: {  	s3 =	sld [smem:$0x3FDB];
	s0 =	simm.s32 @p2 $0x1  }
0x17: {  	s4 =	simm.s32 $0x1BF5;
	[smem:$0x3FB5] =	sst s0  }
0x18: {  	s0 =	sld [smem:$0x3F98];
	_ =	swait.ge [sflag:s4], $0x0  }
0x19: {  	s7 =	sld [smem:$0x3F99]  }
0x1a: {  	s8 =	sadd.s32 $0xFFFFE003, lr  }
0x1b: {  	s9 =	sadd.s32 $0xFFFFFEF7, lr;
	s5 =	simm.s32 $0xFFFFFFFF;
	p2 =	slt.u32 s8, $0xFFFFF086  }
0x1c: {  	p1 =	slt.u32 s9, $0xF7A;
	s5 =	simm.s32 @!p2 $0x0  }
0x1d: {  	s5 =	simm.s32 @p1 $0x1;
	p0 =	seq.s32 s7, s2  }
0x1e: {  	s7 =	smul.u32 @!p0 $0xF7A, s2;
	p2 =	seq.s32 @!p0 s5, $0x0  }
0x1f: {  	s9 =	smul.u32 $0xF7A, s1;
	s8 =	simm.s32 @!p0 $0x1BF5;
	p2 =	por !p2, p0  }
0x20: {  	[sflag:s8] =	ssyncset.s32 @!p0 $0xFFFFF086;
	s6 =	sadd.s32 @!p0 s3, s7;
	s7 =	simm.s32 @!p0 $0x108  }
0x21: {  	s3 =	sadd.s32 s3, s9;
	s6 =	sadd.s32 @!p0 $0x88, s6;
	s7 =	simm.s32 @p2 $0x1082  }
0x22: {  	[simem:s7], [sflag:s8] =	dma.local @!p0 [hbm:s6], $0xF7A  }
0x23: {  	s9 =	sor.u32 $0xD0000000, s2;
	s6 =	simm.s32 $0x108;
	_ =	swait.ge @!p0 [sflag:s8], $0x0  }
0x24: {  	s3 =	sadd.s32 $0x88, s3;
	s6 =	simm.s32 @!p1 $0x1082;
	[sflag:s4] =	ssyncset.s32 $0xFFFFF086  }
0x25: {  	[simem:s6], [sflag:s4] =	dma.local [hbm:s3], $0xF7A  }
0x26: {  	[smem:$0x3F99] =	sst s1;
	(tag) =	ssettag s2;
	_ =	strace s9  }
0x27: {  	s1 =	sld [smem:$0x3FA9]  }
0x28: {  	s2 =	sld [smem:$0x3FAA]  }
0x29: {  	s4 =	sld [smem:$0x3FAC]  }
0x2a: {  	p0 =	seq.s32 s5, $0x0;
	s5 =	sld [smem:$0x3FAD]  }
0x2b: {  	s6 =	sld [smem:$0x3FAE]  }
0x2c: {  	s7 =	sld [smem:$0x3FAF]  }
0x2d: {  	s3 =	simm.s32 $0x108;
	s8 =	sld [smem:$0x3FB0]  }
0x2e: {  	s3 =	simm.s32 @!p0 $0x1082;
	s9 =	sld [smem:$0x3FB1]  }
0x2f: {  	lr =	sadd.s32 s0, s3;
	s0 =	sld [smem:$0x3FA8]  }
0x30: {  	s3 =	sld [smem:$0x3FAB]  }
0x31: {  	[smem:$0x3FB4] =	sst s10  }
0x32: {  	s10 =	sld [smem:$0x3FB2];
	_ =	sdelay $0x3  }
0x33: {  	p0 =	seq.s32 s10, $0x1;
	s10 =	sld [smem:$0x3FB4];
	_ =	sdelay $0x3  }
0x34: {  	[smem:$0x3FB4] =	sst s10  }
0x35: {  	s10 =	sld [smem:$0x3FB3];
	_ =	sdelay $0x3  }
0x36: {  	p1 =	seq.s32 s10, $0x1;
	s10 =	sld [smem:$0x3FB4];
	_ =	sdelay $0x3  }
0x37: {  	[smem:$0x3FB4] =	sst s10  }
0x38: {  	s10 =	sld [smem:$0x3FB5]  }
0x39: {  	_ = 	snop;
	(pc) =	sbr.ind lr, $3  }
0x3a: {  	_ = 	snop  }
0x3b: {  	_ = 	snop  }
0x3c: {  	p2 =	seq.s32 s10, $0x1;
	s10 =	sld [smem:$0x3FB4]  }
0x3d: {  	_ =	shalt  }
0x3e: {  	_ =	shalt  }
0x3f: {  	_ =	shalt  }
0x40: {  	_ =	shalt  }
0x41: {  	_ =	shalt  }
0x42: {  	_ =	shalt  }
0x43: {  	_ =	shalt  }
0x44: {  	_ =	shalt  }
0x45: {  	_ =	shalt  }
0x46: {  	_ =	shalt  }
0x47: {  	_ =	shalt  }
0x48: {  	_ =	shalt  }
0x49: {  	_ =	shalt  }
0x4a: {  	_ =	shalt  }
0x4b: {  	_ =	shalt  }
0x4c: {  	_ =	shalt  }
0x4d: {  	_ =	shalt  }
0x4e: {  	_ =	shalt  }
0x4f: {  	_ =	shalt  }
0x50: {  	_ =	shalt  }
0x51: {  	_ =	shalt  }
0x52: {  	_ =	shalt  }
0x53: {  	_ =	shalt  }
0x54: {  	_ =	shalt  }
0x55: {  	_ =	shalt  }
0x56: {  	_ =	shalt  }
0x57: {  	_ =	shalt  }
0x58: {  	_ =	shalt  }
0x59: {  	_ =	shalt  }
0x5a: {  	_ =	shalt  }
0x5b: {  	_ =	shalt  }
0x5c: {  	_ =	shalt  }
0x5d: {  	_ =	shalt  }
0x5e: {  	_ =	shalt  }
0x5f: {  	_ =	shalt  }
0x60: {  	_ =	shalt  }
0x61: {  	_ =	shalt  }
0x62: {  	_ =	shalt  }
0x63: {  	_ =	shalt  }
0x64: {  	_ =	shalt  }
0x65: {  	_ =	shalt  }
0x66: {  	_ =	shalt  }
0x67: {  	_ =	shalt  }
0x68: {  	_ =	shalt  }
0x69: {  	_ =	shalt  }
0x6a: {  	_ =	shalt  }
0x6b: {  	_ =	shalt  }
0x6c: {  	_ =	shalt  }
0x6d: {  	_ =	shalt  }
0x6e: {  	_ =	shalt  }
0x6f: {  	_ =	shalt  }
0x70: {  	_ =	shalt  }
0x71: {  	_ =	shalt  }
0x72: {  	_ =	shalt  }
0x73: {  	_ =	shalt  }
0x74: {  	_ =	shalt  }
0x75: {  	_ =	shalt  }
0x76: {  	_ =	shalt  }
0x77: {  	_ =	shalt  }
0x78: {  	_ =	shalt  }
0x79: {  	_ =	shalt  }
0x7a: {  	_ =	shalt  }
0x7b: {  	_ =	shalt  }
0x7c: {  	_ =	shalt  }
0x7d: {  	_ =	shalt  }
0x7e: {  	_ =	shalt  }
0x7f: {  	_ =	shalt  }
0x80: {  	_ =	shalt  }
0x81: {  	_ =	shalt  }
0x82: {  	_ =	shalt  }
0x83: {  	_ =	shalt  }
0x84: {  	_ =	shalt  }
0x85: {  	_ =	shalt  }
0x86: {  	_ =	shalt  }
0x87: {  	_ =	shalt  }
.Lfunc_end0:
.L_simem_size_0:
called_computation.1_lowered:
.L_overlay_start_0:
0x88: {  	s2 =	sld [smem:$0x3FD9]  }
0x89: {  	s3 =	sld [smem:$0x3FFE];
	_ =	sdelay $0x1  }
0x8a: {  	s1 =	srdreg.scid  }
0x8b: {  	s0 =	sand.u32 $0x1, s1  }
0x8c: {  	s17 =	sshll.u32 s0, $0xA;
	s2 =	sadd.s32 s3, s2  }
0x8d: {  	s2 =	sadd.s32 s2, s17  }
0x8e: {  	[smem:$0x3FC0] =	sst s2  }
0x8f: {  	_ = 	snop  }
0x90: {  	s2 =	sld [smem:$0x3FD0];
	(tm) =	ssettm $0x1  }
0x91: {  	s18 =	sld [smem:$0x3FFB];
	_ =	sdelay $0x3  }
0x92: {  	_ =	strace s18  }
0x93: {  	s3 =	sld [smem:$0x3FFC];
	_ =	sdelay $0x3  }
0x94: {  	_ =	strace s3  }
0x95: {  	s3 =	sld [smem:$0x3FFD];
	_ =	sdelay $0x3  }
0x96: {  	_ =	strace s3  }
0x97: {  	_ =	strace $0x8FFFFFFF  }
0x98: {  	s19 =	sld [smem:$0x3FDB];
	_ =	sdelay $0x1  }
0x99: {  	s4 =	simm.s32 $_scs_section_size  }
0x9a: {  	s5 =	simm.s32 $_size__tile_overlayer_lowered;
	s6 =	simm.s32 $_tile_overlayer_lowered  }
0x9b: {  	s22 =	simm.s32 $0x1BFF;
	s21 =	sshll.u32 s6, $0x1;
	s3 =	sadd.s32 s4, s19  }
0x9c: {  	s7 =	simm.s32 $0x0;
	s20 =	sshll.u32 s5, $0x1;
	s5 =	sadd.s32 s21, s3  }
0x9d: {  	[timem:s7], [sflag:s22] =	dma.local [hbm:s5], s20  }
0x9e: {  	_ =	swait.ge [sflag:s22], s20  }
0x9f: {  	s4 =	ssub.s32 $0x0, s20;
	[sflag:s22] =	ssyncset.done $0x0  }
0xa0: {  	[sflag:s22] =	ssyncadd.s32 s4;
	_ =	sdelay $0x1  }
0xa1: {  	s23 =	simm.s32 $0x1B8B  }
0xa2: {  	_ =	swait.ge [sflag:s23], $0x1  }
0xa3: {  	[sflag:s23] =	ssyncset.done $0x0  }
0xa4: {  	s25 =	simm.s32 $0x1B8E;
	s24 =	sld [smem:$0x3FFE];
	[sflag:s23] =	ssyncadd.s32 $0xFFFFFFFF  }
0xa5: {  	s26 =	simm.s32 $execute0_lowered;
	[smem:$0x3FD2] =	sst s25  }
0xa6: {  	s5 =	sshll.u32 s26, $0x1;
	_ =	strace $0x80000049;
	[dreg:$0x1] =	wrdreg $0xFFFFFFFF  }
0xa7: {  	s28 =	simm.s32 $_size_execute0_lowered;
	s3 =	sadd.s32 s3, s5;
	[dreg:$0x0] =	wrdreg $0x0  }
0xa8: {  	s5 =	sshll.u32 s28, $0x1;
	[dreg:$0x2] =	wrdreg s3  }
0xa9: {  	[dreg:$0x3] =	wrdreg s5  }
0xaa: {  	[dreg:$0x4] =	wrdreg $0xC0  }
0xab: {  	_ =	task [dreg:s7], $0x5FFFF  }
0xac: {  	[dreg:$0x1] =	wrdreg $0xFFFFFFFF  }
0xad: {  	[dreg:$0x0] =	wrdreg $0x60  }
0xae: {  	[dreg:$0x2] =	wrdreg s2  }
0xaf: {  	[dreg:$0x3] =	wrdreg s24  }
0xb0: {  	[dreg:$0x4] =	wrdreg $0xBC400  }
0xb1: {  	[dreg:$0x5] =	wrdreg $0x9  }
0xb2: {  	_ =	task.clear_ibuf [dreg:s7], $0x6FFFF;
	_ =	strace $0x90000049  }
0xb3: {  	s29 =	simm.s32 $0x9;
	_ =	strace $0x8000004B  }
0xb4: {  	_ =	swait.ge [sflag:s29], $0x1  }
0xb5: {  	[sflag:s29] =	ssyncadd.s32 $0xFFFFFFFF  }
0xb6: {  	_ =	strace $0x9000004B  }
0xb7: {  	_ =	sfence  }
0xb8: {  	s30 =	sld [smem:$0x0];
	_ =	sdelay $0x2  }
0xb9: {  	s31 =	sshll.u32 s1, $0xD;
	s1 =	sshrl.u32 s1, $0x2  }
0xba: {  	s3 =	sand.u32 $0x4000, s31;
	s1 =	sadd.s32 s1, s30  }
0xbb: {  	s0 =	sor.u32 s3, s0;
	s1 =	sshll.u32 s1, $0x11  }
0xbc: {  	s0 =	sor.u32 s1, s0  }
0xbd: {  	s0 =	sadd.s32 $0x8F2B, s0  }
0xbe: {  	[sflag:s0] =	ssyncadd.remote.s32 $0x1  }
0xbf: {  	_ =	sfence.sel $0xFFFF  }
0xc0: {  	[dreg:$0x0] =	wrdreg $0xFFFFFFFF;
	(pc) =	sbr.abs _section_cstart, $3  }
0xc1: {  	[dreg:$0x1] =	wrdreg $0xFFFFFFFF  }
0xc2: {  	_ =	task.clear_ibuf [dreg:s7], $0x2FFFF;
	_ =	strace $0x9FFFFFFF  }
0xc3: {  	(tm) =	ssettm $0x7FFFFFFF  }
tec
execute0_lowered:
.L_overlay_start_1:
0x0: {  	(tag) =	ssettag $0x1  }
0x1: {  	s2 =	rddreg [dreg:$0x0]  }
0x2: {  	s0 =	rddreg [dreg:$0x1]  }
0x3: {  	s3 =	rddreg [dreg:$0x2];
	s4 =	stileid.u32  }
0x4: {  	s5 =	simm.s32 $0x0;
	s13 =	srdreg.scid;
	s31 =	simm.s32 $0x1AC40  }
0x5: {  	s29 =	simm.s32 $0x1E840;
	s30 =	simm.s32 $0x1;
	s1 =	smul.u32 $0x9C4, s4  }
0x6: {  	s28 =	simm.s32 $0x7;
	[smem:$0x7FF] =	sst s5;
	s8 =	smul.u32 $0x28000, s4  }
0x7: {  	s6 =	sand.u32 $0x1, s13;
	s14 =	sadd.s32 $0x17200, s0;
	s11 =	smul.u32 $0x280, s4  }
0x8: {  	s12 =	sadd.s32 $0x17600, s0;
	s21 =	smul.u32 $0x14000, s4;
	_ =	strace $0x8000004A  }
0x9: {  	[dreg:$0x4] =	wrdreg s14;
	s15 =	ssub.s32 $0x2, s6;
	s7 =	sadd.s32 s1, s0  }
0xa: {  	s9 =	sshrl.u32 s15, $0x1;
	s16 =	sshrl.u32 s8, $0x2;
	s0 =	sadd.s32 $0xD040, s0  }
0xb: {  	s13 =	sadd.s32 $0x80, s11;
	s14 =	sadd.s32 $0x100, s11;
	s5 =	ssub.s32 s15, s9  }
0xc: {  	s7 =	sadd.s32 $0x3400, s7;
	s17 =	sshll.u32 s13, $0x6;
	s15 =	sadd.s32 $0x180, s11  }
0xd: {  	s18 =	sshll.u32 s14, $0x6;
	s22 =	sshll.u32 s13, $0x7;
	s14 =	sshll.u32 s14, $0x7  }
0xe: {  	s0 =	sadd.s32 s1, s0;
	s1 =	simm.s32 $0x3;
	[dreg:$0x5] =	wrdreg s7  }
0xf: {  	s7 =	sadd.s32 s16, s3;
	s16 =	sadd.s32 s17, s3;
	s10 =	sshll.u32 s15, $0x6  }
0x10: {  	s19 =	sadd.s32 s18, s3;
	s17 =	sadd.s32 $0x200, s11;
	s18 =	sshll.u32 s6, $0x6  }
0x11: {  	v0 =	vmov s6;
	[dreg:$0x10] =	wrdreg s0;
	s0 =	simm.s32 $0x2;
	s6 =	simm.s32 $0x40  }
0x12: {  	s8 =	smov.u32 s7;
	s9 =	smov.u32 s16;
	s20 =	sadd.s32 s10, s3  }
0x13: {  	s10 =	smov.u32 s19;
	s23 =	sshll.u32 s17, $0x6;
	s16 =	sor.u32 s18, s21  }
0x14: {  	s19 =	sor.u32 s18, s22;
	s24 =	sadd.s32 s23, s3;
	s25 =	sshrl.u32 s16, $0x3  }
0x15: {  	s26 =	sshrl.u32 s19, $0x3;
	s16 =	sshll.u32 s15, $0x7;
	[dreg:$0x6] =	wrdreg s9  }
0x16: {  	s19 =	sshll.u32 s17, $0x7;
	[dreg:$0x7] =	wrdreg s10;
	s11 =	sadd.s32 s12, s25  }
0x17: {  	s13 =	sadd.s32 s12, s26;
	s15 =	sor.u32 s18, s19;
	[dreg:$0xa] =	wrdreg s11  }
0x18: {  	s26 =	smax.u32 s5, $0x1;
	s5 =	simm.s32 $0x8;
	[dreg:$0xb] =	wrdreg s13  }
0x19: {  	s13 =	sor.u32 s18, s14;
	s14 =	sor.u32 s18, s16;
	s23 =	sshrl.u32 s15, $0x3  }
0x1a: {  	s15 =	smov.u32 s24;
	[dreg:$0xf] =	wrdreg s26;
	s18 =	simm.s32 $0x9  }
0x1b: {  	s26 =	simm.s32 $0x18440;
	s13 =	sshrl.u32 s13, $0x3;
	s22 =	sshrl.u32 s14, $0x3  }
0x1c: {  	s25 =	sadd.s32 s12, s23;
	s14 =	smov.u32 s20;
	s23 =	simm.s32 $0x15C40  }
.Ltmp0:
0x1d: {  	s20 =	simm.s32 $0x5;
	[dreg:$0x9] =	wrdreg s15;
	(pc) =	sbr.rel .LBB2_1-.Ltmp0, $4  }
0x1e: {  	s21 =	sadd.s32 s12, s13;
	s24 =	sadd.s32 s12, s22;
	[dreg:$0xe] =	wrdreg s25  }
0x1f: {  	s22 =	simm.s32 $0x50;
	s25 =	simm.s32 $0x1D440;
	[dreg:$0x8] =	wrdreg s14  }
0x20: {  	s12 =	simm.s32 $0x80;
	s13 =	simm.s32 $0x0;
	[dreg:$0xc] =	wrdreg s21  }
0x21: {  	[dreg:$0xd] =	wrdreg s24;
	s21 =	simm.s32 $0x9C40;
	s24 =	simm.s32 $0x17040  }
.LBB2_6:
0x22: {  	_ =	swait.ge [sflag:s5], $0x1400  }
0x23: {  	[sflag:s5] =	ssyncset.done $0x0  }
0x24: {  	[sflag:s5] =	ssyncadd.s32 $0xFFFFEC00  }
0x25: {  	[spmem:s3] =	stream.indirect.scatter.add.f32 [tilespmem:s29], [sflag:$0x9], $0x40, s16, s22, $0xb8;
	[tilespmem:$0x1FC40] =	vst v63  }
0x26: {  	_ =	swait.ge [sflag:s18], $0x1400  }
0x27: {  	[sflag:s18] =	ssyncset.done $0x0  }
0x28: {  	[sflag:s18] =	ssyncadd.s32 $0xFFFFEC00  }
0x29: {  	_ =	swait.ge [sflag:s30], $0x1400  }
0x2a: {  	[sflag:s30] =	ssyncset.done $0x0  }
0x2b: {  	s4 =	simm.s32 $0x9BA0;
	[sflag:s30] =	ssyncadd.s32 $0xFFFFEC00  }
0x2c: {  	[spmem:s3] =	stream.indirect.scatter.add.f32 [tilespmem:s23], [sflag:$0x9], $0x40, s4, s22, $0xb8;
	[tilespmem:$0x1FC40] =	vst v63  }
0x2d: {  	_ =	swait.ge [sflag:s18], $0x1400  }
0x2e: {  	[sflag:s18] =	ssyncset.done $0x0  }
0x2f: {  	[sflag:s18] =	ssyncadd.s32 $0xFFFFEC00  }
0x30: {  	_ =	swait.ge [sflag:s0], $0x1400  }
0x31: {  	[sflag:s0] =	ssyncset.done $0x0  }
0x32: {  	s10 =	simm.s32 $0x9BF0;
	[sflag:s0] =	ssyncadd.s32 $0xFFFFEC00  }
0x33: {  	[spmem:s3] =	stream.indirect.scatter.add.f32 [tilespmem:s24], [sflag:$0x9], $0x40, s10, s22, $0xb8;
	[tilespmem:$0x1FC40] =	vst v63  }
0x34: {  	_ =	swait.ge [sflag:s18], $0x1400  }
0x35: {  	[sflag:s18] =	ssyncset.done $0x0  }
0x36: {  	[sflag:s18] =	ssyncadd.s32 $0xFFFFEC00  }
0x37: {  	[bflag:$0x0] =	sbarrier.arrive $0xFFFF  }
0x38: {  	[tilespmem:s21], [sflag:$0x9] =	stream.linear.gather [spmem:s11], $0x2000, $0x38;
	[tilespmem:$0x1FC40] =	vst v63  }
0x39: {  	_ =	swait.ge [sflag:s18], $0x2000  }
0x3a: {  	[sflag:s18] =	ssyncset.done $0x0  }
0x3b: {  	s8 =	smov.u32 s11;
	s11 =	rddreg [dreg:$0xa];
	[sflag:s18] =	ssyncadd.s32 $0xFFFFE000  }
0x3c: {  	[hbm4b:s11+s6] =	stream.strided.scatter [tilespmem:s21], [sflag:$0x9], $0x2000, s12, s6, $0x38;
	[tilespmem:$0x1FC40] =	vst v63  }
0x3d: {  	_ =	swait.ge [sflag:s18], $0x2000  }
0x3e: {  	[sflag:s18] =	ssyncset.done $0x0  }
0x3f: {  	s9 =	rddreg [dreg:$0x6];
	[sflag:s18] =	ssyncadd.s32 $0xFFFFE000  }
0x40: {  	[tilespmem:s21], [sflag:$0x9] =	stream.linear.gather [spmem:s9], $0x2000, $0x38;
	[tilespmem:$0x1FC40] =	vst v63  }
0x41: {  	_ =	swait.ge [sflag:s18], $0x2000  }
0x42: {  	[sflag:s18] =	ssyncset.done $0x0  }
0x43: {  	s14 =	rddreg [dreg:$0xb];
	[sflag:s18] =	ssyncadd.s32 $0xFFFFE000  }
0x44: {  	[hbm4b:s14+s6] =	stream.strided.scatter [tilespmem:s21], [sflag:$0x9], $0x2000, s12, s6, $0x38;
	[tilespmem:$0x1FC40] =	vst v63  }
0x45: {  	_ =	swait.ge [sflag:s18], $0x2000  }
0x46: {  	[sflag:s18] =	ssyncset.done $0x0  }
0x47: {  	s10 =	rddreg [dreg:$0x7];
	[sflag:s18] =	ssyncadd.s32 $0xFFFFE000  }
0x48: {  	[tilespmem:s21], [sflag:$0x9] =	stream.linear.gather [spmem:s10], $0x2000, $0x38;
	[tilespmem:$0x1FC40] =	vst v63  }
0x49: {  	_ =	swait.ge [sflag:s18], $0x2000  }
0x4a: {  	[sflag:s18] =	ssyncset.done $0x0  }
0x4b: {  	s15 =	rddreg [dreg:$0xc];
	[sflag:s18] =	ssyncadd.s32 $0xFFFFE000  }
0x4c: {  	[hbm4b:s15+s6] =	stream.strided.scatter [tilespmem:s21], [sflag:$0x9], $0x2000, s12, s6, $0x38;
	[tilespmem:$0x1FC40] =	vst v63  }
0x4d: {  	_ =	swait.ge [sflag:s18], $0x2000  }
0x4e: {  	[sflag:s18] =	ssyncset.done $0x0  }
0x4f: {  	s14 =	rddreg [dreg:$0x8];
	[sflag:s18] =	ssyncadd.s32 $0xFFFFE000  }
0x50: {  	[tilespmem:s21], [sflag:$0x9] =	stream.linear.gather [spmem:s14], $0x2000, $0x38;
	[tilespmem:$0x1FC40] =	vst v63  }
0x51: {  	_ =	swait.ge [sflag:s18], $0x2000  }
0x52: {  	[sflag:s18] =	ssyncset.done $0x0  }
0x53: {  	s16 =	rddreg [dreg:$0xd];
	[sflag:s18] =	ssyncadd.s32 $0xFFFFE000  }
0x54: {  	[hbm4b:s16+s6] =	stream.strided.scatter [tilespmem:s21], [sflag:$0x9], $0x2000, s12, s6, $0x38;
	[tilespmem:$0x1FC40] =	vst v63  }
0x55: {  	_ =	swait.ge [sflag:s18], $0x2000  }
0x56: {  	[sflag:s18] =	ssyncset.done $0x0  }
0x57: {  	s15 =	rddreg [dreg:$0x9];
	[sflag:s18] =	ssyncadd.s32 $0xFFFFE000  }
0x58: {  	[tilespmem:s21], [sflag:$0x9] =	stream.linear.gather [spmem:s15], $0x2000, $0x38;
	[tilespmem:$0x1FC40] =	vst v63  }
0x59: {  	_ =	swait.ge [sflag:s18], $0x2000  }
0x5a: {  	[sflag:s18] =	ssyncset.done $0x0  }
0x5b: {  	s17 =	rddreg [dreg:$0xe];
	[sflag:s18] =	ssyncadd.s32 $0xFFFFE000  }
0x5c: {  	[hbm4b:s17+s6] =	stream.strided.scatter [tilespmem:s21], [sflag:$0x9], $0x2000, s12, s6, $0x38;
	[tilespmem:$0x1FC40] =	vst v63  }
0x5d: {  	_ =	swait.ge [sflag:s18], $0x2000  }
0x5e: {  	s13 =	sadd.s32 $0x1, s13;
	s19 =	rddreg [dreg:$0xf]  }
0x5f: {  	p0 =	sne.s32 s13, s19  }
.Ltmp1:
0x60: {  	_ = 	snop;
	(pc) =	sbr.rel @!p0 .LBB2_7-.Ltmp1, $3  }
0x61: {  	_ =	sdelay $0x1  }
0x62: {  	[sflag:s18] =	ssyncset.done $0x0  }
0x63: {  	[sflag:s18] =	ssyncadd.s32 $0xFFFFE000  }
.LBB2_1:
0x64: {  	s4 =	simm.s32 $0x0;
	s7 =	rddreg [dreg:$0x5]  }
0x65: {  	[tilespmem:s4], [sflag:$0x9] =	stream.linear.gather [hbm4b:s7+s4], $0x4E20, $0x38;
	[tilespmem:$0x1FC40] =	vst v63  }
0x66: {  	_ =	swait.ge [sflag:s18], $0x4E20  }
0x67: {  	[sflag:s18] =	ssyncset.done $0x0  }
0x68: {  	s11 =	simm.s32 $0x4E20;
	s17 =	rddreg [dreg:$0x10];
	[sflag:s18] =	ssyncadd.s32 $0xFFFFB1E0  }
0x69: {  	[tilespmem:s11], [sflag:$0x9] =	stream.linear.gather [hbm4b:s17+s4], $0x4E20, $0x38;
	[tilespmem:$0x1FC40] =	vst v63  }
0x6a: {  	_ =	swait.ge [sflag:s18], $0x4E20  }
0x6b: {  	[sflag:s18] =	ssyncset.done $0x0  }
0x6c: {  	s19 =	rddreg [dreg:$0x4];
	[sflag:s18] =	ssyncadd.s32 $0xFFFFB1E0  }
0x6d: {  	[tilespmem:s21], [sflag:$0x9] =	stream.linear.gather [hbm4b:s19+s4], $0x2000, $0x38;
	[tilespmem:$0x1FC40] =	vst v63  }
0x6e: {  	_ =	swait.ge [sflag:s18], $0x2000  }
0x6f: {  	[sflag:s18] =	ssyncset.done $0x0  }
0x70: {  	[sflag:s18] =	ssyncadd.s32 $0xFFFFE000  }
0x71: {  	[spmem:s8] =	stream.linear.scatter [tilespmem:s21], [sflag:$0x9], $0x2000, $0x38;
	[tilespmem:$0x1FC40] =	vst v63  }
0x72: {  	_ =	swait.ge [sflag:s18], $0x2000  }
0x73: {  	[sflag:s18] =	ssyncset.done $0x0  }
0x74: {  	[sflag:s18] =	ssyncadd.s32 $0xFFFFE000  }
0x75: {  	[spmem:s9] =	stream.linear.scatter [tilespmem:s21], [sflag:$0x9], $0x2000, $0x38;
	[tilespmem:$0x1FC40] =	vst v63  }
0x76: {  	_ =	swait.ge [sflag:s18], $0x2000  }
0x77: {  	[sflag:s18] =	ssyncset.done $0x0  }
0x78: {  	[sflag:s18] =	ssyncadd.s32 $0xFFFFE000  }
0x79: {  	[spmem:s10] =	stream.linear.scatter [tilespmem:s21], [sflag:$0x9], $0x2000, $0x38;
	[tilespmem:$0x1FC40] =	vst v63  }
0x7a: {  	_ =	swait.ge [sflag:s18], $0x2000  }
0x7b: {  	[sflag:s18] =	ssyncset.done $0x0  }
0x7c: {  	[sflag:s18] =	ssyncadd.s32 $0xFFFFE000  }
0x7d: {  	[spmem:s14] =	stream.linear.scatter [tilespmem:s21], [sflag:$0x9], $0x2000, $0x38;
	[tilespmem:$0x1FC40] =	vst v63  }
0x7e: {  	_ =	swait.ge [sflag:s18], $0x2000  }
0x7f: {  	[sflag:s18] =	ssyncset.done $0x0  }
0x80: {  	[sflag:s18] =	ssyncadd.s32 $0xFFFFE000  }
0x81: {  	[spmem:s15] =	stream.linear.scatter [tilespmem:s21], [sflag:$0x9], $0x2000, $0x38;
	[tilespmem:$0x1FC40] =	vst v63  }
0x82: {  	_ =	swait.ge [sflag:s18], $0x2000  }
0x83: {  	[sflag:s18] =	ssyncset.done $0x0  }
0x84: {  	s14 =	simm.s32 $0x0;
	[sflag:s18] =	ssyncadd.s32 $0xFFFFE000  }
0x85: {  	v3 =	vld [tilespmem:s14+$0x0]  }
0x86: {  	v4 =	vld [tilespmem:s14+$0x10]  }
0x87: {  	v2 =	vld [tilespmem:s14+$0x20]  }
0x88: {  	s11 =	smov.u32 s8;
	s15 =	simm.s32 $0x140;
	v1 =	vld [tilespmem:s14+$0x30]  }
.LBB2_2:
0x89: {  	p0 =	sne.s32 s15, $0x13740;
	v5 =	vld [tilespmem:s14+$0x40]  }
0x8a: {  	v3 =	vshll.u32 v3, $0x1  }
0x8b: {  	v3 =	vor.u32 v0, v3;
	v4 =	vshll.u32 v4, $0x1  }
.Ltmp2:
0x8c: {  	s16 =	sshra.s32 s15, $0x2;
	[tilespmem:s14+$0x0] =	vst v3;
	v4 =	vor.u32 v0, v4;
	v2 =	vshll.u32 v2, $0x1;
	(pc) =	sbr.rel @p0 .LBB2_2-.Ltmp2, $4  }
0x8d: {  	v3 =	vld [tilespmem:s16+$0x0];
	[tilespmem:s14+$0x10] =	vst v4;
	v2 =	vor.u32 v0, v2;
	v1 =	vshll.u32 v1, $0x1  }
0x8e: {  	v4 =	vld [tilespmem:s16+$0x10];
	[tilespmem:s14+$0x20] =	vst v2;
	v1 =	vor.u32 v0, v1;
	v5 =	vshll.u32 v5, $0x1  }
0x8f: {  	v2 =	vld [tilespmem:s16+$0x20];
	[tilespmem:s14+$0x30] =	vst v1;
	v5 =	vor.u32 v0, v5  }
0x90: {  	s15 =	sadd.s32 $0x140, s15;
	v1 =	vld [tilespmem:s16+$0x30];
	[tilespmem:s14+$0x40] =	vst v5;
	s14 =	smov.u32 s16  }
0x91: {  	v5 =	vld [tilespmem:s14+$0x40]  }
0x92: {  	v3 =	vshll.u32 v3, $0x1  }
0x93: {  	v3 =	vor.u32 v0, v3;
	v4 =	vshll.u32 v4, $0x1  }
0x94: {  	[tilespmem:s14+$0x0] =	vst v3;
	v3 =	vor.u32 v0, v4;
	v2 =	vshll.u32 v2, $0x1  }
0x95: {  	[tilespmem:s14+$0x10] =	vst v3;
	v2 =	vor.u32 v0, v2;
	v1 =	vshll.u32 v1, $0x1  }
0x96: {  	[tilespmem:s14+$0x20] =	vst v2;
	v1 =	vor.u32 v0, v1;
	v2 =	vshll.u32 v5, $0x1  }
0x97: {  	[tilespmem:s14+$0x30] =	vst v1;
	v1 =	vor.u32 v0, v2  }
0x98: {  	[tilespmem:s14+$0x40] =	vst v1  }
0x99: {  	s14 =	simm.s32 $0x0;
	[bflag:$0x0] =	sbarrier.arrive $0xFFFF  }
0x9a: {  	[tilespmem:s23], [sflag:$0x1] =	stream.indirect.gather [hbm4b:s2+s22], $0x40, s14, s22, $0xb8;
	[tilespmem:$0x1FC40] =	vst v63  }
0x9b: {  	_ = 	snop  }
0x9c: {  	[tilespmem:s24], [sflag:$0x2] =	stream.indirect.gather [hbm4b:s2+s22], $0x40, s22, s22, $0xb8;
	[tilespmem:$0x1FC40] =	vst v63  }
0x9d: {  	s4 =	simm.s32 $0xA0  }
0x9e: {  	[tilespmem:s26], [sflag:$0x3] =	stream.indirect.gather [hbm4b:s2+s22], $0x40, s4, s22, $0xb8;
	[tilespmem:$0x1FC40] =	vst v63  }
0x9f: {  	s9 =	simm.s32 $0xF0;
	s7 =	simm.s32 $0x19840  }
0xa0: {  	[tilespmem:s7], [sflag:$0x4] =	stream.indirect.gather [hbm4b:s2+s22], $0x40, s9, s22, $0xb8;
	[tilespmem:$0x1FC40] =	vst v63  }
0xa1: {  	s10 =	simm.s32 $0x140  }
0xa2: {  	[tilespmem:s31], [sflag:$0x5] =	stream.indirect.gather [hbm4b:s2+s22], $0x40, s10, s22, $0xb8;
	[tilespmem:$0x1FC40] =	vst v63  }
0xa3: {  	s15 =	simm.s32 $0x190;
	s16 =	simm.s32 $0x1C040  }
0xa4: {  	[tilespmem:s16], [sflag:$0x6] =	stream.indirect.gather [hbm4b:s2+s22], $0x40, s15, s22, $0xb8;
	[tilespmem:$0x1FC40] =	vst v63  }
0xa5: {  	s17 =	simm.s32 $0x1E0  }
0xa6: {  	[tilespmem:s25], [sflag:$0x7] =	stream.indirect.gather [hbm4b:s2+s22], $0x40, s17, s22, $0xb8;
	[tilespmem:$0x1FC40] =	vst v63  }
0xa7: {  	s19 =	simm.s32 $0x230  }
0xa8: {  	[tilespmem:s29], [sflag:$0x8] =	stream.indirect.gather [hbm4b:s2+s22], $0x40, s19, s22, $0xb8;
	[tilespmem:$0x1FC40] =	vst v63  }
.LBB2_4:
0xa9: {  	_ =	swait.ge [sflag:s30], $0x1400  }
0xaa: {  	s15 =	sshra.s32 s14, $0x2;
	[sflag:s30] =	ssyncset.done $0x0  }
0xab: {  	s16 =	sadd.s32 $0x4E20, s15;
	[sflag:s30] =	ssyncadd.s32 $0xFFFFEC00  }
0xac: {  	[spmem:s3] =	stream.indirect.scatter.add.f32 [tilespmem:s23], [sflag:$0x9], $0x40, s16, s22, $0xb8;
	[tilespmem:$0x1FC40] =	vst v63  }
0xad: {  	_ =	swait.ge [sflag:s18], $0x1400  }
0xae: {  	[sflag:s18] =	ssyncset.done $0x0  }
0xaf: {  	s4 =	sadd.s32 $0x280, s15;
	[sflag:s18] =	ssyncadd.s32 $0xFFFFEC00  }
0xb0: {  	[tilespmem:s23], [sflag:$0x1] =	stream.indirect.gather [hbm4b:s2+s22], $0x40, s4, s22, $0xb8;
	[tilespmem:$0x1FC40] =	vst v63  }
0xb1: {  	_ =	swait.ge [sflag:s0], $0x1400  }
0xb2: {  	[sflag:s0] =	ssyncset.done $0x0  }
0xb3: {  	s7 =	sadd.s32 $0x4E70, s15;
	[sflag:s0] =	ssyncadd.s32 $0xFFFFEC00  }
0xb4: {  	[spmem:s3] =	stream.indirect.scatter.add.f32 [tilespmem:s24], [sflag:$0x9], $0x40, s7, s22, $0xb8;
	[tilespmem:$0x1FC40] =	vst v63  }
0xb5: {  	_ =	swait.ge [sflag:s18], $0x1400  }
0xb6: {  	[sflag:s18] =	ssyncset.done $0x0  }
0xb7: {  	s8 =	sadd.s32 $0x2D0, s15;
	[sflag:s18] =	ssyncadd.s32 $0xFFFFEC00  }
0xb8: {  	[tilespmem:s24], [sflag:$0x2] =	stream.indirect.gather [hbm4b:s2+s22], $0x40, s8, s22, $0xb8;
	[tilespmem:$0x1FC40] =	vst v63  }
0xb9: {  	_ =	swait.ge [sflag:s1], $0x1400  }
0xba: {  	[sflag:s1] =	ssyncset.done $0x0  }
0xbb: {  	s9 =	sadd.s32 $0x4EC0, s15;
	[sflag:s1] =	ssyncadd.s32 $0xFFFFEC00  }
0xbc: {  	[spmem:s3] =	stream.indirect.scatter.add.f32 [tilespmem:s26], [sflag:$0x9], $0x40, s9, s22, $0xb8;
	[tilespmem:$0x1FC40] =	vst v63  }
0xbd: {  	_ =	swait.ge [sflag:s18], $0x1400  }
0xbe: {  	p0 =	seq.s32 s14, $0x12C00;
	[sflag:s18] =	ssyncset.done $0x0  }
0xbf: {  	s16 =	simm.s32 @p0 $0x4;
	[sflag:s18] =	ssyncadd.s32 $0xFFFFEC00  }
0xc0: {  	_ =	swait.ge @p0 [sflag:s16], $0x1400  }
0xc1: {  	[sflag:s16] =	ssyncset.done @p0 $0x0  }
0xc2: {  	[sflag:s16] =	ssyncadd.s32 @p0 $0xFFFFEC00;
	s16 =	sshra.s32 @p0 s14, $0x2  }
0xc3: {  	s19 =	simm.s32 @p0 $0x50;
	s4 =	simm.s32 @p0 $0x19840;
	s17 =	sadd.s32 @p0 $0x4F10, s16  }
0xc4: {  	[spmem:s3] =	stream.indirect.scatter.add.f32 @p0 [tilespmem:s4], [sflag:$0x9], $0x40, s17, s19, $0xb8;
	[tilespmem:$0x1FC40] =	vst v63  }
0xc5: {  	s4 =	simm.s32 @p0 $0x9  }
0xc6: {  	_ =	swait.ge @p0 [sflag:s4], $0x1400  }
0xc7: {  	s8 =	simm.s32 @!p0 $0x50;
	s17 =	sshra.s32 @!p0 s14, $0x2;
	[sflag:s4] =	ssyncset.done @p0 $0x0  }
0xc8: {  	s9 =	simm.s32 @!p0 $0x18440;
	s7 =	sadd.s32 @!p0 $0x320, s17;
	[sflag:s4] =	ssyncadd.s32 @p0 $0xFFFFEC00  }
0xc9: {  	[tilespmem:s9], [sflag:$0x3] =	stream.indirect.gather @!p0 [hbm4b:s2+s8], $0x40, s7, s8, $0xb8;
	[tilespmem:$0x1FC40] =	vst v63  }
0xca: {  	s7 =	simm.s32 @!p0 $0x4  }
0xcb: {  	_ =	swait.ge @!p0 [sflag:s7], $0x1400  }
0xcc: {  	[sflag:s7] =	ssyncset.done @!p0 $0x0  }
0xcd: {  	s9 =	simm.s32 @!p0 $0x19840;
	[sflag:s7] =	ssyncadd.s32 @!p0 $0xFFFFEC00;
	s7 =	sadd.s32 @!p0 $0x4F10, s17  }
0xce: {  	[spmem:s3] =	stream.indirect.scatter.add.f32 @!p0 [tilespmem:s9], [sflag:$0x9], $0x40, s7, s8, $0xb8;
	[tilespmem:$0x1FC40] =	vst v63  }
0xcf: {  	s7 =	simm.s32 @!p0 $0x9  }
0xd0: {  	_ =	swait.ge @!p0 [sflag:s7], $0x1400  }
0xd1: {  	[sflag:s7] =	ssyncset.done @!p0 $0x0  }
0xd2: {  	s10 =	sadd.s32 @!p0 $0x370, s17;
	[sflag:s7] =	ssyncadd.s32 @!p0 $0xFFFFEC00  }
0xd3: {  	[tilespmem:s9], [sflag:$0x4] =	stream.indirect.gather @!p0 [hbm4b:s2+s8], $0x40, s10, s8, $0xb8;
	[tilespmem:$0x1FC40] =	vst v63  }
0xd4: {  	_ =	swait.ge [sflag:s20], $0x1400  }
0xd5: {  	[sflag:s20] =	ssyncset.done $0x0  }
0xd6: {  	s10 =	sadd.s32 $0x4F60, s15;
	[sflag:s20] =	ssyncadd.s32 $0xFFFFEC00  }
0xd7: {  	[spmem:s3] =	stream.indirect.scatter.add.f32 [tilespmem:s31], [sflag:$0x9], $0x40, s10, s22, $0xb8;
	[tilespmem:$0x1FC40] =	vst v63  }
0xd8: {  	_ =	swait.ge [sflag:s18], $0x1400  }
0xd9: {  	[sflag:s18] =	ssyncset.done $0x0  }
0xda: {  	s9 =	simm.s32 @p0 $0x6;
	[sflag:s18] =	ssyncadd.s32 $0xFFFFEC00  }
0xdb: {  	_ =	swait.ge @p0 [sflag:s9], $0x1400  }
0xdc: {  	[sflag:s9] =	ssyncset.done @p0 $0x0  }
0xdd: {  	s10 =	simm.s32 @p0 $0x1C040;
	[sflag:s9] =	ssyncadd.s32 @p0 $0xFFFFEC00;
	s9 =	sadd.s32 @p0 $0x4FB0, s16  }
0xde: {  	[spmem:s3] =	stream.indirect.scatter.add.f32 @p0 [tilespmem:s10], [sflag:$0x9], $0x40, s9, s19, $0xb8;
	[tilespmem:$0x1FC40] =	vst v63  }
0xdf: {  	_ =	swait.ge @p0 [sflag:s4], $0x1400  }
0xe0: {  	[sflag:s4] =	ssyncset.done @p0 $0x0  }
0xe1: {  	s9 =	simm.s32 @!p0 $0x1AC40;
	[sflag:s4] =	ssyncadd.s32 @p0 $0xFFFFEC00;
	s4 =	sadd.s32 @!p0 $0x3C0, s17  }
0xe2: {  	[tilespmem:s9], [sflag:$0x5] =	stream.indirect.gather @!p0 [hbm4b:s2+s8], $0x40, s4, s8, $0xb8;
	[tilespmem:$0x1FC40] =	vst v63  }
0xe3: {  	s4 =	simm.s32 @!p0 $0x6  }
0xe4: {  	_ =	swait.ge @!p0 [sflag:s4], $0x1400  }
0xe5: {  	[sflag:s4] =	ssyncset.done @!p0 $0x0  }
0xe6: {  	s9 =	simm.s32 @!p0 $0x1C040;
	[sflag:s4] =	ssyncadd.s32 @!p0 $0xFFFFEC00;
	s4 =	sadd.s32 @!p0 $0x4FB0, s17  }
0xe7: {  	[spmem:s3] =	stream.indirect.scatter.add.f32 @!p0 [tilespmem:s9], [sflag:$0x9], $0x40, s4, s8, $0xb8;
	[tilespmem:$0x1FC40] =	vst v63  }
0xe8: {  	_ =	swait.ge @!p0 [sflag:s7], $0x1400  }
0xe9: {  	[sflag:s7] =	ssyncset.done @!p0 $0x0  }
0xea: {  	s4 =	sadd.s32 @!p0 $0x410, s17;
	[sflag:s7] =	ssyncadd.s32 @!p0 $0xFFFFEC00  }
0xeb: {  	[tilespmem:s9], [sflag:$0x6] =	stream.indirect.gather @!p0 [hbm4b:s2+s8], $0x40, s4, s8, $0xb8;
	[tilespmem:$0x1FC40] =	vst v63  }
0xec: {  	_ =	swait.ge [sflag:s28], $0x1400  }
0xed: {  	[sflag:s28] =	ssyncset.done $0x0  }
.Ltmp3:
0xee: {  	s19 =	sadd.s32 $0x5000, s15;
	[sflag:s28] =	ssyncadd.s32 $0xFFFFEC00;
	(pc) =	sbr.rel @p0 .LBB2_6-.Ltmp3, $4  }
0xef: {  	[spmem:s3] =	stream.indirect.scatter.add.f32 [tilespmem:s25], [sflag:$0x9], $0x40, s19, s22, $0xb8;
	[tilespmem:$0x1FC40] =	vst v63  }
0xf0: {  	_ =	swait.ge [sflag:s18], $0x1400  }
0xf1: {  	[sflag:s18] =	ssyncset.done $0x0  }
0xf2: {  	s16 =	sadd.s32 $0x5050, s15;
	[sflag:s18] =	ssyncadd.s32 $0xFFFFEC00  }
0xf3: {  	s4 =	sadd.s32 $0x460, s15  }
0xf4: {  	[tilespmem:s25], [sflag:$0x7] =	stream.indirect.gather [hbm4b:s2+s22], $0x40, s4, s22, $0xb8;
	[tilespmem:$0x1FC40] =	vst v63  }
0xf5: {  	_ =	swait.ge [sflag:s5], $0x1400  }
0xf6: {  	[sflag:s5] =	ssyncset.done $0x0  }
0xf7: {  	[sflag:s5] =	ssyncadd.s32 $0xFFFFEC00  }
0xf8: {  	[spmem:s3] =	stream.indirect.scatter.add.f32 [tilespmem:s29], [sflag:$0x9], $0x40, s16, s22, $0xb8;
	[tilespmem:$0x1FC40] =	vst v63  }
.Ltmp4:
0xf9: {  	_ = 	snop;
	(pc) =	sbr.rel .LBB2_4-.Ltmp4, $4  }
0xfa: {  	_ =	swait.ge [sflag:s18], $0x1400  }
0xfb: {  	[sflag:s18] =	ssyncset.done $0x0  }
0xfc: {  	s19 =	sadd.s32 $0x4B0, s15;
	s14 =	sadd.s32 $0xA00, s14;
	[sflag:s18] =	ssyncadd.s32 $0xFFFFEC00  }
0xfd: {  	[tilespmem:s29], [sflag:$0x8] =	stream.indirect.gather [hbm4b:s2+s22], $0x40, s19, s22, $0xb8;
	[tilespmem:$0x1FC40] =	vst v63  }
.LBB2_7:
0xfe: {  	_ =	sfence.sel $0x180000  }
0xff: {  	[bflag:$0x0] =	sbarrier.arrive $0xFFFF  }
0x100: {  	_ =	strace $0x9000004A  }
0x101: {  	s0 =	stileid.u32;
	[bflag:$0x2] =	sbarrier.arrive $0xFFFF  }
0x102: {  	p0 =	sne.s32 s0, $0x0;
	s0 =	rddreg [dreg:$0x3]  }
0x103: {  	s0 =	sadd.s32 @!p0 $0x100000, s0  }
0x104: {  	[sflag:s0] =	ssyncadd.tile.s32 @!p0 $0x1;
	_ =	shalt  }
.Lfunc_end2:
_tile_overlayer_lowered:
.L_overlay_start_2:
0x105: {  	(tag) =	ssettag $0x2  }
0x106: {  	s0 =	rddreg [dreg:$0x0];
	s2 =	stileid.u32  }
0x107: {  	s1 =	rddreg [dreg:$0x1];
	p0 =	sne.s32 s2, $0x0  }
0x108: {  	s3 =	rddreg [dreg:$0x2];
	[bflag:$0x3] =	sbarrier.arrive $0xFFFF;
	s2 =	simm.s32 @!p0 $0x1C09  }
0x109: {  	[timem:s3], [sflag:s2] =	dma.local @!p0 [hbm:s0], s1  }
0x10a: {  	s0 =	simm.s32 @!p0 $0x9  }
0x10b: {  	_ =	swait.ge @!p0 [sflag:s0], s1  }
0x10c: {  	s1 =	ssub.s32 @!p0 $0x0, s1;
	[sflag:s0] =	ssyncset.done @!p0 $0x0  }
0x10d: {  	[sflag:s0] =	ssyncadd.s32 @!p0 s1  }
0x10e: {  	[bflag:$0x3] =	sbarrier.arrive $0xFFFF  }
0x10f: {  	_ =	shalt  }

</sc_bundles>
